<compile_context>
chip_gen: v7x
topology: tpu7x:2x2x1
jax: 0.10.2.dev20260603
libtpu: 0.0.44.dev20260713+nightly
codegen_flags: <defaults>
</compile_context>

<pallas_src>
import jax
import jax.numpy as jnp
from jax import lax
from jax.experimental import pallas as pl
from jax.experimental.pallas import tpu as pltpu
from jax.experimental.pallas import tpu_sc as plsc

N = 10000
E = 320000
IN_DIM = 128
HID = 64

NC = 2
NS = 16
NW = NC * NS
EPW = E // NW
CH = 80
NCHUNK = EPW // CH
NP = 10240
RPW = NP // NS

_mesh = plsc.VectorSubcoreMesh(core_axis_name="c", subcore_axis_name="s",
                               num_cores=NC)



NBUF = 6


def _sc_body(*refs):
    (t_hbm, ei_hbm, z64_hbm, agg_out, src_v, dst_v, *rest) = refs
    bufs = rest[:NBUF]
    acc = rest[NBUF]
    sems = rest[NBUF + 1:]
    sg = sems[:NBUF]
    ss = sems[NBUF:2 * NBUF]

    c = lax.axis_index("c")
    s = lax.axis_index("s")
    wid = c * NS + s

    pltpu.sync_copy(ei_hbm.at[0].at[wid], src_v)
    pltpu.sync_copy(ei_hbm.at[1].at[wid], dst_v)
    pltpu.sync_copy(z64_hbm.at[pl.ds(s * RPW, RPW)],
                    acc.at[pl.ds(s * RPW, RPW)])
    plsc.subcore_barrier()

    def gather(j, buf, sem):
        pltpu.async_copy(t_hbm.at[src_v.at[j]], buf, sem)

    def gwait(buf, sem):
        pltpu.make_async_copy(t_hbm.at[src_v.at[0]], buf, sem).wait()

    def scatter(j, buf, sem):
        pltpu.async_copy(buf, acc.at[dst_v.at[j]], sem, add=True)

    def swait(buf, sem):
        pltpu.make_async_copy(buf, acc.at[dst_v.at[0]], sem).wait()

    FULL = NCHUNK // NBUF
    REM = NCHUNK % NBUF

    for b in range(NBUF):
        gather(b, bufs[b], sg[b])

    def round_(i, carry):
        for b in range(NBUF):
            j = i * NBUF + b
            gwait(bufs[b], sg[b])
            scatter(j, bufs[b], ss[b])
            nxt = j + NBUF

            @pl.when(nxt < NCHUNK)
            def _():
                swait(bufs[b], ss[b])
                gather(nxt, bufs[b], sg[b])
        return carry

    lax.fori_loop(0, FULL, round_, 0)

    for b in range(REM):
        j = FULL * NBUF + b
        gwait(bufs[b], sg[b])
        scatter(j, bufs[b], ss[b])

    for b in range(NBUF):
        swait(bufs[b], ss[b])
    plsc.subcore_barrier()

    pltpu.sync_copy(acc.at[pl.ds(s * RPW, RPW)],
                    agg_out.at[c].at[pl.ds(s * RPW, RPW)])


def _sc_deg_body(ei_hbm, z8_hbm, ones_hbm, deg_out, dst_v, ones_v, degacc, sd):
    LAG = 8
    c = lax.axis_index("c")
    s = lax.axis_index("s")
    wid = c * NS + s

    pltpu.sync_copy(ei_hbm.at[1].at[wid], dst_v)
    pltpu.sync_copy(z8_hbm.at[pl.ds(s * RPW, RPW)],
                    degacc.at[pl.ds(s * RPW, RPW)])
    pltpu.sync_copy(ones_hbm, ones_v)
    plsc.subcore_barrier()

    def deg_wait():
        pltpu.make_async_copy(ones_v, degacc.at[dst_v.at[0]], sd).wait()

    def body(j, carry):
        pltpu.async_copy(ones_v, degacc.at[dst_v.at[j]], sd, add=True)

        @pl.when(j >= LAG)
        def _():
            deg_wait()
        return carry

    lax.fori_loop(0, NCHUNK, body, 0)
    for _ in range(min(LAG, NCHUNK)):
        deg_wait()
    plsc.subcore_barrier()

    pltpu.sync_copy(degacc.at[pl.ds(s * RPW, RPW)],
                    deg_out.at[c].at[pl.ds(s * RPW, RPW)])


def _sc_scratch_common():
    return [
        pltpu.VMEM((NCHUNK, CH), jnp.int32),
        pltpu.VMEM((NCHUNK, CH), jnp.int32),
    ] + [pltpu.VMEM((CH, HID), jnp.float32) for _ in range(NBUF)]


_sc_params = pltpu.CompilerParams(use_tc_tiling_on_sc=False)

_sc_agg = pl.kernel(
    _sc_body,
    out_type=jax.ShapeDtypeStruct((NC, NP, HID), jnp.float32),
    mesh=_mesh,
    compiler_params=_sc_params,
    scratch_types=_sc_scratch_common() + [
        pltpu.VMEM_SHARED((NP, HID), jnp.float32),
    ] + [pltpu.SemaphoreType.DMA] * (2 * NBUF),
)

_sc_deg = pl.kernel(
    _sc_deg_body,
    out_type=jax.ShapeDtypeStruct((NC, NP, 8), jnp.float32),
    mesh=_mesh,
    compiler_params=_sc_params,
    scratch_types=[
        pltpu.VMEM((NCHUNK, CH), jnp.int32),
        pltpu.VMEM((CH, 8), jnp.float32),
        pltpu.VMEM_SHARED((NP, 8), jnp.float32),
        pltpu.SemaphoreType.DMA,
    ],
)



BR = 2000
GRID = N // BR


def _dot_nt(a, w):
    return lax.dot_general(a, w, (((1,), (1,)), ((), ())),
                           preferred_element_type=jnp.float32)


def _proj1_body(x_ref, wl_ref, wr_ref, b_ref, t_ref, r_ref):
    xb = x_ref[...]
    t_ref[...] = _dot_nt(xb, wl_ref[...])
    r_ref[...] = _dot_nt(xb, wr_ref[...]) + b_ref[...]


def _mid_body(agg_ref, deg_ref, r_ref, wl_ref, wr_ref, b_ref, t_ref, r2_ref):
    agg = agg_ref[0] + agg_ref[1]
    deg = deg_ref[0, :, 0:1] + deg_ref[1, :, 0:1]
    h = jnp.maximum(agg / jnp.maximum(deg, 1.0) + r_ref[...], 0.0)
    t_ref[...] = _dot_nt(h, wl_ref[...])
    r2_ref[...] = _dot_nt(h, wr_ref[...]) + b_ref[...]


def _final_body(agg_ref, deg_ref, r_ref, wlin_ref, blin_ref, o_ref):
    agg = agg_ref[0] + agg_ref[1]
    deg = deg_ref[0, :, 0:1] + deg_ref[1, :, 0:1]
    h = jnp.maximum(agg / jnp.maximum(deg, 1.0) + r_ref[...], 0.0)
    o_ref[...] = (jnp.sum(h * wlin_ref[...], axis=1) + blin_ref[0]).reshape(
        1, 1, BR)


def _row_spec(d):
    return pl.BlockSpec((BR, d), lambda i: (i, 0))


def _dup_spec(d):
    return pl.BlockSpec((NC, BR, d), lambda i: (0, i, 0))


def _full_spec(a, b):
    return pl.BlockSpec((a, b), lambda i: (0, 0))


_proj1 = pl.pallas_call(
    _proj1_body,
    grid=(GRID,),
    in_specs=[_row_spec(IN_DIM), _full_spec(HID, IN_DIM),
              _full_spec(HID, IN_DIM), _full_spec(1, HID)],
    out_specs=[_row_spec(HID), _row_spec(HID)],
    out_shape=(jax.ShapeDtypeStruct((N, HID), jnp.float32),
               jax.ShapeDtypeStruct((N, HID), jnp.float32)),
)

_mid = pl.pallas_call(
    _mid_body,
    grid=(GRID,),
    in_specs=[_dup_spec(HID), _dup_spec(8), _row_spec(HID),
              _full_spec(HID, HID), _full_spec(HID, HID), _full_spec(1, HID)],
    out_specs=[_row_spec(HID), _row_spec(HID)],
    out_shape=(jax.ShapeDtypeStruct((N, HID), jnp.float32),
               jax.ShapeDtypeStruct((N, HID), jnp.float32)),
)

_final = pl.pallas_call(
    _final_body,
    grid=(GRID,),
    in_specs=[_dup_spec(HID), _dup_spec(8), _row_spec(HID),
              _full_spec(1, HID), pl.BlockSpec(memory_space=pltpu.SMEM)],
    out_specs=pl.BlockSpec((1, 1, BR), lambda i: (i, 0, 0)),
    out_shape=jax.ShapeDtypeStruct((GRID, 1, BR), jnp.float32),
)



def kernel(x, edge_index, W1_l, b1_l, W1_r, W2_l, b2_l, W2_r, W_lin, b_lin):
    ei = edge_index.astype(jnp.int32).reshape(2, NW, NCHUNK, CH)

    z64 = jnp.zeros((NP, HID), jnp.float32)
    z8 = jnp.zeros((NP, 8), jnp.float32)
    ones8 = jnp.ones((CH, 8), jnp.float32)

    deg = _sc_deg(ei, z8, ones8)
    t1, r1 = _proj1(x, W1_l, W1_r, b1_l.reshape(1, HID))
    t1, deg = lax.optimization_barrier((t1, deg))
    agg1 = _sc_agg(t1, ei, z64)
    t2, r2 = _mid(agg1, deg, r1, W2_l, W2_r, b2_l.reshape(1, HID))
    agg2 = _sc_agg(t2, ei, z64)
    out = _final(agg2, deg, r2, W_lin, b_lin)
    return out.reshape(N)

# --- scband reference (transcript-rebuilt; emitter-appended) ---
"""Pipeline reference for scband-graph-sagebinary-36507222016452 (READ-ONLY COPY).

The authoritative reference and input builder live on the scoring server;
editing this copy changes nothing except your own understanding.
"""

import jax, jax.numpy as jnp
import numpy as np

N_NODES = 10000
N_EDGES = 320000
IN_DIM = 128
HIDDEN = 64


def _glorot(key, shape):
    fan_in, fan_out = shape[1], shape[0]
    lim = float(np.sqrt(6.0 / (fan_in + fan_out)))
    return jax.random.uniform(key, shape, dtype=jnp.float32, minval=-lim, maxval=lim)


def setup_inputs(seed: int = 0) -> dict:
    key = jax.random.key(seed)
    ks = jax.random.split(key, 10)
    x = jax.random.normal(ks[0], (N_NODES, IN_DIM), dtype=jnp.float32)
    edge_index = jax.random.randint(ks[1], (2, N_EDGES), 0, N_NODES, dtype=jnp.int64)
    # SAGEConv 1: lin_l (neighbor aggr, has bias), lin_r (root, no bias)
    W1_l = _glorot(ks[2], (HIDDEN, IN_DIM))
    b1_l = jnp.zeros((HIDDEN,), dtype=jnp.float32)
    W1_r = _glorot(ks[3], (HIDDEN, IN_DIM))
    # SAGEConv 2
    W2_l = _glorot(ks[4], (HIDDEN, HIDDEN))
    b2_l = jnp.zeros((HIDDEN,), dtype=jnp.float32)
    W2_r = _glorot(ks[5], (HIDDEN, HIDDEN))
    # final linear
    W_lin = _glorot(ks[6], (1, HIDDEN))
    b_lin = jnp.zeros((1,), dtype=jnp.float32)
    return {
        "x": x, "edge_index": edge_index,
        "W1_l": W1_l, "b1_l": b1_l, "W1_r": W1_r,
        "W2_l": W2_l, "b2_l": b2_l, "W2_r": W2_r,
        "W_lin": W_lin, "b_lin": b_lin,
    }


def _sage_conv(x, src, dst, Wl, bl, Wr, num_nodes):
    # mean aggregation of source-node features onto destination nodes
    msg = jnp.take(x, src, axis=0)                                   # gather [E, d]
    agg = jax.ops.segment_sum(msg, dst, num_segments=num_nodes)       # scatter-add [N, d]
    ones = jnp.ones((src.shape[0],), dtype=jnp.float32)
    deg = jax.ops.segment_sum(ones, dst, num_segments=num_nodes)      # in-degree [N]
    mean = agg / jnp.maximum(deg, 1.0)[:, None]
    return mean @ Wl.T + bl + x @ Wr.T


def reference(x, edge_index, W1_l, b1_l, W1_r, W2_l, b2_l, W2_r, W_lin, b_lin):
    src = edge_index[0]
    dst = edge_index[1]
    n = x.shape[0]
    h = _sage_conv(x, src, dst, W1_l, b1_l, W1_r, n)
    h = jax.nn.relu(h)  # dropout is identity in eval mode
    h = _sage_conv(h, src, dst, W2_l, b2_l, W2_r, n)
    h = jax.nn.relu(h)
    out = (h @ W_lin.T + b_lin).squeeze(-1)
    return out

if __name__ == "__main__":
    import jax
    _d = setup_inputs()
    print(jax.jit(kernel)(*tuple(_d.values())))

</pallas_src>

<mosaic_0001>
#map = affine_map<(d0, d1) -> (0, 0, 0, 0)>
#map1 = affine_map<(d0, d1) -> (0, 0)>
#map2 = affine_map<(d0, d1) -> (0, 0, 0)>
module attributes {stable_mosaic.version = 14 : i64} {
  func.func @_sc_deg_body(%arg0: i32, %arg1: i32, %arg2: memref<2x32x125x80xi32, #tpu.memory_space<hbm>>, %arg3: memref<10240x8xf32, #tpu.memory_space<hbm>>, %arg4: memref<80x8xf32, #tpu.memory_space<hbm>>, %arg5: memref<2x10240x8xf32, #tpu.memory_space<hbm>>, %arg6: memref<125x80xi32, #tpu.memory_space<vmem>>, %arg7: memref<80x8xf32, #tpu.memory_space<vmem>>, %arg8: memref<10240x8xf32, #tpu.memory_space<vmem_shared>>, %arg9: memref<!tpu.dma_semaphore, #tpu.memory_space<semaphore_mem>>) attributes {dimension_semantics = [#tpu.dimension_semantics<core_parallel>, #tpu.dimension_semantics<subcore_parallel>], iteration_bounds = array<i64: 2, 16>, scalar_prefetch = 0 : i64, scratch_operands = 4 : i64, tpu.core_type = #tpu.core_type<sc_vector_subcore>, window_params = [{transform_indices = #map}, {transform_indices = #map1}, {transform_indices = #map1}, {transform_indices = #map2}]} {
    %mul3A = arith.constant 16 : i32
    %mul3A_0 = arith.muli %arg0, %mul3A : i32
    %add3A = arith.addi %mul3A_0, %arg1 : i32
    %run_scoped3A = arith.constant 1 : i32
    "tpu.region"() ({
      %run_scoped3A_70 = tpu.sem_alloc : memref<!tpu.dma_semaphore, #tpu.memory_space<semaphore_mem>>
      %dma_start3A = arith.constant 0 : i32
      %dma_start3A_71 = arith.constant 0 : i32
      %dma_start3A_72 = arith.constant 0 : i32
      %dma_start3A_73 = tpu.memref_slice %arg2[%run_scoped3A, %dma_start3A, %dma_start3A_71, %dma_start3A_72] : memref<2x32x125x80xi32, #tpu.memory_space<hbm>> -> memref<1x32x125x80xi32, #tpu.memory_space<hbm>>
      %dma_start3A_74 = tpu.memref_squeeze %dma_start3A_73 : memref<1x32x125x80xi32, #tpu.memory_space<hbm>> -> memref<32x125x80xi32, #tpu.memory_space<hbm>>
      %dma_start3A_75 = arith.constant 0 : i32
      %dma_start3A_76 = arith.constant 0 : i32
      %dma_start3A_77 = tpu.memref_slice %dma_start3A_74[%add3A, %dma_start3A_75, %dma_start3A_76] : memref<32x125x80xi32, #tpu.memory_space<hbm>> -> memref<1x125x80xi32, #tpu.memory_space<hbm>>
      %dma_start3A_78 = tpu.memref_squeeze %dma_start3A_77 : memref<1x125x80xi32, #tpu.memory_space<hbm>> -> memref<125x80xi32, #tpu.memory_space<hbm>>
      %dma_start3A_79 = arith.constant 0 : i32
      %dma_start3A_80 = arith.constant 0 : i32
      %dma_start3A_81 = arith.constant 0 : i32
      %dma_start3A_82 = tpu.memref_slice %arg2[%run_scoped3A, %dma_start3A_79, %dma_start3A_80, %dma_start3A_81] : memref<2x32x125x80xi32, #tpu.memory_space<hbm>> -> memref<1x32x125x80xi32, #tpu.memory_space<hbm>>
      %dma_start3A_83 = tpu.memref_squeeze %dma_start3A_82 : memref<1x32x125x80xi32, #tpu.memory_space<hbm>> -> memref<32x125x80xi32, #tpu.memory_space<hbm>>
      %dma_start3A_84 = arith.constant 0 : i32
      %dma_start3A_85 = arith.constant 0 : i32
      %dma_start3A_86 = tpu.memref_slice %dma_start3A_83[%add3A, %dma_start3A_84, %dma_start3A_85] : memref<32x125x80xi32, #tpu.memory_space<hbm>> -> memref<1x125x80xi32, #tpu.memory_space<hbm>>
      %dma_start3A_87 = tpu.memref_squeeze %dma_start3A_86 : memref<1x125x80xi32, #tpu.memory_space<hbm>> -> memref<125x80xi32, #tpu.memory_space<hbm>>
      tpu.enqueue_dma source(%dma_start3A_87 : memref<125x80xi32, #tpu.memory_space<hbm>>) target(%arg6 : memref<125x80xi32, #tpu.memory_space<vmem>>) target_semaphore(%run_scoped3A_70 : memref<!tpu.dma_semaphore, #tpu.memory_space<semaphore_mem>>)
      %dma_wait3A_88 = arith.constant 0 : i32
      %dma_wait3A_89 = arith.constant 0 : i32
      %dma_wait3A_90 = arith.constant 0 : i32
      %dma_wait3A_91 = tpu.memref_slice %arg2[%run_scoped3A, %dma_wait3A_88, %dma_wait3A_89, %dma_wait3A_90] : memref<2x32x125x80xi32, #tpu.memory_space<hbm>> -> memref<1x32x125x80xi32, #tpu.memory_space<hbm>>
      %dma_wait3A_92 = tpu.memref_squeeze %dma_wait3A_91 : memref<1x32x125x80xi32, #tpu.memory_space<hbm>> -> memref<32x125x80xi32, #tpu.memory_space<hbm>>
      %dma_wait3A_93 = arith.constant 0 : i32
      %dma_wait3A_94 = arith.constant 0 : i32
      %dma_wait3A_95 = tpu.memref_slice %dma_wait3A_92[%add3A, %dma_wait3A_93, %dma_wait3A_94] : memref<32x125x80xi32, #tpu.memory_space<hbm>> -> memref<1x125x80xi32, #tpu.memory_space<hbm>>
      %dma_wait3A_96 = tpu.memref_squeeze %dma_wait3A_95 : memref<1x125x80xi32, #tpu.memory_space<hbm>> -> memref<125x80xi32, #tpu.memory_space<hbm>>
      %dma_wait3A_97 = arith.constant 0 : i32
      %dma_wait3A_98 = arith.constant 0 : i32
      %dma_wait3A_99 = arith.constant 0 : i32
      %dma_wait3A_100 = tpu.memref_slice %arg2[%run_scoped3A, %dma_wait3A_97, %dma_wait3A_98, %dma_wait3A_99] : memref<2x32x125x80xi32, #tpu.memory_space<hbm>> -> memref<1x32x125x80xi32, #tpu.memory_space<hbm>>
      %dma_wait3A_101 = tpu.memref_squeeze %dma_wait3A_100 : memref<1x32x125x80xi32, #tpu.memory_space<hbm>> -> memref<32x125x80xi32, #tpu.memory_space<hbm>>
      %dma_wait3A_102 = arith.constant 0 : i32
      %dma_wait3A_103 = arith.constant 0 : i32
      %dma_wait3A_104 = tpu.memref_slice %dma_wait3A_101[%add3A, %dma_wait3A_102, %dma_wait3A_103] : memref<32x125x80xi32, #tpu.memory_space<hbm>> -> memref<1x125x80xi32, #tpu.memory_space<hbm>>
      %dma_wait3A_105 = tpu.memref_squeeze %dma_wait3A_104 : memref<1x125x80xi32, #tpu.memory_space<hbm>> -> memref<125x80xi32, #tpu.memory_space<hbm>>
      tpu.wait_dma2 semaphore(%run_scoped3A_70 : memref<!tpu.dma_semaphore, #tpu.memory_space<semaphore_mem>>) src(%dma_wait3A_105 : memref<125x80xi32, #tpu.memory_space<hbm>>) dst(%arg6 : memref<125x80xi32, #tpu.memory_space<vmem>>)
      tpu.yield
    }) : () -> ()
    %mul3A_1 = arith.constant 640 : i32
    %mul3A_2 = arith.muli %arg1, %mul3A_1 : i32
    %mul3A_3 = arith.constant 640 : i32
    %mul3A_4 = arith.muli %arg1, %mul3A_3 : i32
    "tpu.region"() ({
      %run_scoped3A_70 = tpu.sem_alloc : memref<!tpu.dma_semaphore, #tpu.memory_space<semaphore_mem>>
      %dma_start3A = arith.constant 0 : i32
      %dma_start3A_71 = tpu.memref_slice %arg8[%mul3A_4, %dma_start3A] : memref<10240x8xf32, #tpu.memory_space<vmem_shared>> -> memref<640x8xf32, #tpu.memory_space<vmem_shared>>
      %dma_start3A_72 = arith.constant 0 : i32
      %dma_start3A_73 = tpu.memref_slice %arg3[%mul3A_2, %dma_start3A_72] : memref<10240x8xf32, #tpu.memory_space<hbm>> -> memref<640x8xf32, #tpu.memory_space<hbm>>
      tpu.enqueue_dma source(%dma_start3A_73 : memref<640x8xf32, #tpu.memory_space<hbm>>) target(%dma_start3A_71 : memref<640x8xf32, #tpu.memory_space<vmem_shared>>) target_semaphore(%run_scoped3A_70 : memref<!tpu.dma_semaphore, #tpu.memory_space<semaphore_mem>>)
      %dma_wait3A_74 = arith.constant 0 : i32
      %dma_wait3A_75 = tpu.memref_slice %arg8[%mul3A_4, %dma_wait3A_74] : memref<10240x8xf32, #tpu.memory_space<vmem_shared>> -> memref<640x8xf32, #tpu.memory_space<vmem_shared>>
      %dma_wait3A_76 = arith.constant 0 : i32
      %dma_wait3A_77 = tpu.memref_slice %arg3[%mul3A_2, %dma_wait3A_76] : memref<10240x8xf32, #tpu.memory_space<hbm>> -> memref<640x8xf32, #tpu.memory_space<hbm>>
      tpu.wait_dma2 semaphore(%run_scoped3A_70 : memref<!tpu.dma_semaphore, #tpu.memory_space<semaphore_mem>>) src(%dma_wait3A_77 : memref<640x8xf32, #tpu.memory_space<hbm>>) dst(%dma_wait3A_75 : memref<640x8xf32, #tpu.memory_space<vmem_shared>>)
      tpu.yield
    }) : () -> ()
    "tpu.region"() ({
      %run_scoped3A_70 = tpu.sem_alloc : memref<!tpu.dma_semaphore, #tpu.memory_space<semaphore_mem>>
      tpu.enqueue_dma source(%arg4 : memref<80x8xf32, #tpu.memory_space<hbm>>) target(%arg7 : memref<80x8xf32, #tpu.memory_space<vmem>>) target_semaphore(%run_scoped3A_70 : memref<!tpu.dma_semaphore, #tpu.memory_space<semaphore_mem>>)
      tpu.wait_dma2 semaphore(%run_scoped3A_70 : memref<!tpu.dma_semaphore, #tpu.memory_space<semaphore_mem>>) src(%arg4 : memref<80x8xf32, #tpu.memory_space<hbm>>) dst(%arg7 : memref<80x8xf32, #tpu.memory_space<vmem>>)
      tpu.yield
    }) : () -> ()
    %barrier3A = arith.constant 0 : index
    tpu.barrier barrier_id(%barrier3A)
    %scan3A = arith.constant 0 : i32
    %scan3A_5 = arith.constant 0 : i32
    %scan3A_6 = arith.constant 125 : i32
    %scan3A_7 = arith.addi %scan3A_5, %scan3A_6 : i32
    %scan3A_8 = arith.constant 1 : i32
    scf.for %scan3A_70 = %scan3A_5 to %scan3A_7 step %scan3A_8  : i32 {
      %dma_start3A = arith.constant 0 : i32
      %dma_start3A_71 = tpu.memref_slice %arg6[%scan3A_70, %dma_start3A] : memref<125x80xi32, #tpu.memory_space<vmem>> -> memref<1x80xi32, #tpu.memory_space<vmem>>
      %dma_start3A_72 = tpu.memref_squeeze %dma_start3A_71 : memref<1x80xi32, #tpu.memory_space<vmem>> -> memref<80xi32, #tpu.memory_space<vmem>>
      %dma_start3A_73 = arith.constant 0 : i32
      %dma_start3A_74 = arith.constant 0 : i32
      %dma_start3A_75 = tpu.memref_slice %arg8[%dma_start3A_73, %dma_start3A_74] : memref<10240x8xf32, #tpu.memory_space<vmem_shared>> -> memref<10240x8xf32, #tpu.memory_space<vmem_shared>>
      tpu.enqueue_indirect_dma source(%arg7 : memref<80x8xf32, #tpu.memory_space<vmem>>) target(%dma_start3A_75 : memref<10240x8xf32, #tpu.memory_space<vmem_shared>>) offsets(%dma_start3A_72 : memref<80xi32, #tpu.memory_space<vmem>>) semaphore(%arg9 : memref<!tpu.dma_semaphore, #tpu.memory_space<semaphore_mem>>) {add = true}
      %ge3A = arith.constant 8 : i32
      %ge3A_76 = arith.cmpi sge, %scan3A_70, %ge3A : i32
      %convert_element_type3A = arith.extui %ge3A_76 : i1 to i32
      %cond3A = arith.constant 0 : i32
      %cond3A_77 = arith.cmpi ne, %convert_element_type3A, %cond3A : i32
      scf.if %cond3A_77 {
        %dma_wait3A_78 = arith.constant 0 : i32
        %dma_wait3A_79 = arith.constant 0 : i32
        %dma_wait3A_80 = tpu.memref_slice %arg6[%dma_wait3A_78, %dma_wait3A_79] : memref<125x80xi32, #tpu.memory_space<vmem>> -> memref<1x80xi32, #tpu.memory_space<vmem>>
        %dma_wait3A_81 = tpu.memref_squeeze %dma_wait3A_80 : memref<1x80xi32, #tpu.memory_space<vmem>> -> memref<80xi32, #tpu.memory_space<vmem>>
        %dma_wait3A_82 = arith.constant 0 : i32
        %dma_wait3A_83 = arith.constant 0 : i32
        %dma_wait3A_84 = tpu.memref_slice %arg8[%dma_wait3A_82, %dma_wait3A_83] : memref<10240x8xf32, #tpu.memory_space<vmem_shared>> -> memref<10240x8xf32, #tpu.memory_space<vmem_shared>>
        tpu.wait_indirect_dma semaphore(%arg9 : memref<!tpu.dma_semaphore, #tpu.memory_space<semaphore_mem>>) src(%arg7 : memref<80x8xf32, #tpu.memory_space<vmem>>) dst(%dma_wait3A_84 : memref<10240x8xf32, #tpu.memory_space<vmem_shared>>)
      } else {
      }
    }
    %scan3A_9 = arith.constant 125 : i32
    %dma_wait3A = arith.constant 0 : i32
    %dma_wait3A_10 = arith.constant 0 : i32
    %dma_wait3A_11 = tpu.memref_slice %arg6[%dma_wait3A, %dma_wait3A_10] : memref<125x80xi32, #tpu.memory_space<vmem>> -> memref<1x80xi32, #tpu.memory_space<vmem>>
    %dma_wait3A_12 = tpu.memref_squeeze %dma_wait3A_11 : memref<1x80xi32, #tpu.memory_space<vmem>> -> memref<80xi32, #tpu.memory_space<vmem>>
    %dma_wait3A_13 = arith.constant 0 : i32
    %dma_wait3A_14 = arith.constant 0 : i32
    %dma_wait3A_15 = tpu.memref_slice %arg8[%dma_wait3A_13, %dma_wait3A_14] : memref<10240x8xf32, #tpu.memory_space<vmem_shared>> -> memref<10240x8xf32, #tpu.memory_space<vmem_shared>>
    tpu.wait_indirect_dma semaphore(%arg9 : memref<!tpu.dma_semaphore, #tpu.memory_space<semaphore_mem>>) src(%arg7 : memref<80x8xf32, #tpu.memory_space<vmem>>) dst(%dma_wait3A_15 : memref<10240x8xf32, #tpu.memory_space<vmem_shared>>)
    %dma_wait3A_16 = arith.constant 0 : i32
    %dma_wait3A_17 = arith.constant 0 : i32
    %dma_wait3A_18 = tpu.memref_slice %arg6[%dma_wait3A_16, %dma_wait3A_17] : memref<125x80xi32, #tpu.memory_space<vmem>> -> memref<1x80xi32, #tpu.memory_space<vmem>>
    %dma_wait3A_19 = tpu.memref_squeeze %dma_wait3A_18 : memref<1x80xi32, #tpu.memory_space<vmem>> -> memref<80xi32, #tpu.memory_space<vmem>>
    %dma_wait3A_20 = arith.constant 0 : i32
    %dma_wait3A_21 = arith.constant 0 : i32
    %dma_wait3A_22 = tpu.memref_slice %arg8[%dma_wait3A_20, %dma_wait3A_21] : memref<10240x8xf32, #tpu.memory_space<vmem_shared>> -> memref<10240x8xf32, #tpu.memory_space<vmem_shared>>
    tpu.wait_indirect_dma semaphore(%arg9 : memref<!tpu.dma_semaphore, #tpu.memory_space<semaphore_mem>>) src(%arg7 : memref<80x8xf32, #tpu.memory_space<vmem>>) dst(%dma_wait3A_22 : memref<10240x8xf32, #tpu.memory_space<vmem_shared>>)
    %dma_wait3A_23 = arith.constant 0 : i32
    %dma_wait3A_24 = arith.constant 0 : i32
    %dma_wait3A_25 = tpu.memref_slice %arg6[%dma_wait3A_23, %dma_wait3A_24] : memref<125x80xi32, #tpu.memory_space<vmem>> -> memref<1x80xi32, #tpu.memory_space<vmem>>
    %dma_wait3A_26 = tpu.memref_squeeze %dma_wait3A_25 : memref<1x80xi32, #tpu.memory_space<vmem>> -> memref<80xi32, #tpu.memory_space<vmem>>
    %dma_wait3A_27 = arith.constant 0 : i32
    %dma_wait3A_28 = arith.constant 0 : i32
    %dma_wait3A_29 = tpu.memref_slice %arg8[%dma_wait3A_27, %dma_wait3A_28] : memref<10240x8xf32, #tpu.memory_space<vmem_shared>> -> memref<10240x8xf32, #tpu.memory_space<vmem_shared>>
    tpu.wait_indirect_dma semaphore(%arg9 : memref<!tpu.dma_semaphore, #tpu.memory_space<semaphore_mem>>) src(%arg7 : memref<80x8xf32, #tpu.memory_space<vmem>>) dst(%dma_wait3A_29 : memref<10240x8xf32, #tpu.memory_space<vmem_shared>>)
    %dma_wait3A_30 = arith.constant 0 : i32
    %dma_wait3A_31 = arith.constant 0 : i32
    %dma_wait3A_32 = tpu.memref_slice %arg6[%dma_wait3A_30, %dma_wait3A_31] : memref<125x80xi32, #tpu.memory_space<vmem>> -> memref<1x80xi32, #tpu.memory_space<vmem>>
    %dma_wait3A_33 = tpu.memref_squeeze %dma_wait3A_32 : memref<1x80xi32, #tpu.memory_space<vmem>> -> memref<80xi32, #tpu.memory_space<vmem>>
    %dma_wait3A_34 = arith.constant 0 : i32
    %dma_wait3A_35 = arith.constant 0 : i32
    %dma_wait3A_36 = tpu.memref_slice %arg8[%dma_wait3A_34, %dma_wait3A_35] : memref<10240x8xf32, #tpu.memory_space<vmem_shared>> -> memref<10240x8xf32, #tpu.memory_space<vmem_shared>>
    tpu.wait_indirect_dma semaphore(%arg9 : memref<!tpu.dma_semaphore, #tpu.memory_space<semaphore_mem>>) src(%arg7 : memref<80x8xf32, #tpu.memory_space<vmem>>) dst(%dma_wait3A_36 : memref<10240x8xf32, #tpu.memory_space<vmem_shared>>)
    %dma_wait3A_37 = arith.constant 0 : i32
    %dma_wait3A_38 = arith.constant 0 : i32
    %dma_wait3A_39 = tpu.memref_slice %arg6[%dma_wait3A_37, %dma_wait3A_38] : memref<125x80xi32, #tpu.memory_space<vmem>> -> memref<1x80xi32, #tpu.memory_space<vmem>>
    %dma_wait3A_40 = tpu.memref_squeeze %dma_wait3A_39 : memref<1x80xi32, #tpu.memory_space<vmem>> -> memref<80xi32, #tpu.memory_space<vmem>>
    %dma_wait3A_41 = arith.constant 0 : i32
    %dma_wait3A_42 = arith.constant 0 : i32
    %dma_wait3A_43 = tpu.memref_slice %arg8[%dma_wait3A_41, %dma_wait3A_42] : memref<10240x8xf32, #tpu.memory_space<vmem_shared>> -> memref<10240x8xf32, #tpu.memory_space<vmem_shared>>
    tpu.wait_indirect_dma semaphore(%arg9 : memref<!tpu.dma_semaphore, #tpu.memory_space<semaphore_mem>>) src(%arg7 : memref<80x8xf32, #tpu.memory_space<vmem>>) dst(%dma_wait3A_43 : memref<10240x8xf32, #tpu.memory_space<vmem_shared>>)
    %dma_wait3A_44 = arith.constant 0 : i32
    %dma_wait3A_45 = arith.constant 0 : i32
    %dma_wait3A_46 = tpu.memref_slice %arg6[%dma_wait3A_44, %dma_wait3A_45] : memref<125x80xi32, #tpu.memory_space<vmem>> -> memref<1x80xi32, #tpu.memory_space<vmem>>
    %dma_wait3A_47 = tpu.memref_squeeze %dma_wait3A_46 : memref<1x80xi32, #tpu.memory_space<vmem>> -> memref<80xi32, #tpu.memory_space<vmem>>
    %dma_wait3A_48 = arith.constant 0 : i32
    %dma_wait3A_49 = arith.constant 0 : i32
    %dma_wait3A_50 = tpu.memref_slice %arg8[%dma_wait3A_48, %dma_wait3A_49] : memref<10240x8xf32, #tpu.memory_space<vmem_shared>> -> memref<10240x8xf32, #tpu.memory_space<vmem_shared>>
    tpu.wait_indirect_dma semaphore(%arg9 : memref<!tpu.dma_semaphore, #tpu.memory_space<semaphore_mem>>) src(%arg7 : memref<80x8xf32, #tpu.memory_space<vmem>>) dst(%dma_wait3A_50 : memref<10240x8xf32, #tpu.memory_space<vmem_shared>>)
    %dma_wait3A_51 = arith.constant 0 : i32
    %dma_wait3A_52 = arith.constant 0 : i32
    %dma_wait3A_53 = tpu.memref_slice %arg6[%dma_wait3A_51, %dma_wait3A_52] : memref<125x80xi32, #tpu.memory_space<vmem>> -> memref<1x80xi32, #tpu.memory_space<vmem>>
    %dma_wait3A_54 = tpu.memref_squeeze %dma_wait3A_53 : memref<1x80xi32, #tpu.memory_space<vmem>> -> memref<80xi32, #tpu.memory_space<vmem>>
    %dma_wait3A_55 = arith.constant 0 : i32
    %dma_wait3A_56 = arith.constant 0 : i32
    %dma_wait3A_57 = tpu.memref_slice %arg8[%dma_wait3A_55, %dma_wait3A_56] : memref<10240x8xf32, #tpu.memory_space<vmem_shared>> -> memref<10240x8xf32, #tpu.memory_space<vmem_shared>>
    tpu.wait_indirect_dma semaphore(%arg9 : memref<!tpu.dma_semaphore, #tpu.memory_space<semaphore_mem>>) src(%arg7 : memref<80x8xf32, #tpu.memory_space<vmem>>) dst(%dma_wait3A_57 : memref<10240x8xf32, #tpu.memory_space<vmem_shared>>)
    %dma_wait3A_58 = arith.constant 0 : i32
    %dma_wait3A_59 = arith.constant 0 : i32
    %dma_wait3A_60 = tpu.memref_slice %arg6[%dma_wait3A_58, %dma_wait3A_59] : memref<125x80xi32, #tpu.memory_space<vmem>> -> memref<1x80xi32, #tpu.memory_space<vmem>>
    %dma_wait3A_61 = tpu.memref_squeeze %dma_wait3A_60 : memref<1x80xi32, #tpu.memory_space<vmem>> -> memref<80xi32, #tpu.memory_space<vmem>>
    %dma_wait3A_62 = arith.constant 0 : i32
    %dma_wait3A_63 = arith.constant 0 : i32
    %dma_wait3A_64 = tpu.memref_slice %arg8[%dma_wait3A_62, %dma_wait3A_63] : memref<10240x8xf32, #tpu.memory_space<vmem_shared>> -> memref<10240x8xf32, #tpu.memory_space<vmem_shared>>
    tpu.wait_indirect_dma semaphore(%arg9 : memref<!tpu.dma_semaphore, #tpu.memory_space<semaphore_mem>>) src(%arg7 : memref<80x8xf32, #tpu.memory_space<vmem>>) dst(%dma_wait3A_64 : memref<10240x8xf32, #tpu.memory_space<vmem_shared>>)
    %barrier3A_65 = arith.constant 0 : index
    tpu.barrier barrier_id(%barrier3A_65)
    %mul3A_66 = arith.constant 640 : i32
    %mul3A_67 = arith.muli %arg1, %mul3A_66 : i32
    %mul3A_68 = arith.constant 640 : i32
    %mul3A_69 = arith.muli %arg1, %mul3A_68 : i32
    "tpu.region"() ({
      %run_scoped3A_70 = tpu.sem_alloc : memref<!tpu.dma_semaphore, #tpu.memory_space<semaphore_mem>>
      %dma_start3A = arith.constant 0 : i32
      %dma_start3A_71 = arith.constant 0 : i32
      %dma_start3A_72 = tpu.memref_slice %arg5[%arg0, %dma_start3A, %dma_start3A_71] : memref<2x10240x8xf32, #tpu.memory_space<hbm>> -> memref<1x10240x8xf32, #tpu.memory_space<hbm>>
      %dma_start3A_73 = tpu.memref_squeeze %dma_start3A_72 : memref<1x10240x8xf32, #tpu.memory_space<hbm>> -> memref<10240x8xf32, #tpu.memory_space<hbm>>
      %dma_start3A_74 = arith.constant 0 : i32
      %dma_start3A_75 = tpu.memref_slice %dma_start3A_73[%mul3A_69, %dma_start3A_74] : memref<10240x8xf32, #tpu.memory_space<hbm>> -> memref<640x8xf32, #tpu.memory_space<hbm>>
      %dma_start3A_76 = arith.constant 0 : i32
      %dma_start3A_77 = tpu.memref_slice %arg8[%mul3A_67, %dma_start3A_76] : memref<10240x8xf32, #tpu.memory_space<vmem_shared>> -> memref<640x8xf32, #tpu.memory_space<vmem_shared>>
      tpu.enqueue_dma source(%dma_start3A_77 : memref<640x8xf32, #tpu.memory_space<vmem_shared>>) target(%dma_start3A_75 : memref<640x8xf32, #tpu.memory_space<hbm>>) target_semaphore(%run_scoped3A_70 : memref<!tpu.dma_semaphore, #tpu.memory_space<semaphore_mem>>)
      %dma_wait3A_78 = arith.constant 0 : i32
      %dma_wait3A_79 = arith.constant 0 : i32
      %dma_wait3A_80 = tpu.memref_slice %arg5[%arg0, %dma_wait3A_78, %dma_wait3A_79] : memref<2x10240x8xf32, #tpu.memory_space<hbm>> -> memref<1x10240x8xf32, #tpu.memory_space<hbm>>
      %dma_wait3A_81 = tpu.memref_squeeze %dma_wait3A_80 : memref<1x10240x8xf32, #tpu.memory_space<hbm>> -> memref<10240x8xf32, #tpu.memory_space<hbm>>
      %dma_wait3A_82 = arith.constant 0 : i32
      %dma_wait3A_83 = tpu.memref_slice %dma_wait3A_81[%mul3A_69, %dma_wait3A_82] : memref<10240x8xf32, #tpu.memory_space<hbm>> -> memref<640x8xf32, #tpu.memory_space<hbm>>
      %dma_wait3A_84 = arith.constant 0 : i32
      %dma_wait3A_85 = tpu.memref_slice %arg8[%mul3A_67, %dma_wait3A_84] : memref<10240x8xf32, #tpu.memory_space<vmem_shared>> -> memref<640x8xf32, #tpu.memory_space<vmem_shared>>
      tpu.wait_dma2 semaphore(%run_scoped3A_70 : memref<!tpu.dma_semaphore, #tpu.memory_space<semaphore_mem>>) src(%dma_wait3A_85 : memref<640x8xf32, #tpu.memory_space<vmem_shared>>) dst(%dma_wait3A_83 : memref<640x8xf32, #tpu.memory_space<hbm>>)
      tpu.yield
    }) : () -> ()
    return
  }
}

#map = affine_map<(d0, d1) -> (0, 0)>
#map1 = affine_map<(d0, d1) -> (0, 0, 0, 0)>
#map2 = affine_map<(d0, d1) -> (0, 0, 0)>
module attributes {stable_mosaic.version = 14 : i64} {
  func.func @_sc_body(%arg0: i32, %arg1: i32, %arg2: memref<10000x64xf32, #tpu.memory_space<hbm>>, %arg3: memref<2x32x125x80xi32, #tpu.memory_space<hbm>>, %arg4: memref<10240x64xf32, #tpu.memory_space<hbm>>, %arg5: memref<2x10240x64xf32, #tpu.memory_space<hbm>>, %arg6: memref<125x80xi32, #tpu.memory_space<vmem>>, %arg7: memref<125x80xi32, #tpu.memory_space<vmem>>, %arg8: memref<80x64xf32, #tpu.memory_space<vmem>>, %arg9: memref<80x64xf32, #tpu.memory_space<vmem>>, %arg10: memref<80x64xf32, #tpu.memory_space<vmem>>, %arg11: memref<80x64xf32, #tpu.memory_space<vmem>>, %arg12: memref<80x64xf32, #tpu.memory_space<vmem>>, %arg13: memref<80x64xf32, #tpu.memory_space<vmem>>, %arg14: memref<10240x64xf32, #tpu.memory_space<vmem_shared>>, %arg15: memref<!tpu.dma_semaphore, #tpu.memory_space<semaphore_mem>>, %arg16: memref<!tpu.dma_semaphore, #tpu.memory_space<semaphore_mem>>, %arg17: memref<!tpu.dma_semaphore, #tpu.memory_space<semaphore_mem>>, %arg18: memref<!tpu.dma_semaphore, #tpu.memory_space<semaphore_mem>>, %arg19: memref<!tpu.dma_semaphore, #tpu.memory_space<semaphore_mem>>, %arg20: memref<!tpu.dma_semaphore, #tpu.memory_space<semaphore_mem>>, %arg21: memref<!tpu.dma_semaphore, #tpu.memory_space<semaphore_mem>>, %arg22: memref<!tpu.dma_semaphore, #tpu.memory_space<semaphore_mem>>, %arg23: memref<!tpu.dma_semaphore, #tpu.memory_space<semaphore_mem>>, %arg24: memref<!tpu.dma_semaphore, #tpu.memory_space<semaphore_mem>>, %arg25: memref<!tpu.dma_semaphore, #tpu.memory_space<semaphore_mem>>, %arg26: memref<!tpu.dma_semaphore, #tpu.memory_space<semaphore_mem>>) attributes {dimension_semantics = [#tpu.dimension_semantics<core_parallel>, #tpu.dimension_semantics<subcore_parallel>], iteration_bounds = array<i64: 2, 16>, scalar_prefetch = 0 : i64, scratch_operands = 21 : i64, tpu.core_type = #tpu.core_type<sc_vector_subcore>, window_params = [{transform_indices = #map}, {transform_indices = #map1}, {transform_indices = #map}, {transform_indices = #map2}]} {
    %mul3A = arith.constant 16 : i32
    %mul3A_0 = arith.muli %arg0, %mul3A : i32
    %add3A = arith.addi %mul3A_0, %arg1 : i32
    %run_scoped3A = arith.constant 0 : i32
    "tpu.region"() ({
      %run_scoped3A_168 = tpu.sem_alloc : memref<!tpu.dma_semaphore, #tpu.memory_space<semaphore_mem>>
      %dma_start3A_169 = arith.constant 0 : i32
      %dma_start3A_170 = arith.constant 0 : i32
      %dma_start3A_171 = arith.constant 0 : i32
      %dma_start3A_172 = tpu.memref_slice %arg3[%run_scoped3A, %dma_start3A_169, %dma_start3A_170, %dma_start3A_171] : memref<2x32x125x80xi32, #tpu.memory_space<hbm>> -> memref<1x32x125x80xi32, #tpu.memory_space<hbm>>
      %dma_start3A_173 = tpu.memref_squeeze %dma_start3A_172 : memref<1x32x125x80xi32, #tpu.memory_space<hbm>> -> memref<32x125x80xi32, #tpu.memory_space<hbm>>
      %dma_start3A_174 = arith.constant 0 : i32
      %dma_start3A_175 = arith.constant 0 : i32
      %dma_start3A_176 = tpu.memref_slice %dma_start3A_173[%add3A, %dma_start3A_174, %dma_start3A_175] : memref<32x125x80xi32, #tpu.memory_space<hbm>> -> memref<1x125x80xi32, #tpu.memory_space<hbm>>
      %dma_start3A_177 = tpu.memref_squeeze %dma_start3A_176 : memref<1x125x80xi32, #tpu.memory_space<hbm>> -> memref<125x80xi32, #tpu.memory_space<hbm>>
      %dma_start3A_178 = arith.constant 0 : i32
      %dma_start3A_179 = arith.constant 0 : i32
      %dma_start3A_180 = arith.constant 0 : i32
      %dma_start3A_181 = tpu.memref_slice %arg3[%run_scoped3A, %dma_start3A_178, %dma_start3A_179, %dma_start3A_180] : memref<2x32x125x80xi32, #tpu.memory_space<hbm>> -> memref<1x32x125x80xi32, #tpu.memory_space<hbm>>
      %dma_start3A_182 = tpu.memref_squeeze %dma_start3A_181 : memref<1x32x125x80xi32, #tpu.memory_space<hbm>> -> memref<32x125x80xi32, #tpu.memory_space<hbm>>
      %dma_start3A_183 = arith.constant 0 : i32
      %dma_start3A_184 = arith.constant 0 : i32
      %dma_start3A_185 = tpu.memref_slice %dma_start3A_182[%add3A, %dma_start3A_183, %dma_start3A_184] : memref<32x125x80xi32, #tpu.memory_space<hbm>> -> memref<1x125x80xi32, #tpu.memory_space<hbm>>
      %dma_start3A_186 = tpu.memref_squeeze %dma_start3A_185 : memref<1x125x80xi32, #tpu.memory_space<hbm>> -> memref<125x80xi32, #tpu.memory_space<hbm>>
      tpu.enqueue_dma source(%dma_start3A_186 : memref<125x80xi32, #tpu.memory_space<hbm>>) target(%arg6 : memref<125x80xi32, #tpu.memory_space<vmem>>) target_semaphore(%run_scoped3A_168 : memref<!tpu.dma_semaphore, #tpu.memory_space<semaphore_mem>>)
      %dma_wait3A_187 = arith.constant 0 : i32
      %dma_wait3A_188 = arith.constant 0 : i32
      %dma_wait3A_189 = arith.constant 0 : i32
      %dma_wait3A_190 = tpu.memref_slice %arg3[%run_scoped3A, %dma_wait3A_187, %dma_wait3A_188, %dma_wait3A_189] : memref<2x32x125x80xi32, #tpu.memory_space<hbm>> -> memref<1x32x125x80xi32, #tpu.memory_space<hbm>>
      %dma_wait3A_191 = tpu.memref_squeeze %dma_wait3A_190 : memref<1x32x125x80xi32, #tpu.memory_space<hbm>> -> memref<32x125x80xi32, #tpu.memory_space<hbm>>
      %dma_wait3A_192 = arith.constant 0 : i32
      %dma_wait3A_193 = arith.constant 0 : i32
      %dma_wait3A_194 = tpu.memref_slice %dma_wait3A_191[%add3A, %dma_wait3A_192, %dma_wait3A_193] : memref<32x125x80xi32, #tpu.memory_space<hbm>> -> memref<1x125x80xi32, #tpu.memory_space<hbm>>
      %dma_wait3A_195 = tpu.memref_squeeze %dma_wait3A_194 : memref<1x125x80xi32, #tpu.memory_space<hbm>> -> memref<125x80xi32, #tpu.memory_space<hbm>>
      %dma_wait3A_196 = arith.constant 0 : i32
      %dma_wait3A_197 = arith.constant 0 : i32
      %dma_wait3A_198 = arith.constant 0 : i32
      %dma_wait3A_199 = tpu.memref_slice %arg3[%run_scoped3A, %dma_wait3A_196, %dma_wait3A_197, %dma_wait3A_198] : memref<2x32x125x80xi32, #tpu.memory_space<hbm>> -> memref<1x32x125x80xi32, #tpu.memory_space<hbm>>
      %dma_wait3A_200 = tpu.memref_squeeze %dma_wait3A_199 : memref<1x32x125x80xi32, #tpu.memory_space<hbm>> -> memref<32x125x80xi32, #tpu.memory_space<hbm>>
      %dma_wait3A_201 = arith.constant 0 : i32
      %dma_wait3A_202 = arith.constant 0 : i32
      %dma_wait3A_203 = tpu.memref_slice %dma_wait3A_200[%add3A, %dma_wait3A_201, %dma_wait3A_202] : memref<32x125x80xi32, #tpu.memory_space<hbm>> -> memref<1x125x80xi32, #tpu.memory_space<hbm>>
      %dma_wait3A_204 = tpu.memref_squeeze %dma_wait3A_203 : memref<1x125x80xi32, #tpu.memory_space<hbm>> -> memref<125x80xi32, #tpu.memory_space<hbm>>
      tpu.wait_dma2 semaphore(%run_scoped3A_168 : memref<!tpu.dma_semaphore, #tpu.memory_space<semaphore_mem>>) src(%dma_wait3A_204 : memref<125x80xi32, #tpu.memory_space<hbm>>) dst(%arg6 : memref<125x80xi32, #tpu.memory_space<vmem>>)
      tpu.yield
    }) : () -> ()
    %run_scoped3A_1 = arith.constant 1 : i32
    "tpu.region"() ({
      %run_scoped3A_168 = tpu.sem_alloc : memref<!tpu.dma_semaphore, #tpu.memory_space<semaphore_mem>>
      %dma_start3A_169 = arith.constant 0 : i32
      %dma_start3A_170 = arith.constant 0 : i32
      %dma_start3A_171 = arith.constant 0 : i32
      %dma_start3A_172 = tpu.memref_slice %arg3[%run_scoped3A_1, %dma_start3A_169, %dma_start3A_170, %dma_start3A_171] : memref<2x32x125x80xi32, #tpu.memory_space<hbm>> -> memref<1x32x125x80xi32, #tpu.memory_space<hbm>>
      %dma_start3A_173 = tpu.memref_squeeze %dma_start3A_172 : memref<1x32x125x80xi32, #tpu.memory_space<hbm>> -> memref<32x125x80xi32, #tpu.memory_space<hbm>>
      %dma_start3A_174 = arith.constant 0 : i32
      %dma_start3A_175 = arith.constant 0 : i32
      %dma_start3A_176 = tpu.memref_slice %dma_start3A_173[%add3A, %dma_start3A_174, %dma_start3A_175] : memref<32x125x80xi32, #tpu.memory_space<hbm>> -> memref<1x125x80xi32, #tpu.memory_space<hbm>>
      %dma_start3A_177 = tpu.memref_squeeze %dma_start3A_176 : memref<1x125x80xi32, #tpu.memory_space<hbm>> -> memref<125x80xi32, #tpu.memory_space<hbm>>
      %dma_start3A_178 = arith.constant 0 : i32
      %dma_start3A_179 = arith.constant 0 : i32
      %dma_start3A_180 = arith.constant 0 : i32
      %dma_start3A_181 = tpu.memref_slice %arg3[%run_scoped3A_1, %dma_start3A_178, %dma_start3A_179, %dma_start3A_180] : memref<2x32x125x80xi32, #tpu.memory_space<hbm>> -> memref<1x32x125x80xi32, #tpu.memory_space<hbm>>
      %dma_start3A_182 = tpu.memref_squeeze %dma_start3A_181 : memref<1x32x125x80xi32, #tpu.memory_space<hbm>> -> memref<32x125x80xi32, #tpu.memory_space<hbm>>
      %dma_start3A_183 = arith.constant 0 : i32
      %dma_start3A_184 = arith.constant 0 : i32
      %dma_start3A_185 = tpu.memref_slice %dma_start3A_182[%add3A, %dma_start3A_183, %dma_start3A_184] : memref<32x125x80xi32, #tpu.memory_space<hbm>> -> memref<1x125x80xi32, #tpu.memory_space<hbm>>
      %dma_start3A_186 = tpu.memref_squeeze %dma_start3A_185 : memref<1x125x80xi32, #tpu.memory_space<hbm>> -> memref<125x80xi32, #tpu.memory_space<hbm>>
      tpu.enqueue_dma source(%dma_start3A_186 : memref<125x80xi32, #tpu.memory_space<hbm>>) target(%arg7 : memref<125x80xi32, #tpu.memory_space<vmem>>) target_semaphore(%run_scoped3A_168 : memref<!tpu.dma_semaphore, #tpu.memory_space<semaphore_mem>>)
      %dma_wait3A_187 = arith.constant 0 : i32
      %dma_wait3A_188 = arith.constant 0 : i32
      %dma_wait3A_189 = arith.constant 0 : i32
      %dma_wait3A_190 = tpu.memref_slice %arg3[%run_scoped3A_1, %dma_wait3A_187, %dma_wait3A_188, %dma_wait3A_189] : memref<2x32x125x80xi32, #tpu.memory_space<hbm>> -> memref<1x32x125x80xi32, #tpu.memory_space<hbm>>
      %dma_wait3A_191 = tpu.memref_squeeze %dma_wait3A_190 : memref<1x32x125x80xi32, #tpu.memory_space<hbm>> -> memref<32x125x80xi32, #tpu.memory_space<hbm>>
      %dma_wait3A_192 = arith.constant 0 : i32
      %dma_wait3A_193 = arith.constant 0 : i32
      %dma_wait3A_194 = tpu.memref_slice %dma_wait3A_191[%add3A, %dma_wait3A_192, %dma_wait3A_193] : memref<32x125x80xi32, #tpu.memory_space<hbm>> -> memref<1x125x80xi32, #tpu.memory_space<hbm>>
      %dma_wait3A_195 = tpu.memref_squeeze %dma_wait3A_194 : memref<1x125x80xi32, #tpu.memory_space<hbm>> -> memref<125x80xi32, #tpu.memory_space<hbm>>
      %dma_wait3A_196 = arith.constant 0 : i32
      %dma_wait3A_197 = arith.constant 0 : i32
      %dma_wait3A_198 = arith.constant 0 : i32
      %dma_wait3A_199 = tpu.memref_slice %arg3[%run_scoped3A_1, %dma_wait3A_196, %dma_wait3A_197, %dma_wait3A_198] : memref<2x32x125x80xi32, #tpu.memory_space<hbm>> -> memref<1x32x125x80xi32, #tpu.memory_space<hbm>>
      %dma_wait3A_200 = tpu.memref_squeeze %dma_wait3A_199 : memref<1x32x125x80xi32, #tpu.memory_space<hbm>> -> memref<32x125x80xi32, #tpu.memory_space<hbm>>
      %dma_wait3A_201 = arith.constant 0 : i32
      %dma_wait3A_202 = arith.constant 0 : i32
      %dma_wait3A_203 = tpu.memref_slice %dma_wait3A_200[%add3A, %dma_wait3A_201, %dma_wait3A_202] : memref<32x125x80xi32, #tpu.memory_space<hbm>> -> memref<1x125x80xi32, #tpu.memory_space<hbm>>
      %dma_wait3A_204 = tpu.memref_squeeze %dma_wait3A_203 : memref<1x125x80xi32, #tpu.memory_space<hbm>> -> memref<125x80xi32, #tpu.memory_space<hbm>>
      tpu.wait_dma2 semaphore(%run_scoped3A_168 : memref<!tpu.dma_semaphore, #tpu.memory_space<semaphore_mem>>) src(%dma_wait3A_204 : memref<125x80xi32, #tpu.memory_space<hbm>>) dst(%arg7 : memref<125x80xi32, #tpu.memory_space<vmem>>)
      tpu.yield
    }) : () -> ()
    %mul3A_2 = arith.constant 640 : i32
    %mul3A_3 = arith.muli %arg1, %mul3A_2 : i32
    %mul3A_4 = arith.constant 640 : i32
    %mul3A_5 = arith.muli %arg1, %mul3A_4 : i32
    "tpu.region"() ({
      %run_scoped3A_168 = tpu.sem_alloc : memref<!tpu.dma_semaphore, #tpu.memory_space<semaphore_mem>>
      %dma_start3A_169 = arith.constant 0 : i32
      %dma_start3A_170 = tpu.memref_slice %arg14[%mul3A_5, %dma_start3A_169] : memref<10240x64xf32, #tpu.memory_space<vmem_shared>> -> memref<640x64xf32, #tpu.memory_space<vmem_shared>>
      %dma_start3A_171 = arith.constant 0 : i32
      %dma_start3A_172 = tpu.memref_slice %arg4[%mul3A_3, %dma_start3A_171] : memref<10240x64xf32, #tpu.memory_space<hbm>> -> memref<640x64xf32, #tpu.memory_space<hbm>>
      tpu.enqueue_dma source(%dma_start3A_172 : memref<640x64xf32, #tpu.memory_space<hbm>>) target(%dma_start3A_170 : memref<640x64xf32, #tpu.memory_space<vmem_shared>>) target_semaphore(%run_scoped3A_168 : memref<!tpu.dma_semaphore, #tpu.memory_space<semaphore_mem>>)
      %dma_wait3A_173 = arith.constant 0 : i32
      %dma_wait3A_174 = tpu.memref_slice %arg14[%mul3A_5, %dma_wait3A_173] : memref<10240x64xf32, #tpu.memory_space<vmem_shared>> -> memref<640x64xf32, #tpu.memory_space<vmem_shared>>
      %dma_wait3A_175 = arith.constant 0 : i32
      %dma_wait3A_176 = tpu.memref_slice %arg4[%mul3A_3, %dma_wait3A_175] : memref<10240x64xf32, #tpu.memory_space<hbm>> -> memref<640x64xf32, #tpu.memory_space<hbm>>
      tpu.wait_dma2 semaphore(%run_scoped3A_168 : memref<!tpu.dma_semaphore, #tpu.memory_space<semaphore_mem>>) src(%dma_wait3A_176 : memref<640x64xf32, #tpu.memory_space<hbm>>) dst(%dma_wait3A_174 : memref<640x64xf32, #tpu.memory_space<vmem_shared>>)
      tpu.yield
    }) : () -> ()
    %barrier3A = arith.constant 0 : index
    tpu.barrier barrier_id(%barrier3A)
    %dma_start3A = arith.constant 0 : i32
    %dma_start3A_6 = arith.constant 0 : i32
    %dma_start3A_7 = tpu.memref_slice %arg6[%dma_start3A, %dma_start3A_6] : memref<125x80xi32, #tpu.memory_space<vmem>> -> memref<1x80xi32, #tpu.memory_space<vmem>>
    %dma_start3A_8 = tpu.memref_squeeze %dma_start3A_7 : memref<1x80xi32, #tpu.memory_space<vmem>> -> memref<80xi32, #tpu.memory_space<vmem>>
    %dma_start3A_9 = arith.constant 0 : i32
    %dma_start3A_10 = arith.constant 0 : i32
    %dma_start3A_11 = tpu.memref_slice %arg2[%dma_start3A_9, %dma_start3A_10] : memref<10000x64xf32, #tpu.memory_space<hbm>> -> memref<10000x64xf32, #tpu.memory_space<hbm>>
    tpu.enqueue_indirect_dma source(%dma_start3A_11 : memref<10000x64xf32, #tpu.memory_space<hbm>>) target(%arg8 : memref<80x64xf32, #tpu.memory_space<vmem>>) offsets(%dma_start3A_8 : memref<80xi32, #tpu.memory_space<vmem>>) semaphore(%arg15 : memref<!tpu.dma_semaphore, #tpu.memory_space<semaphore_mem>>)
    %dma_start3A_12 = arith.constant 1 : i32
    %dma_start3A_13 = arith.constant 0 : i32
    %dma_start3A_14 = tpu.memref_slice %arg6[%dma_start3A_12, %dma_start3A_13] : memref<125x80xi32, #tpu.memory_space<vmem>> -> memref<1x80xi32, #tpu.memory_space<vmem>>
    %dma_start3A_15 = tpu.memref_squeeze %dma_start3A_14 : memref<1x80xi32, #tpu.memory_space<vmem>> -> memref<80xi32, #tpu.memory_space<vmem>>
    %dma_start3A_16 = arith.constant 0 : i32
    %dma_start3A_17 = arith.constant 0 : i32
    %dma_start3A_18 = tpu.memref_slice %arg2[%dma_start3A_16, %dma_start3A_17] : memref<10000x64xf32, #tpu.memory_space<hbm>> -> memref<10000x64xf32, #tpu.memory_space<hbm>>
    tpu.enqueue_indirect_dma source(%dma_start3A_18 : memref<10000x64xf32, #tpu.memory_space<hbm>>) target(%arg9 : memref<80x64xf32, #tpu.memory_space<vmem>>) offsets(%dma_start3A_15 : memref<80xi32, #tpu.memory_space<vmem>>) semaphore(%arg16 : memref<!tpu.dma_semaphore, #tpu.memory_space<semaphore_mem>>)
    %dma_start3A_19 = arith.constant 2 : i32
    %dma_start3A_20 = arith.constant 0 : i32
    %dma_start3A_21 = tpu.memref_slice %arg6[%dma_start3A_19, %dma_start3A_20] : memref<125x80xi32, #tpu.memory_space<vmem>> -> memref<1x80xi32, #tpu.memory_space<vmem>>
    %dma_start3A_22 = tpu.memref_squeeze %dma_start3A_21 : memref<1x80xi32, #tpu.memory_space<vmem>> -> memref<80xi32, #tpu.memory_space<vmem>>
    %dma_start3A_23 = arith.constant 0 : i32
    %dma_start3A_24 = arith.constant 0 : i32
    %dma_start3A_25 = tpu.memref_slice %arg2[%dma_start3A_23, %dma_start3A_24] : memref<10000x64xf32, #tpu.memory_space<hbm>> -> memref<10000x64xf32, #tpu.memory_space<hbm>>
    tpu.enqueue_indirect_dma source(%dma_start3A_25 : memref<10000x64xf32, #tpu.memory_space<hbm>>) target(%arg10 : memref<80x64xf32, #tpu.memory_space<vmem>>) offsets(%dma_start3A_22 : memref<80xi32, #tpu.memory_space<vmem>>) semaphore(%arg17 : memref<!tpu.dma_semaphore, #tpu.memory_space<semaphore_mem>>)
    %dma_start3A_26 = arith.constant 3 : i32
    %dma_start3A_27 = arith.constant 0 : i32
    %dma_start3A_28 = tpu.memref_slice %arg6[%dma_start3A_26, %dma_start3A_27] : memref<125x80xi32, #tpu.memory_space<vmem>> -> memref<1x80xi32, #tpu.memory_space<vmem>>
    %dma_start3A_29 = tpu.memref_squeeze %dma_start3A_28 : memref<1x80xi32, #tpu.memory_space<vmem>> -> memref<80xi32, #tpu.memory_space<vmem>>
    %dma_start3A_30 = arith.constant 0 : i32
    %dma_start3A_31 = arith.constant 0 : i32
    %dma_start3A_32 = tpu.memref_slice %arg2[%dma_start3A_30, %dma_start3A_31] : memref<10000x64xf32, #tpu.memory_space<hbm>> -> memref<10000x64xf32, #tpu.memory_space<hbm>>
    tpu.enqueue_indirect_dma source(%dma_start3A_32 : memref<10000x64xf32, #tpu.memory_space<hbm>>) target(%arg11 : memref<80x64xf32, #tpu.memory_space<vmem>>) offsets(%dma_start3A_29 : memref<80xi32, #tpu.memory_space<vmem>>) semaphore(%arg18 : memref<!tpu.dma_semaphore, #tpu.memory_space<semaphore_mem>>)
    %dma_start3A_33 = arith.constant 4 : i32
    %dma_start3A_34 = arith.constant 0 : i32
    %dma_start3A_35 = tpu.memref_slice %arg6[%dma_start3A_33, %dma_start3A_34] : memref<125x80xi32, #tpu.memory_space<vmem>> -> memref<1x80xi32, #tpu.memory_space<vmem>>
    %dma_start3A_36 = tpu.memref_squeeze %dma_start3A_35 : memref<1x80xi32, #tpu.memory_space<vmem>> -> memref<80xi32, #tpu.memory_space<vmem>>
    %dma_start3A_37 = arith.constant 0 : i32
    %dma_start3A_38 = arith.constant 0 : i32
    %dma_start3A_39 = tpu.memref_slice %arg2[%dma_start3A_37, %dma_start3A_38] : memref<10000x64xf32, #tpu.memory_space<hbm>> -> memref<10000x64xf32, #tpu.memory_space<hbm>>
    tpu.enqueue_indirect_dma source(%dma_start3A_39 : memref<10000x64xf32, #tpu.memory_space<hbm>>) target(%arg12 : memref<80x64xf32, #tpu.memory_space<vmem>>) offsets(%dma_start3A_36 : memref<80xi32, #tpu.memory_space<vmem>>) semaphore(%arg19 : memref<!tpu.dma_semaphore, #tpu.memory_space<semaphore_mem>>)
    %dma_start3A_40 = arith.constant 5 : i32
    %dma_start3A_41 = arith.constant 0 : i32
    %dma_start3A_42 = tpu.memref_slice %arg6[%dma_start3A_40, %dma_start3A_41] : memref<125x80xi32, #tpu.memory_space<vmem>> -> memref<1x80xi32, #tpu.memory_space<vmem>>
    %dma_start3A_43 = tpu.memref_squeeze %dma_start3A_42 : memref<1x80xi32, #tpu.memory_space<vmem>> -> memref<80xi32, #tpu.memory_space<vmem>>
    %dma_start3A_44 = arith.constant 0 : i32
    %dma_start3A_45 = arith.constant 0 : i32
    %dma_start3A_46 = tpu.memref_slice %arg2[%dma_start3A_44, %dma_start3A_45] : memref<10000x64xf32, #tpu.memory_space<hbm>> -> memref<10000x64xf32, #tpu.memory_space<hbm>>
    tpu.enqueue_indirect_dma source(%dma_start3A_46 : memref<10000x64xf32, #tpu.memory_space<hbm>>) target(%arg13 : memref<80x64xf32, #tpu.memory_space<vmem>>) offsets(%dma_start3A_43 : memref<80xi32, #tpu.memory_space<vmem>>) semaphore(%arg20 : memref<!tpu.dma_semaphore, #tpu.memory_space<semaphore_mem>>)
    %scan3A = arith.constant 0 : i32
    %scan3A_47 = arith.constant 0 : i32
    %scan3A_48 = arith.constant 20 : i32
    %scan3A_49 = arith.addi %scan3A_47, %scan3A_48 : i32
    %scan3A_50 = arith.constant 1 : i32
    scf.for %scan3A_168 = %scan3A_47 to %scan3A_49 step %scan3A_50  : i32 {
      %mul3A_169 = arith.constant 6 : i32
      %mul3A_170 = arith.muli %scan3A_168, %mul3A_169 : i32
      %add3A_171 = arith.constant 0 : i32
      %add3A_172 = arith.addi %mul3A_170, %add3A_171 : i32
      %dma_wait3A_173 = arith.constant 0 : i32
      %dma_wait3A_174 = arith.constant 0 : i32
      %dma_wait3A_175 = tpu.memref_slice %arg6[%dma_wait3A_173, %dma_wait3A_174] : memref<125x80xi32, #tpu.memory_space<vmem>> -> memref<1x80xi32, #tpu.memory_space<vmem>>
      %dma_wait3A_176 = tpu.memref_squeeze %dma_wait3A_175 : memref<1x80xi32, #tpu.memory_space<vmem>> -> memref<80xi32, #tpu.memory_space<vmem>>
      %dma_wait3A_177 = arith.constant 0 : i32
      %dma_wait3A_178 = arith.constant 0 : i32
      %dma_wait3A_179 = tpu.memref_slice %arg2[%dma_wait3A_177, %dma_wait3A_178] : memref<10000x64xf32, #tpu.memory_space<hbm>> -> memref<10000x64xf32, #tpu.memory_space<hbm>>
      tpu.wait_indirect_dma semaphore(%arg15 : memref<!tpu.dma_semaphore, #tpu.memory_space<semaphore_mem>>) src(%dma_wait3A_179 : memref<10000x64xf32, #tpu.memory_space<hbm>>) dst(%arg8 : memref<80x64xf32, #tpu.memory_space<vmem>>)
      %dma_start3A_180 = arith.constant 0 : i32
      %dma_start3A_181 = tpu.memref_slice %arg7[%add3A_172, %dma_start3A_180] : memref<125x80xi32, #tpu.memory_space<vmem>> -> memref<1x80xi32, #tpu.memory_space<vmem>>
      %dma_start3A_182 = tpu.memref_squeeze %dma_start3A_181 : memref<1x80xi32, #tpu.memory_space<vmem>> -> memref<80xi32, #tpu.memory_space<vmem>>
      %dma_start3A_183 = arith.constant 0 : i32
      %dma_start3A_184 = arith.constant 0 : i32
      %dma_start3A_185 = tpu.memref_slice %arg14[%dma_start3A_183, %dma_start3A_184] : memref<10240x64xf32, #tpu.memory_space<vmem_shared>> -> memref<10240x64xf32, #tpu.memory_space<vmem_shared>>
      tpu.enqueue_indirect_dma source(%arg8 : memref<80x64xf32, #tpu.memory_space<vmem>>) target(%dma_start3A_185 : memref<10240x64xf32, #tpu.memory_space<vmem_shared>>) offsets(%dma_start3A_182 : memref<80xi32, #tpu.memory_space<vmem>>) semaphore(%arg21 : memref<!tpu.dma_semaphore, #tpu.memory_space<semaphore_mem>>) {add = true}
      %add3A_186 = arith.constant 6 : i32
      %add3A_187 = arith.addi %add3A_172, %add3A_186 : i32
      %lt3A = arith.constant 125 : i32
      %lt3A_188 = arith.cmpi slt, %add3A_187, %lt3A : i32
      %convert_element_type3A = arith.extui %lt3A_188 : i1 to i32
      %cond3A = arith.constant 0 : i32
      %cond3A_189 = arith.cmpi ne, %convert_element_type3A, %cond3A : i32
      scf.if %cond3A_189 {
        %dma_wait3A_310 = arith.constant 0 : i32
        %dma_wait3A_311 = arith.constant 0 : i32
        %dma_wait3A_312 = tpu.memref_slice %arg7[%dma_wait3A_310, %dma_wait3A_311] : memref<125x80xi32, #tpu.memory_space<vmem>> -> memref<1x80xi32, #tpu.memory_space<vmem>>
        %dma_wait3A_313 = tpu.memref_squeeze %dma_wait3A_312 : memref<1x80xi32, #tpu.memory_space<vmem>> -> memref<80xi32, #tpu.memory_space<vmem>>
        %dma_wait3A_314 = arith.constant 0 : i32
        %dma_wait3A_315 = arith.constant 0 : i32
        %dma_wait3A_316 = tpu.memref_slice %arg14[%dma_wait3A_314, %dma_wait3A_315] : memref<10240x64xf32, #tpu.memory_space<vmem_shared>> -> memref<10240x64xf32, #tpu.memory_space<vmem_shared>>
        tpu.wait_indirect_dma semaphore(%arg21 : memref<!tpu.dma_semaphore, #tpu.memory_space<semaphore_mem>>) src(%arg8 : memref<80x64xf32, #tpu.memory_space<vmem>>) dst(%dma_wait3A_316 : memref<10240x64xf32, #tpu.memory_space<vmem_shared>>)
        %dma_start3A_317 = arith.constant 0 : i32
        %dma_start3A_318 = tpu.memref_slice %arg6[%add3A_187, %dma_start3A_317] : memref<125x80xi32, #tpu.memory_space<vmem>> -> memref<1x80xi32, #tpu.memory_space<vmem>>
        %dma_start3A_319 = tpu.memref_squeeze %dma_start3A_318 : memref<1x80xi32, #tpu.memory_space<vmem>> -> memref<80xi32, #tpu.memory_space<vmem>>
        %dma_start3A_320 = arith.constant 0 : i32
        %dma_start3A_321 = arith.constant 0 : i32
        %dma_start3A_322 = tpu.memref_slice %arg2[%dma_start3A_320, %dma_start3A_321] : memref<10000x64xf32, #tpu.memory_space<hbm>> -> memref<10000x64xf32, #tpu.memory_space<hbm>>
        tpu.enqueue_indirect_dma source(%dma_start3A_322 : memref<10000x64xf32, #tpu.memory_space<hbm>>) target(%arg8 : memref<80x64xf32, #tpu.memory_space<vmem>>) offsets(%dma_start3A_319 : memref<80xi32, #tpu.memory_space<vmem>>) semaphore(%arg15 : memref<!tpu.dma_semaphore, #tpu.memory_space<semaphore_mem>>)
      } else {
      }
      %mul3A_190 = arith.constant 6 : i32
      %mul3A_191 = arith.muli %scan3A_168, %mul3A_190 : i32
      %add3A_192 = arith.constant 1 : i32
      %add3A_193 = arith.addi %mul3A_191, %add3A_192 : i32
      %dma_wait3A_194 = arith.constant 0 : i32
      %dma_wait3A_195 = arith.constant 0 : i32
      %dma_wait3A_196 = tpu.memref_slice %arg6[%dma_wait3A_194, %dma_wait3A_195] : memref<125x80xi32, #tpu.memory_space<vmem>> -> memref<1x80xi32, #tpu.memory_space<vmem>>
      %dma_wait3A_197 = tpu.memref_squeeze %dma_wait3A_196 : memref<1x80xi32, #tpu.memory_space<vmem>> -> memref<80xi32, #tpu.memory_space<vmem>>
      %dma_wait3A_198 = arith.constant 0 : i32
      %dma_wait3A_199 = arith.constant 0 : i32
      %dma_wait3A_200 = tpu.memref_slice %arg2[%dma_wait3A_198, %dma_wait3A_199] : memref<10000x64xf32, #tpu.memory_space<hbm>> -> memref<10000x64xf32, #tpu.memory_space<hbm>>
      tpu.wait_indirect_dma semaphore(%arg16 : memref<!tpu.dma_semaphore, #tpu.memory_space<semaphore_mem>>) src(%dma_wait3A_200 : memref<10000x64xf32, #tpu.memory_space<hbm>>) dst(%arg9 : memref<80x64xf32, #tpu.memory_space<vmem>>)
      %dma_start3A_201 = arith.constant 0 : i32
      %dma_start3A_202 = tpu.memref_slice %arg7[%add3A_193, %dma_start3A_201] : memref<125x80xi32, #tpu.memory_space<vmem>> -> memref<1x80xi32, #tpu.memory_space<vmem>>
      %dma_start3A_203 = tpu.memref_squeeze %dma_start3A_202 : memref<1x80xi32, #tpu.memory_space<vmem>> -> memref<80xi32, #tpu.memory_space<vmem>>
      %dma_start3A_204 = arith.constant 0 : i32
      %dma_start3A_205 = arith.constant 0 : i32
      %dma_start3A_206 = tpu.memref_slice %arg14[%dma_start3A_204, %dma_start3A_205] : memref<10240x64xf32, #tpu.memory_space<vmem_shared>> -> memref<10240x64xf32, #tpu.memory_space<vmem_shared>>
      tpu.enqueue_indirect_dma source(%arg9 : memref<80x64xf32, #tpu.memory_space<vmem>>) target(%dma_start3A_206 : memref<10240x64xf32, #tpu.memory_space<vmem_shared>>) offsets(%dma_start3A_203 : memref<80xi32, #tpu.memory_space<vmem>>) semaphore(%arg22 : memref<!tpu.dma_semaphore, #tpu.memory_space<semaphore_mem>>) {add = true}
      %add3A_207 = arith.constant 6 : i32
      %add3A_208 = arith.addi %add3A_193, %add3A_207 : i32
      %lt3A_209 = arith.constant 125 : i32
      %lt3A_210 = arith.cmpi slt, %add3A_208, %lt3A_209 : i32
      %convert_element_type3A_211 = arith.extui %lt3A_210 : i1 to i32
      %cond3A_212 = arith.constant 0 : i32
      %cond3A_213 = arith.cmpi ne, %convert_element_type3A_211, %cond3A_212 : i32
      scf.if %cond3A_213 {
        %dma_wait3A_310 = arith.constant 0 : i32
        %dma_wait3A_311 = arith.constant 0 : i32
        %dma_wait3A_312 = tpu.memref_slice %arg7[%dma_wait3A_310, %dma_wait3A_311] : memref<125x80xi32, #tpu.memory_space<vmem>> -> memref<1x80xi32, #tpu.memory_space<vmem>>
        %dma_wait3A_313 = tpu.memref_squeeze %dma_wait3A_312 : memref<1x80xi32, #tpu.memory_space<vmem>> -> memref<80xi32, #tpu.memory_space<vmem>>
        %dma_wait3A_314 = arith.constant 0 : i32
        %dma_wait3A_315 = arith.constant 0 : i32
        %dma_wait3A_316 = tpu.memref_slice %arg14[%dma_wait3A_314, %dma_wait3A_315] : memref<10240x64xf32, #tpu.memory_space<vmem_shared>> -> memref<10240x64xf32, #tpu.memory_space<vmem_shared>>
        tpu.wait_indirect_dma semaphore(%arg22 : memref<!tpu.dma_semaphore, #tpu.memory_space<semaphore_mem>>) src(%arg9 : memref<80x64xf32, #tpu.memory_space<vmem>>) dst(%dma_wait3A_316 : memref<10240x64xf32, #tpu.memory_space<vmem_shared>>)
        %dma_start3A_317 = arith.constant 0 : i32
        %dma_start3A_318 = tpu.memref_slice %arg6[%add3A_208, %dma_start3A_317] : memref<125x80xi32, #tpu.memory_space<vmem>> -> memref<1x80xi32, #tpu.memory_space<vmem>>
        %dma_start3A_319 = tpu.memref_squeeze %dma_start3A_318 : memref<1x80xi32, #tpu.memory_space<vmem>> -> memref<80xi32, #tpu.memory_space<vmem>>
        %dma_start3A_320 = arith.constant 0 : i32
        %dma_start3A_321 = arith.constant 0 : i32
        %dma_start3A_322 = tpu.memref_slice %arg2[%dma_start3A_320, %dma_start3A_321] : memref<10000x64xf32, #tpu.memory_space<hbm>> -> memref<10000x64xf32, #tpu.memory_space<hbm>>
        tpu.enqueue_indirect_dma source(%dma_start3A_322 : memref<10000x64xf32, #tpu.memory_space<hbm>>) target(%arg9 : memref<80x64xf32, #tpu.memory_space<vmem>>) offsets(%dma_start3A_319 : memref<80xi32, #tpu.memory_space<vmem>>) semaphore(%arg16 : memref<!tpu.dma_semaphore, #tpu.memory_space<semaphore_mem>>)
      } else {
      }
      %mul3A_214 = arith.constant 6 : i32
      %mul3A_215 = arith.muli %scan3A_168, %mul3A_214 : i32
      %add3A_216 = arith.constant 2 : i32
      %add3A_217 = arith.addi %mul3A_215, %add3A_216 : i32
      %dma_wait3A_218 = arith.constant 0 : i32
      %dma_wait3A_219 = arith.constant 0 : i32
      %dma_wait3A_220 = tpu.memref_slice %arg6[%dma_wait3A_218, %dma_wait3A_219] : memref<125x80xi32, #tpu.memory_space<vmem>> -> memref<1x80xi32, #tpu.memory_space<vmem>>
      %dma_wait3A_221 = tpu.memref_squeeze %dma_wait3A_220 : memref<1x80xi32, #tpu.memory_space<vmem>> -> memref<80xi32, #tpu.memory_space<vmem>>
      %dma_wait3A_222 = arith.constant 0 : i32
      %dma_wait3A_223 = arith.constant 0 : i32
      %dma_wait3A_224 = tpu.memref_slice %arg2[%dma_wait3A_222, %dma_wait3A_223] : memref<10000x64xf32, #tpu.memory_space<hbm>> -> memref<10000x64xf32, #tpu.memory_space<hbm>>
      tpu.wait_indirect_dma semaphore(%arg17 : memref<!tpu.dma_semaphore, #tpu.memory_space<semaphore_mem>>) src(%dma_wait3A_224 : memref<10000x64xf32, #tpu.memory_space<hbm>>) dst(%arg10 : memref<80x64xf32, #tpu.memory_space<vmem>>)
      %dma_start3A_225 = arith.constant 0 : i32
      %dma_start3A_226 = tpu.memref_slice %arg7[%add3A_217, %dma_start3A_225] : memref<125x80xi32, #tpu.memory_space<vmem>> -> memref<1x80xi32, #tpu.memory_space<vmem>>
      %dma_start3A_227 = tpu.memref_squeeze %dma_start3A_226 : memref<1x80xi32, #tpu.memory_space<vmem>> -> memref<80xi32, #tpu.memory_space<vmem>>
      %dma_start3A_228 = arith.constant 0 : i32
      %dma_start3A_229 = arith.constant 0 : i32
      %dma_start3A_230 = tpu.memref_slice %arg14[%dma_start3A_228, %dma_start3A_229] : memref<10240x64xf32, #tpu.memory_space<vmem_shared>> -> memref<10240x64xf32, #tpu.memory_space<vmem_shared>>
      tpu.enqueue_indirect_dma source(%arg10 : memref<80x64xf32, #tpu.memory_space<vmem>>) target(%dma_start3A_230 : memref<10240x64xf32, #tpu.memory_space<vmem_shared>>) offsets(%dma_start3A_227 : memref<80xi32, #tpu.memory_space<vmem>>) semaphore(%arg23 : memref<!tpu.dma_semaphore, #tpu.memory_space<semaphore_mem>>) {add = true}
      %add3A_231 = arith.constant 6 : i32
      %add3A_232 = arith.addi %add3A_217, %add3A_231 : i32
      %lt3A_233 = arith.constant 125 : i32
      %lt3A_234 = arith.cmpi slt, %add3A_232, %lt3A_233 : i32
      %convert_element_type3A_235 = arith.extui %lt3A_234 : i1 to i32
      %cond3A_236 = arith.constant 0 : i32
      %cond3A_237 = arith.cmpi ne, %convert_element_type3A_235, %cond3A_236 : i32
      scf.if %cond3A_237 {
        %dma_wait3A_310 = arith.constant 0 : i32
        %dma_wait3A_311 = arith.constant 0 : i32
        %dma_wait3A_312 = tpu.memref_slice %arg7[%dma_wait3A_310, %dma_wait3A_311] : memref<125x80xi32, #tpu.memory_space<vmem>> -> memref<1x80xi32, #tpu.memory_space<vmem>>
        %dma_wait3A_313 = tpu.memref_squeeze %dma_wait3A_312 : memref<1x80xi32, #tpu.memory_space<vmem>> -> memref<80xi32, #tpu.memory_space<vmem>>
        %dma_wait3A_314 = arith.constant 0 : i32
        %dma_wait3A_315 = arith.constant 0 : i32
        %dma_wait3A_316 = tpu.memref_slice %arg14[%dma_wait3A_314, %dma_wait3A_315] : memref<10240x64xf32, #tpu.memory_space<vmem_shared>> -> memref<10240x64xf32, #tpu.memory_space<vmem_shared>>
        tpu.wait_indirect_dma semaphore(%arg23 : memref<!tpu.dma_semaphore, #tpu.memory_space<semaphore_mem>>) src(%arg10 : memref<80x64xf32, #tpu.memory_space<vmem>>) dst(%dma_wait3A_316 : memref<10240x64xf32, #tpu.memory_space<vmem_shared>>)
        %dma_start3A_317 = arith.constant 0 : i32
        %dma_start3A_318 = tpu.memref_slice %arg6[%add3A_232, %dma_start3A_317] : memref<125x80xi32, #tpu.memory_space<vmem>> -> memref<1x80xi32, #tpu.memory_space<vmem>>
        %dma_start3A_319 = tpu.memref_squeeze %dma_start3A_318 : memref<1x80xi32, #tpu.memory_space<vmem>> -> memref<80xi32, #tpu.memory_space<vmem>>
        %dma_start3A_320 = arith.constant 0 : i32
        %dma_start3A_321 = arith.constant 0 : i32
        %dma_start3A_322 = tpu.memref_slice %arg2[%dma_start3A_320, %dma_start3A_321] : memref<10000x64xf32, #tpu.memory_space<hbm>> -> memref<10000x64xf32, #tpu.memory_space<hbm>>
        tpu.enqueue_indirect_dma source(%dma_start3A_322 : memref<10000x64xf32, #tpu.memory_space<hbm>>) target(%arg10 : memref<80x64xf32, #tpu.memory_space<vmem>>) offsets(%dma_start3A_319 : memref<80xi32, #tpu.memory_space<vmem>>) semaphore(%arg17 : memref<!tpu.dma_semaphore, #tpu.memory_space<semaphore_mem>>)
      } else {
      }
      %mul3A_238 = arith.constant 6 : i32
      %mul3A_239 = arith.muli %scan3A_168, %mul3A_238 : i32
      %add3A_240 = arith.constant 3 : i32
      %add3A_241 = arith.addi %mul3A_239, %add3A_240 : i32
      %dma_wait3A_242 = arith.constant 0 : i32
      %dma_wait3A_243 = arith.constant 0 : i32
      %dma_wait3A_244 = tpu.memref_slice %arg6[%dma_wait3A_242, %dma_wait3A_243] : memref<125x80xi32, #tpu.memory_space<vmem>> -> memref<1x80xi32, #tpu.memory_space<vmem>>
      %dma_wait3A_245 = tpu.memref_squeeze %dma_wait3A_244 : memref<1x80xi32, #tpu.memory_space<vmem>> -> memref<80xi32, #tpu.memory_space<vmem>>
      %dma_wait3A_246 = arith.constant 0 : i32
      %dma_wait3A_247 = arith.constant 0 : i32
      %dma_wait3A_248 = tpu.memref_slice %arg2[%dma_wait3A_246, %dma_wait3A_247] : memref<10000x64xf32, #tpu.memory_space<hbm>> -> memref<10000x64xf32, #tpu.memory_space<hbm>>
      tpu.wait_indirect_dma semaphore(%arg18 : memref<!tpu.dma_semaphore, #tpu.memory_space<semaphore_mem>>) src(%dma_wait3A_248 : memref<10000x64xf32, #tpu.memory_space<hbm>>) dst(%arg11 : memref<80x64xf32, #tpu.memory_space<vmem>>)
      %dma_start3A_249 = arith.constant 0 : i32
      %dma_start3A_250 = tpu.memref_slice %arg7[%add3A_241, %dma_start3A_249] : memref<125x80xi32, #tpu.memory_space<vmem>> -> memref<1x80xi32, #tpu.memory_space<vmem>>
      %dma_start3A_251 = tpu.memref_squeeze %dma_start3A_250 : memref<1x80xi32, #tpu.memory_space<vmem>> -> memref<80xi32, #tpu.memory_space<vmem>>
      %dma_start3A_252 = arith.constant 0 : i32
      %dma_start3A_253 = arith.constant 0 : i32
      %dma_start3A_254 = tpu.memref_slice %arg14[%dma_start3A_252, %dma_start3A_253] : memref<10240x64xf32, #tpu.memory_space<vmem_shared>> -> memref<10240x64xf32, #tpu.memory_space<vmem_shared>>
      tpu.enqueue_indirect_dma source(%arg11 : memref<80x64xf32, #tpu.memory_space<vmem>>) target(%dma_start3A_254 : memref<10240x64xf32, #tpu.memory_space<vmem_shared>>) offsets(%dma_start3A_251 : memref<80xi32, #tpu.memory_space<vmem>>) semaphore(%arg24 : memref<!tpu.dma_semaphore, #tpu.memory_space<semaphore_mem>>) {add = true}
      %add3A_255 = arith.constant 6 : i32
      %add3A_256 = arith.addi %add3A_241, %add3A_255 : i32
      %lt3A_257 = arith.constant 125 : i32
      %lt3A_258 = arith.cmpi slt, %add3A_256, %lt3A_257 : i32
      %convert_element_type3A_259 = arith.extui %lt3A_258 : i1 to i32
      %cond3A_260 = arith.constant 0 : i32
      %cond3A_261 = arith.cmpi ne, %convert_element_type3A_259, %cond3A_260 : i32
      scf.if %cond3A_261 {
        %dma_wait3A_310 = arith.constant 0 : i32
        %dma_wait3A_311 = arith.constant 0 : i32
        %dma_wait3A_312 = tpu.memref_slice %arg7[%dma_wait3A_310, %dma_wait3A_311] : memref<125x80xi32, #tpu.memory_space<vmem>> -> memref<1x80xi32, #tpu.memory_space<vmem>>
        %dma_wait3A_313 = tpu.memref_squeeze %dma_wait3A_312 : memref<1x80xi32, #tpu.memory_space<vmem>> -> memref<80xi32, #tpu.memory_space<vmem>>
        %dma_wait3A_314 = arith.constant 0 : i32
        %dma_wait3A_315 = arith.constant 0 : i32
        %dma_wait3A_316 = tpu.memref_slice %arg14[%dma_wait3A_314, %dma_wait3A_315] : memref<10240x64xf32, #tpu.memory_space<vmem_shared>> -> memref<10240x64xf32, #tpu.memory_space<vmem_shared>>
        tpu.wait_indirect_dma semaphore(%arg24 : memref<!tpu.dma_semaphore, #tpu.memory_space<semaphore_mem>>) src(%arg11 : memref<80x64xf32, #tpu.memory_space<vmem>>) dst(%dma_wait3A_316 : memref<10240x64xf32, #tpu.memory_space<vmem_shared>>)
        %dma_start3A_317 = arith.constant 0 : i32
        %dma_start3A_318 = tpu.memref_slice %arg6[%add3A_256, %dma_start3A_317] : memref<125x80xi32, #tpu.memory_space<vmem>> -> memref<1x80xi32, #tpu.memory_space<vmem>>
        %dma_start3A_319 = tpu.memref_squeeze %dma_start3A_318 : memref<1x80xi32, #tpu.memory_space<vmem>> -> memref<80xi32, #tpu.memory_space<vmem>>
        %dma_start3A_320 = arith.constant 0 : i32
        %dma_start3A_321 = arith.constant 0 : i32
        %dma_start3A_322 = tpu.memref_slice %arg2[%dma_start3A_320, %dma_start3A_321] : memref<10000x64xf32, #tpu.memory_space<hbm>> -> memref<10000x64xf32, #tpu.memory_space<hbm>>
        tpu.enqueue_indirect_dma source(%dma_start3A_322 : memref<10000x64xf32, #tpu.memory_space<hbm>>) target(%arg11 : memref<80x64xf32, #tpu.memory_space<vmem>>) offsets(%dma_start3A_319 : memref<80xi32, #tpu.memory_space<vmem>>) semaphore(%arg18 : memref<!tpu.dma_semaphore, #tpu.memory_space<semaphore_mem>>)
      } else {
      }
      %mul3A_262 = arith.constant 6 : i32
      %mul3A_263 = arith.muli %scan3A_168, %mul3A_262 : i32
      %add3A_264 = arith.constant 4 : i32
      %add3A_265 = arith.addi %mul3A_263, %add3A_264 : i32
      %dma_wait3A_266 = arith.constant 0 : i32
      %dma_wait3A_267 = arith.constant 0 : i32
      %dma_wait3A_268 = tpu.memref_slice %arg6[%dma_wait3A_266, %dma_wait3A_267] : memref<125x80xi32, #tpu.memory_space<vmem>> -> memref<1x80xi32, #tpu.memory_space<vmem>>
      %dma_wait3A_269 = tpu.memref_squeeze %dma_wait3A_268 : memref<1x80xi32, #tpu.memory_space<vmem>> -> memref<80xi32, #tpu.memory_space<vmem>>
      %dma_wait3A_270 = arith.constant 0 : i32
      %dma_wait3A_271 = arith.constant 0 : i32
      %dma_wait3A_272 = tpu.memref_slice %arg2[%dma_wait3A_270, %dma_wait3A_271] : memref<10000x64xf32, #tpu.memory_space<hbm>> -> memref<10000x64xf32, #tpu.memory_space<hbm>>
      tpu.wait_indirect_dma semaphore(%arg19 : memref<!tpu.dma_semaphore, #tpu.memory_space<semaphore_mem>>) src(%dma_wait3A_272 : memref<10000x64xf32, #tpu.memory_space<hbm>>) dst(%arg12 : memref<80x64xf32, #tpu.memory_space<vmem>>)
      %dma_start3A_273 = arith.constant 0 : i32
      %dma_start3A_274 = tpu.memref_slice %arg7[%add3A_265, %dma_start3A_273] : memref<125x80xi32, #tpu.memory_space<vmem>> -> memref<1x80xi32, #tpu.memory_space<vmem>>
      %dma_start3A_275 = tpu.memref_squeeze %dma_start3A_274 : memref<1x80xi32, #tpu.memory_space<vmem>> -> memref<80xi32, #tpu.memory_space<vmem>>
      %dma_start3A_276 = arith.constant 0 : i32
      %dma_start3A_277 = arith.constant 0 : i32
      %dma_start3A_278 = tpu.memref_slice %arg14[%dma_start3A_276, %dma_start3A_277] : memref<10240x64xf32, #tpu.memory_space<vmem_shared>> -> memref<10240x64xf32, #tpu.memory_space<vmem_shared>>
      tpu.enqueue_indirect_dma source(%arg12 : memref<80x64xf32, #tpu.memory_space<vmem>>) target(%dma_start3A_278 : memref<10240x64xf32, #tpu.memory_space<vmem_shared>>) offsets(%dma_start3A_275 : memref<80xi32, #tpu.memory_space<vmem>>) semaphore(%arg25 : memref<!tpu.dma_semaphore, #tpu.memory_space<semaphore_mem>>) {add = true}
      %add3A_279 = arith.constant 6 : i32
      %add3A_280 = arith.addi %add3A_265, %add3A_279 : i32
      %lt3A_281 = arith.constant 125 : i32
      %lt3A_282 = arith.cmpi slt, %add3A_280, %lt3A_281 : i32
      %convert_element_type3A_283 = arith.extui %lt3A_282 : i1 to i32
      %cond3A_284 = arith.constant 0 : i32
      %cond3A_285 = arith.cmpi ne, %convert_element_type3A_283, %cond3A_284 : i32
      scf.if %cond3A_285 {
        %dma_wait3A_310 = arith.constant 0 : i32
        %dma_wait3A_311 = arith.constant 0 : i32
        %dma_wait3A_312 = tpu.memref_slice %arg7[%dma_wait3A_310, %dma_wait3A_311] : memref<125x80xi32, #tpu.memory_space<vmem>> -> memref<1x80xi32, #tpu.memory_space<vmem>>
        %dma_wait3A_313 = tpu.memref_squeeze %dma_wait3A_312 : memref<1x80xi32, #tpu.memory_space<vmem>> -> memref<80xi32, #tpu.memory_space<vmem>>
        %dma_wait3A_314 = arith.constant 0 : i32
        %dma_wait3A_315 = arith.constant 0 : i32
        %dma_wait3A_316 = tpu.memref_slice %arg14[%dma_wait3A_314, %dma_wait3A_315] : memref<10240x64xf32, #tpu.memory_space<vmem_shared>> -> memref<10240x64xf32, #tpu.memory_space<vmem_shared>>
        tpu.wait_indirect_dma semaphore(%arg25 : memref<!tpu.dma_semaphore, #tpu.memory_space<semaphore_mem>>) src(%arg12 : memref<80x64xf32, #tpu.memory_space<vmem>>) dst(%dma_wait3A_316 : memref<10240x64xf32, #tpu.memory_space<vmem_shared>>)
        %dma_start3A_317 = arith.constant 0 : i32
        %dma_start3A_318 = tpu.memref_slice %arg6[%add3A_280, %dma_start3A_317] : memref<125x80xi32, #tpu.memory_space<vmem>> -> memref<1x80xi32, #tpu.memory_space<vmem>>
        %dma_start3A_319 = tpu.memref_squeeze %dma_start3A_318 : memref<1x80xi32, #tpu.memory_space<vmem>> -> memref<80xi32, #tpu.memory_space<vmem>>
        %dma_start3A_320 = arith.constant 0 : i32
        %dma_start3A_321 = arith.constant 0 : i32
        %dma_start3A_322 = tpu.memref_slice %arg2[%dma_start3A_320, %dma_start3A_321] : memref<10000x64xf32, #tpu.memory_space<hbm>> -> memref<10000x64xf32, #tpu.memory_space<hbm>>
        tpu.enqueue_indirect_dma source(%dma_start3A_322 : memref<10000x64xf32, #tpu.memory_space<hbm>>) target(%arg12 : memref<80x64xf32, #tpu.memory_space<vmem>>) offsets(%dma_start3A_319 : memref<80xi32, #tpu.memory_space<vmem>>) semaphore(%arg19 : memref<!tpu.dma_semaphore, #tpu.memory_space<semaphore_mem>>)
      } else {
      }
      %mul3A_286 = arith.constant 6 : i32
      %mul3A_287 = arith.muli %scan3A_168, %mul3A_286 : i32
      %add3A_288 = arith.constant 5 : i32
      %add3A_289 = arith.addi %mul3A_287, %add3A_288 : i32
      %dma_wait3A_290 = arith.constant 0 : i32
      %dma_wait3A_291 = arith.constant 0 : i32
      %dma_wait3A_292 = tpu.memref_slice %arg6[%dma_wait3A_290, %dma_wait3A_291] : memref<125x80xi32, #tpu.memory_space<vmem>> -> memref<1x80xi32, #tpu.memory_space<vmem>>
      %dma_wait3A_293 = tpu.memref_squeeze %dma_wait3A_292 : memref<1x80xi32, #tpu.memory_space<vmem>> -> memref<80xi32, #tpu.memory_space<vmem>>
      %dma_wait3A_294 = arith.constant 0 : i32
      %dma_wait3A_295 = arith.constant 0 : i32
      %dma_wait3A_296 = tpu.memref_slice %arg2[%dma_wait3A_294, %dma_wait3A_295] : memref<10000x64xf32, #tpu.memory_space<hbm>> -> memref<10000x64xf32, #tpu.memory_space<hbm>>
      tpu.wait_indirect_dma semaphore(%arg20 : memref<!tpu.dma_semaphore, #tpu.memory_space<semaphore_mem>>) src(%dma_wait3A_296 : memref<10000x64xf32, #tpu.memory_space<hbm>>) dst(%arg13 : memref<80x64xf32, #tpu.memory_space<vmem>>)
      %dma_start3A_297 = arith.constant 0 : i32
      %dma_start3A_298 = tpu.memref_slice %arg7[%add3A_289, %dma_start3A_297] : memref<125x80xi32, #tpu.memory_space<vmem>> -> memref<1x80xi32, #tpu.memory_space<vmem>>
      %dma_start3A_299 = tpu.memref_squeeze %dma_start3A_298 : memref<1x80xi32, #tpu.memory_space<vmem>> -> memref<80xi32, #tpu.memory_space<vmem>>
      %dma_start3A_300 = arith.constant 0 : i32
      %dma_start3A_301 = arith.constant 0 : i32
      %dma_start3A_302 = tpu.memref_slice %arg14[%dma_start3A_300, %dma_start3A_301] : memref<10240x64xf32, #tpu.memory_space<vmem_shared>> -> memref<10240x64xf32, #tpu.memory_space<vmem_shared>>
      tpu.enqueue_indirect_dma source(%arg13 : memref<80x64xf32, #tpu.memory_space<vmem>>) target(%dma_start3A_302 : memref<10240x64xf32, #tpu.memory_space<vmem_shared>>) offsets(%dma_start3A_299 : memref<80xi32, #tpu.memory_space<vmem>>) semaphore(%arg26 : memref<!tpu.dma_semaphore, #tpu.memory_space<semaphore_mem>>) {add = true}
      %add3A_303 = arith.constant 6 : i32
      %add3A_304 = arith.addi %add3A_289, %add3A_303 : i32
      %lt3A_305 = arith.constant 125 : i32
      %lt3A_306 = arith.cmpi slt, %add3A_304, %lt3A_305 : i32
      %convert_element_type3A_307 = arith.extui %lt3A_306 : i1 to i32
      %cond3A_308 = arith.constant 0 : i32
      %cond3A_309 = arith.cmpi ne, %convert_element_type3A_307, %cond3A_308 : i32
      scf.if %cond3A_309 {
        %dma_wait3A_310 = arith.constant 0 : i32
        %dma_wait3A_311 = arith.constant 0 : i32
        %dma_wait3A_312 = tpu.memref_slice %arg7[%dma_wait3A_310, %dma_wait3A_311] : memref<125x80xi32, #tpu.memory_space<vmem>> -> memref<1x80xi32, #tpu.memory_space<vmem>>
        %dma_wait3A_313 = tpu.memref_squeeze %dma_wait3A_312 : memref<1x80xi32, #tpu.memory_space<vmem>> -> memref<80xi32, #tpu.memory_space<vmem>>
        %dma_wait3A_314 = arith.constant 0 : i32
        %dma_wait3A_315 = arith.constant 0 : i32
        %dma_wait3A_316 = tpu.memref_slice %arg14[%dma_wait3A_314, %dma_wait3A_315] : memref<10240x64xf32, #tpu.memory_space<vmem_shared>> -> memref<10240x64xf32, #tpu.memory_space<vmem_shared>>
        tpu.wait_indirect_dma semaphore(%arg26 : memref<!tpu.dma_semaphore, #tpu.memory_space<semaphore_mem>>) src(%arg13 : memref<80x64xf32, #tpu.memory_space<vmem>>) dst(%dma_wait3A_316 : memref<10240x64xf32, #tpu.memory_space<vmem_shared>>)
        %dma_start3A_317 = arith.constant 0 : i32
        %dma_start3A_318 = tpu.memref_slice %arg6[%add3A_304, %dma_start3A_317] : memref<125x80xi32, #tpu.memory_space<vmem>> -> memref<1x80xi32, #tpu.memory_space<vmem>>
        %dma_start3A_319 = tpu.memref_squeeze %dma_start3A_318 : memref<1x80xi32, #tpu.memory_space<vmem>> -> memref<80xi32, #tpu.memory_space<vmem>>
        %dma_start3A_320 = arith.constant 0 : i32
        %dma_start3A_321 = arith.constant 0 : i32
        %dma_start3A_322 = tpu.memref_slice %arg2[%dma_start3A_320, %dma_start3A_321] : memref<10000x64xf32, #tpu.memory_space<hbm>> -> memref<10000x64xf32, #tpu.memory_space<hbm>>
        tpu.enqueue_indirect_dma source(%dma_start3A_322 : memref<10000x64xf32, #tpu.memory_space<hbm>>) target(%arg13 : memref<80x64xf32, #tpu.memory_space<vmem>>) offsets(%dma_start3A_319 : memref<80xi32, #tpu.memory_space<vmem>>) semaphore(%arg20 : memref<!tpu.dma_semaphore, #tpu.memory_space<semaphore_mem>>)
      } else {
      }
    }
    %scan3A_51 = arith.constant 20 : i32
    %dma_wait3A = arith.constant 0 : i32
    %dma_wait3A_52 = arith.constant 0 : i32
    %dma_wait3A_53 = tpu.memref_slice %arg6[%dma_wait3A, %dma_wait3A_52] : memref<125x80xi32, #tpu.memory_space<vmem>> -> memref<1x80xi32, #tpu.memory_space<vmem>>
    %dma_wait3A_54 = tpu.memref_squeeze %dma_wait3A_53 : memref<1x80xi32, #tpu.memory_space<vmem>> -> memref<80xi32, #tpu.memory_space<vmem>>
    %dma_wait3A_55 = arith.constant 0 : i32
    %dma_wait3A_56 = arith.constant 0 : i32
    %dma_wait3A_57 = tpu.memref_slice %arg2[%dma_wait3A_55, %dma_wait3A_56] : memref<10000x64xf32, #tpu.memory_space<hbm>> -> memref<10000x64xf32, #tpu.memory_space<hbm>>
    tpu.wait_indirect_dma semaphore(%arg15 : memref<!tpu.dma_semaphore, #tpu.memory_space<semaphore_mem>>) src(%dma_wait3A_57 : memref<10000x64xf32, #tpu.memory_space<hbm>>) dst(%arg8 : memref<80x64xf32, #tpu.memory_space<vmem>>)
    %dma_start3A_58 = arith.constant 120 : i32
    %dma_start3A_59 = arith.constant 0 : i32
    %dma_start3A_60 = tpu.memref_slice %arg7[%dma_start3A_58, %dma_start3A_59] : memref<125x80xi32, #tpu.memory_space<vmem>> -> memref<1x80xi32, #tpu.memory_space<vmem>>
    %dma_start3A_61 = tpu.memref_squeeze %dma_start3A_60 : memref<1x80xi32, #tpu.memory_space<vmem>> -> memref<80xi32, #tpu.memory_space<vmem>>
    %dma_start3A_62 = arith.constant 0 : i32
    %dma_start3A_63 = arith.constant 0 : i32
    %dma_start3A_64 = tpu.memref_slice %arg14[%dma_start3A_62, %dma_start3A_63] : memref<10240x64xf32, #tpu.memory_space<vmem_shared>> -> memref<10240x64xf32, #tpu.memory_space<vmem_shared>>
    tpu.enqueue_indirect_dma source(%arg8 : memref<80x64xf32, #tpu.memory_space<vmem>>) target(%dma_start3A_64 : memref<10240x64xf32, #tpu.memory_space<vmem_shared>>) offsets(%dma_start3A_61 : memref<80xi32, #tpu.memory_space<vmem>>) semaphore(%arg21 : memref<!tpu.dma_semaphore, #tpu.memory_space<semaphore_mem>>) {add = true}
    %dma_wait3A_65 = arith.constant 0 : i32
    %dma_wait3A_66 = arith.constant 0 : i32
    %dma_wait3A_67 = tpu.memref_slice %arg6[%dma_wait3A_65, %dma_wait3A_66] : memref<125x80xi32, #tpu.memory_space<vmem>> -> memref<1x80xi32, #tpu.memory_space<vmem>>
    %dma_wait3A_68 = tpu.memref_squeeze %dma_wait3A_67 : memref<1x80xi32, #tpu.memory_space<vmem>> -> memref<80xi32, #tpu.memory_space<vmem>>
    %dma_wait3A_69 = arith.constant 0 : i32
    %dma_wait3A_70 = arith.constant 0 : i32
    %dma_wait3A_71 = tpu.memref_slice %arg2[%dma_wait3A_69, %dma_wait3A_70] : memref<10000x64xf32, #tpu.memory_space<hbm>> -> memref<10000x64xf32, #tpu.memory_space<hbm>>
    tpu.wait_indirect_dma semaphore(%arg16 : memref<!tpu.dma_semaphore, #tpu.memory_space<semaphore_mem>>) src(%dma_wait3A_71 : memref<10000x64xf32, #tpu.memory_space<hbm>>) dst(%arg9 : memref<80x64xf32, #tpu.memory_space<vmem>>)
    %dma_start3A_72 = arith.constant 121 : i32
    %dma_start3A_73 = arith.constant 0 : i32
    %dma_start3A_74 = tpu.memref_slice %arg7[%dma_start3A_72, %dma_start3A_73] : memref<125x80xi32, #tpu.memory_space<vmem>> -> memref<1x80xi32, #tpu.memory_space<vmem>>
    %dma_start3A_75 = tpu.memref_squeeze %dma_start3A_74 : memref<1x80xi32, #tpu.memory_space<vmem>> -> memref<80xi32, #tpu.memory_space<vmem>>
    %dma_start3A_76 = arith.constant 0 : i32
    %dma_start3A_77 = arith.constant 0 : i32
    %dma_start3A_78 = tpu.memref_slice %arg14[%dma_start3A_76, %dma_start3A_77] : memref<10240x64xf32, #tpu.memory_space<vmem_shared>> -> memref<10240x64xf32, #tpu.memory_space<vmem_shared>>
    tpu.enqueue_indirect_dma source(%arg9 : memref<80x64xf32, #tpu.memory_space<vmem>>) target(%dma_start3A_78 : memref<10240x64xf32, #tpu.memory_space<vmem_shared>>) offsets(%dma_start3A_75 : memref<80xi32, #tpu.memory_space<vmem>>) semaphore(%arg22 : memref<!tpu.dma_semaphore, #tpu.memory_space<semaphore_mem>>) {add = true}
    %dma_wait3A_79 = arith.constant 0 : i32
    %dma_wait3A_80 = arith.constant 0 : i32
    %dma_wait3A_81 = tpu.memref_slice %arg6[%dma_wait3A_79, %dma_wait3A_80] : memref<125x80xi32, #tpu.memory_space<vmem>> -> memref<1x80xi32, #tpu.memory_space<vmem>>
    %dma_wait3A_82 = tpu.memref_squeeze %dma_wait3A_81 : memref<1x80xi32, #tpu.memory_space<vmem>> -> memref<80xi32, #tpu.memory_space<vmem>>
    %dma_wait3A_83 = arith.constant 0 : i32
    %dma_wait3A_84 = arith.constant 0 : i32
    %dma_wait3A_85 = tpu.memref_slice %arg2[%dma_wait3A_83, %dma_wait3A_84] : memref<10000x64xf32, #tpu.memory_space<hbm>> -> memref<10000x64xf32, #tpu.memory_space<hbm>>
    tpu.wait_indirect_dma semaphore(%arg17 : memref<!tpu.dma_semaphore, #tpu.memory_space<semaphore_mem>>) src(%dma_wait3A_85 : memref<10000x64xf32, #tpu.memory_space<hbm>>) dst(%arg10 : memref<80x64xf32, #tpu.memory_space<vmem>>)
    %dma_start3A_86 = arith.constant 122 : i32
    %dma_start3A_87 = arith.constant 0 : i32
    %dma_start3A_88 = tpu.memref_slice %arg7[%dma_start3A_86, %dma_start3A_87] : memref<125x80xi32, #tpu.memory_space<vmem>> -> memref<1x80xi32, #tpu.memory_space<vmem>>
    %dma_start3A_89 = tpu.memref_squeeze %dma_start3A_88 : memref<1x80xi32, #tpu.memory_space<vmem>> -> memref<80xi32, #tpu.memory_space<vmem>>
    %dma_start3A_90 = arith.constant 0 : i32
    %dma_start3A_91 = arith.constant 0 : i32
    %dma_start3A_92 = tpu.memref_slice %arg14[%dma_start3A_90, %dma_start3A_91] : memref<10240x64xf32, #tpu.memory_space<vmem_shared>> -> memref<10240x64xf32, #tpu.memory_space<vmem_shared>>
    tpu.enqueue_indirect_dma source(%arg10 : memref<80x64xf32, #tpu.memory_space<vmem>>) target(%dma_start3A_92 : memref<10240x64xf32, #tpu.memory_space<vmem_shared>>) offsets(%dma_start3A_89 : memref<80xi32, #tpu.memory_space<vmem>>) semaphore(%arg23 : memref<!tpu.dma_semaphore, #tpu.memory_space<semaphore_mem>>) {add = true}
    %dma_wait3A_93 = arith.constant 0 : i32
    %dma_wait3A_94 = arith.constant 0 : i32
    %dma_wait3A_95 = tpu.memref_slice %arg6[%dma_wait3A_93, %dma_wait3A_94] : memref<125x80xi32, #tpu.memory_space<vmem>> -> memref<1x80xi32, #tpu.memory_space<vmem>>
    %dma_wait3A_96 = tpu.memref_squeeze %dma_wait3A_95 : memref<1x80xi32, #tpu.memory_space<vmem>> -> memref<80xi32, #tpu.memory_space<vmem>>
    %dma_wait3A_97 = arith.constant 0 : i32
    %dma_wait3A_98 = arith.constant 0 : i32
    %dma_wait3A_99 = tpu.memref_slice %arg2[%dma_wait3A_97, %dma_wait3A_98] : memref<10000x64xf32, #tpu.memory_space<hbm>> -> memref<10000x64xf32, #tpu.memory_space<hbm>>
    tpu.wait_indirect_dma semaphore(%arg18 : memref<!tpu.dma_semaphore, #tpu.memory_space<semaphore_mem>>) src(%dma_wait3A_99 : memref<10000x64xf32, #tpu.memory_space<hbm>>) dst(%arg11 : memref<80x64xf32, #tpu.memory_space<vmem>>)
    %dma_start3A_100 = arith.constant 123 : i32
    %dma_start3A_101 = arith.constant 0 : i32
    %dma_start3A_102 = tpu.memref_slice %arg7[%dma_start3A_100, %dma_start3A_101] : memref<125x80xi32, #tpu.memory_space<vmem>> -> memref<1x80xi32, #tpu.memory_space<vmem>>
    %dma_start3A_103 = tpu.memref_squeeze %dma_start3A_102 : memref<1x80xi32, #tpu.memory_space<vmem>> -> memref<80xi32, #tpu.memory_space<vmem>>
    %dma_start3A_104 = arith.constant 0 : i32
    %dma_start3A_105 = arith.constant 0 : i32
    %dma_start3A_106 = tpu.memref_slice %arg14[%dma_start3A_104, %dma_start3A_105] : memref<10240x64xf32, #tpu.memory_space<vmem_shared>> -> memref<10240x64xf32, #tpu.memory_space<vmem_shared>>
    tpu.enqueue_indirect_dma source(%arg11 : memref<80x64xf32, #tpu.memory_space<vmem>>) target(%dma_start3A_106 : memref<10240x64xf32, #tpu.memory_space<vmem_shared>>) offsets(%dma_start3A_103 : memref<80xi32, #tpu.memory_space<vmem>>) semaphore(%arg24 : memref<!tpu.dma_semaphore, #tpu.memory_space<semaphore_mem>>) {add = true}
    %dma_wait3A_107 = arith.constant 0 : i32
    %dma_wait3A_108 = arith.constant 0 : i32
    %dma_wait3A_109 = tpu.memref_slice %arg6[%dma_wait3A_107, %dma_wait3A_108] : memref<125x80xi32, #tpu.memory_space<vmem>> -> memref<1x80xi32, #tpu.memory_space<vmem>>
    %dma_wait3A_110 = tpu.memref_squeeze %dma_wait3A_109 : memref<1x80xi32, #tpu.memory_space<vmem>> -> memref<80xi32, #tpu.memory_space<vmem>>
    %dma_wait3A_111 = arith.constant 0 : i32
    %dma_wait3A_112 = arith.constant 0 : i32
    %dma_wait3A_113 = tpu.memref_slice %arg2[%dma_wait3A_111, %dma_wait3A_112] : memref<10000x64xf32, #tpu.memory_space<hbm>> -> memref<10000x64xf32, #tpu.memory_space<hbm>>
    tpu.wait_indirect_dma semaphore(%arg19 : memref<!tpu.dma_semaphore, #tpu.memory_space<semaphore_mem>>) src(%dma_wait3A_113 : memref<10000x64xf32, #tpu.memory_space<hbm>>) dst(%arg12 : memref<80x64xf32, #tpu.memory_space<vmem>>)
    %dma_start3A_114 = arith.constant 124 : i32
    %dma_start3A_115 = arith.constant 0 : i32
    %dma_start3A_116 = tpu.memref_slice %arg7[%dma_start3A_114, %dma_start3A_115] : memref<125x80xi32, #tpu.memory_space<vmem>> -> memref<1x80xi32, #tpu.memory_space<vmem>>
    %dma_start3A_117 = tpu.memref_squeeze %dma_start3A_116 : memref<1x80xi32, #tpu.memory_space<vmem>> -> memref<80xi32, #tpu.memory_space<vmem>>
    %dma_start3A_118 = arith.constant 0 : i32
    %dma_start3A_119 = arith.constant 0 : i32
    %dma_start3A_120 = tpu.memref_slice %arg14[%dma_start3A_118, %dma_start3A_119] : memref<10240x64xf32, #tpu.memory_space<vmem_shared>> -> memref<10240x64xf32, #tpu.memory_space<vmem_shared>>
    tpu.enqueue_indirect_dma source(%arg12 : memref<80x64xf32, #tpu.memory_space<vmem>>) target(%dma_start3A_120 : memref<10240x64xf32, #tpu.memory_space<vmem_shared>>) offsets(%dma_start3A_117 : memref<80xi32, #tpu.memory_space<vmem>>) semaphore(%arg25 : memref<!tpu.dma_semaphore, #tpu.memory_space<semaphore_mem>>) {add = true}
    %dma_wait3A_121 = arith.constant 0 : i32
    %dma_wait3A_122 = arith.constant 0 : i32
    %dma_wait3A_123 = tpu.memref_slice %arg7[%dma_wait3A_121, %dma_wait3A_122] : memref<125x80xi32, #tpu.memory_space<vmem>> -> memref<1x80xi32, #tpu.memory_space<vmem>>
    %dma_wait3A_124 = tpu.memref_squeeze %dma_wait3A_123 : memref<1x80xi32, #tpu.memory_space<vmem>> -> memref<80xi32, #tpu.memory_space<vmem>>
    %dma_wait3A_125 = arith.constant 0 : i32
    %dma_wait3A_126 = arith.constant 0 : i32
    %dma_wait3A_127 = tpu.memref_slice %arg14[%dma_wait3A_125, %dma_wait3A_126] : memref<10240x64xf32, #tpu.memory_space<vmem_shared>> -> memref<10240x64xf32, #tpu.memory_space<vmem_shared>>
    tpu.wait_indirect_dma semaphore(%arg21 : memref<!tpu.dma_semaphore, #tpu.memory_space<semaphore_mem>>) src(%arg8 : memref<80x64xf32, #tpu.memory_space<vmem>>) dst(%dma_wait3A_127 : memref<10240x64xf32, #tpu.memory_space<vmem_shared>>)
    %dma_wait3A_128 = arith.constant 0 : i32
    %dma_wait3A_129 = arith.constant 0 : i32
    %dma_wait3A_130 = tpu.memref_slice %arg7[%dma_wait3A_128, %dma_wait3A_129] : memref<125x80xi32, #tpu.memory_space<vmem>> -> memref<1x80xi32, #tpu.memory_space<vmem>>
    %dma_wait3A_131 = tpu.memref_squeeze %dma_wait3A_130 : memref<1x80xi32, #tpu.memory_space<vmem>> -> memref<80xi32, #tpu.memory_space<vmem>>
    %dma_wait3A_132 = arith.constant 0 : i32
    %dma_wait3A_133 = arith.constant 0 : i32
    %dma_wait3A_134 = tpu.memref_slice %arg14[%dma_wait3A_132, %dma_wait3A_133] : memref<10240x64xf32, #tpu.memory_space<vmem_shared>> -> memref<10240x64xf32, #tpu.memory_space<vmem_shared>>
    tpu.wait_indirect_dma semaphore(%arg22 : memref<!tpu.dma_semaphore, #tpu.memory_space<semaphore_mem>>) src(%arg9 : memref<80x64xf32, #tpu.memory_space<vmem>>) dst(%dma_wait3A_134 : memref<10240x64xf32, #tpu.memory_space<vmem_shared>>)
    %dma_wait3A_135 = arith.constant 0 : i32
    %dma_wait3A_136 = arith.constant 0 : i32
    %dma_wait3A_137 = tpu.memref_slice %arg7[%dma_wait3A_135, %dma_wait3A_136] : memref<125x80xi32, #tpu.memory_space<vmem>> -> memref<1x80xi32, #tpu.memory_space<vmem>>
    %dma_wait3A_138 = tpu.memref_squeeze %dma_wait3A_137 : memref<1x80xi32, #tpu.memory_space<vmem>> -> memref<80xi32, #tpu.memory_space<vmem>>
    %dma_wait3A_139 = arith.constant 0 : i32
    %dma_wait3A_140 = arith.constant 0 : i32
    %dma_wait3A_141 = tpu.memref_slice %arg14[%dma_wait3A_139, %dma_wait3A_140] : memref<10240x64xf32, #tpu.memory_space<vmem_shared>> -> memref<10240x64xf32, #tpu.memory_space<vmem_shared>>
    tpu.wait_indirect_dma semaphore(%arg23 : memref<!tpu.dma_semaphore, #tpu.memory_space<semaphore_mem>>) src(%arg10 : memref<80x64xf32, #tpu.memory_space<vmem>>) dst(%dma_wait3A_141 : memref<10240x64xf32, #tpu.memory_space<vmem_shared>>)
    %dma_wait3A_142 = arith.constant 0 : i32
    %dma_wait3A_143 = arith.constant 0 : i32
    %dma_wait3A_144 = tpu.memref_slice %arg7[%dma_wait3A_142, %dma_wait3A_143] : memref<125x80xi32, #tpu.memory_space<vmem>> -> memref<1x80xi32, #tpu.memory_space<vmem>>
    %dma_wait3A_145 = tpu.memref_squeeze %dma_wait3A_144 : memref<1x80xi32, #tpu.memory_space<vmem>> -> memref<80xi32, #tpu.memory_space<vmem>>
    %dma_wait3A_146 = arith.constant 0 : i32
    %dma_wait3A_147 = arith.constant 0 : i32
    %dma_wait3A_148 = tpu.memref_slice %arg14[%dma_wait3A_146, %dma_wait3A_147] : memref<10240x64xf32, #tpu.memory_space<vmem_shared>> -> memref<10240x64xf32, #tpu.memory_space<vmem_shared>>
    tpu.wait_indirect_dma semaphore(%arg24 : memref<!tpu.dma_semaphore, #tpu.memory_space<semaphore_mem>>) src(%arg11 : memref<80x64xf32, #tpu.memory_space<vmem>>) dst(%dma_wait3A_148 : memref<10240x64xf32, #tpu.memory_space<vmem_shared>>)
    %dma_wait3A_149 = arith.constant 0 : i32
    %dma_wait3A_150 = arith.constant 0 : i32
    %dma_wait3A_151 = tpu.memref_slice %arg7[%dma_wait3A_149, %dma_wait3A_150] : memref<125x80xi32, #tpu.memory_space<vmem>> -> memref<1x80xi32, #tpu.memory_space<vmem>>
    %dma_wait3A_152 = tpu.memref_squeeze %dma_wait3A_151 : memref<1x80xi32, #tpu.memory_space<vmem>> -> memref<80xi32, #tpu.memory_space<vmem>>
    %dma_wait3A_153 = arith.constant 0 : i32
    %dma_wait3A_154 = arith.constant 0 : i32
    %dma_wait3A_155 = tpu.memref_slice %arg14[%dma_wait3A_153, %dma_wait3A_154] : memref<10240x64xf32, #tpu.memory_space<vmem_shared>> -> memref<10240x64xf32, #tpu.memory_space<vmem_shared>>
    tpu.wait_indirect_dma semaphore(%arg25 : memref<!tpu.dma_semaphore, #tpu.memory_space<semaphore_mem>>) src(%arg12 : memref<80x64xf32, #tpu.memory_space<vmem>>) dst(%dma_wait3A_155 : memref<10240x64xf32, #tpu.memory_space<vmem_shared>>)
    %dma_wait3A_156 = arith.constant 0 : i32
    %dma_wait3A_157 = arith.constant 0 : i32
    %dma_wait3A_158 = tpu.memref_slice %arg7[%dma_wait3A_156, %dma_wait3A_157] : memref<125x80xi32, #tpu.memory_space<vmem>> -> memref<1x80xi32, #tpu.memory_space<vmem>>
    %dma_wait3A_159 = tpu.memref_squeeze %dma_wait3A_158 : memref<1x80xi32, #tpu.memory_space<vmem>> -> memref<80xi32, #tpu.memory_space<vmem>>
    %dma_wait3A_160 = arith.constant 0 : i32
    %dma_wait3A_161 = arith.constant 0 : i32
    %dma_wait3A_162 = tpu.memref_slice %arg14[%dma_wait3A_160, %dma_wait3A_161] : memref<10240x64xf32, #tpu.memory_space<vmem_shared>> -> memref<10240x64xf32, #tpu.memory_space<vmem_shared>>
    tpu.wait_indirect_dma semaphore(%arg26 : memref<!tpu.dma_semaphore, #tpu.memory_space<semaphore_mem>>) src(%arg13 : memref<80x64xf32, #tpu.memory_space<vmem>>) dst(%dma_wait3A_162 : memref<10240x64xf32, #tpu.memory_space<vmem_shared>>)
    %barrier3A_163 = arith.constant 0 : index
    tpu.barrier barrier_id(%barrier3A_163)
    %mul3A_164 = arith.constant 640 : i32
    %mul3A_165 = arith.muli %arg1, %mul3A_164 : i32
    %mul3A_166 = arith.constant 640 : i32
    %mul3A_167 = arith.muli %arg1, %mul3A_166 : i32
    "tpu.region"() ({
      %run_scoped3A_168 = tpu.sem_alloc : memref<!tpu.dma_semaphore, #tpu.memory_space<semaphore_mem>>
      %dma_start3A_169 = arith.constant 0 : i32
      %dma_start3A_170 = arith.constant 0 : i32
      %dma_start3A_171 = tpu.memref_slice %arg5[%arg0, %dma_start3A_169, %dma_start3A_170] : memref<2x10240x64xf32, #tpu.memory_space<hbm>> -> memref<1x10240x64xf32, #tpu.memory_space<hbm>>
      %dma_start3A_172 = tpu.memref_squeeze %dma_start3A_171 : memref<1x10240x64xf32, #tpu.memory_space<hbm>> -> memref<10240x64xf32, #tpu.memory_space<hbm>>
      %dma_start3A_173 = arith.constant 0 : i32
      %dma_start3A_174 = tpu.memref_slice %dma_start3A_172[%mul3A_167, %dma_start3A_173] : memref<10240x64xf32, #tpu.memory_space<hbm>> -> memref<640x64xf32, #tpu.memory_space<hbm>>
      %dma_start3A_175 = arith.constant 0 : i32
      %dma_start3A_176 = tpu.memref_slice %arg14[%mul3A_165, %dma_start3A_175] : memref<10240x64xf32, #tpu.memory_space<vmem_shared>> -> memref<640x64xf32, #tpu.memory_space<vmem_shared>>
      tpu.enqueue_dma source(%dma_start3A_176 : memref<640x64xf32, #tpu.memory_space<vmem_shared>>) target(%dma_start3A_174 : memref<640x64xf32, #tpu.memory_space<hbm>>) target_semaphore(%run_scoped3A_168 : memref<!tpu.dma_semaphore, #tpu.memory_space<semaphore_mem>>)
      %dma_wait3A_177 = arith.constant 0 : i32
      %dma_wait3A_178 = arith.constant 0 : i32
      %dma_wait3A_179 = tpu.memref_slice %arg5[%arg0, %dma_wait3A_177, %dma_wait3A_178] : memref<2x10240x64xf32, #tpu.memory_space<hbm>> -> memref<1x10240x64xf32, #tpu.memory_space<hbm>>
      %dma_wait3A_180 = tpu.memref_squeeze %dma_wait3A_179 : memref<1x10240x64xf32, #tpu.memory_space<hbm>> -> memref<10240x64xf32, #tpu.memory_space<hbm>>
      %dma_wait3A_181 = arith.constant 0 : i32
      %dma_wait3A_182 = tpu.memref_slice %dma_wait3A_180[%mul3A_167, %dma_wait3A_181] : memref<10240x64xf32, #tpu.memory_space<hbm>> -> memref<640x64xf32, #tpu.memory_space<hbm>>
      %dma_wait3A_183 = arith.constant 0 : i32
      %dma_wait3A_184 = tpu.memref_slice %arg14[%mul3A_165, %dma_wait3A_183] : memref<10240x64xf32, #tpu.memory_space<vmem_shared>> -> memref<640x64xf32, #tpu.memory_space<vmem_shared>>
      tpu.wait_dma2 semaphore(%run_scoped3A_168 : memref<!tpu.dma_semaphore, #tpu.memory_space<semaphore_mem>>) src(%dma_wait3A_184 : memref<640x64xf32, #tpu.memory_space<vmem_shared>>) dst(%dma_wait3A_182 : memref<640x64xf32, #tpu.memory_space<hbm>>)
      tpu.yield
    }) : () -> ()
    return
  }
}

#map = affine_map<(d0, d1) -> (0, 0)>
#map1 = affine_map<(d0, d1) -> (0, 0, 0, 0)>
#map2 = affine_map<(d0, d1) -> (0, 0, 0)>
module attributes {stable_mosaic.version = 14 : i64} {
  func.func @_sc_body(%arg0: i32, %arg1: i32, %arg2: memref<10000x64xf32, #tpu.memory_space<hbm>>, %arg3: memref<2x32x125x80xi32, #tpu.memory_space<hbm>>, %arg4: memref<10240x64xf32, #tpu.memory_space<hbm>>, %arg5: memref<2x10240x64xf32, #tpu.memory_space<hbm>>, %arg6: memref<125x80xi32, #tpu.memory_space<vmem>>, %arg7: memref<125x80xi32, #tpu.memory_space<vmem>>, %arg8: memref<80x64xf32, #tpu.memory_space<vmem>>, %arg9: memref<80x64xf32, #tpu.memory_space<vmem>>, %arg10: memref<80x64xf32, #tpu.memory_space<vmem>>, %arg11: memref<80x64xf32, #tpu.memory_space<vmem>>, %arg12: memref<80x64xf32, #tpu.memory_space<vmem>>, %arg13: memref<80x64xf32, #tpu.memory_space<vmem>>, %arg14: memref<10240x64xf32, #tpu.memory_space<vmem_shared>>, %arg15: memref<!tpu.dma_semaphore, #tpu.memory_space<semaphore_mem>>, %arg16: memref<!tpu.dma_semaphore, #tpu.memory_space<semaphore_mem>>, %arg17: memref<!tpu.dma_semaphore, #tpu.memory_space<semaphore_mem>>, %arg18: memref<!tpu.dma_semaphore, #tpu.memory_space<semaphore_mem>>, %arg19: memref<!tpu.dma_semaphore, #tpu.memory_space<semaphore_mem>>, %arg20: memref<!tpu.dma_semaphore, #tpu.memory_space<semaphore_mem>>, %arg21: memref<!tpu.dma_semaphore, #tpu.memory_space<semaphore_mem>>, %arg22: memref<!tpu.dma_semaphore, #tpu.memory_space<semaphore_mem>>, %arg23: memref<!tpu.dma_semaphore, #tpu.memory_space<semaphore_mem>>, %arg24: memref<!tpu.dma_semaphore, #tpu.memory_space<semaphore_mem>>, %arg25: memref<!tpu.dma_semaphore, #tpu.memory_space<semaphore_mem>>, %arg26: memref<!tpu.dma_semaphore, #tpu.memory_space<semaphore_mem>>) attributes {dimension_semantics = [#tpu.dimension_semantics<core_parallel>, #tpu.dimension_semantics<subcore_parallel>], iteration_bounds = array<i64: 2, 16>, scalar_prefetch = 0 : i64, scratch_operands = 21 : i64, tpu.core_type = #tpu.core_type<sc_vector_subcore>, window_params = [{transform_indices = #map}, {transform_indices = #map1}, {transform_indices = #map}, {transform_indices = #map2}]} {
    %mul3A = arith.constant 16 : i32
    %mul3A_0 = arith.muli %arg0, %mul3A : i32
    %add3A = arith.addi %mul3A_0, %arg1 : i32
    %run_scoped3A = arith.constant 0 : i32
    "tpu.region"() ({
      %run_scoped3A_168 = tpu.sem_alloc : memref<!tpu.dma_semaphore, #tpu.memory_space<semaphore_mem>>
      %dma_start3A_169 = arith.constant 0 : i32
      %dma_start3A_170 = arith.constant 0 : i32
      %dma_start3A_171 = arith.constant 0 : i32
      %dma_start3A_172 = tpu.memref_slice %arg3[%run_scoped3A, %dma_start3A_169, %dma_start3A_170, %dma_start3A_171] : memref<2x32x125x80xi32, #tpu.memory_space<hbm>> -> memref<1x32x125x80xi32, #tpu.memory_space<hbm>>
      %dma_start3A_173 = tpu.memref_squeeze %dma_start3A_172 : memref<1x32x125x80xi32, #tpu.memory_space<hbm>> -> memref<32x125x80xi32, #tpu.memory_space<hbm>>
      %dma_start3A_174 = arith.constant 0 : i32
      %dma_start3A_175 = arith.constant 0 : i32
      %dma_start3A_176 = tpu.memref_slice %dma_start3A_173[%add3A, %dma_start3A_174, %dma_start3A_175] : memref<32x125x80xi32, #tpu.memory_space<hbm>> -> memref<1x125x80xi32, #tpu.memory_space<hbm>>
      %dma_start3A_177 = tpu.memref_squeeze %dma_start3A_176 : memref<1x125x80xi32, #tpu.memory_space<hbm>> -> memref<125x80xi32, #tpu.memory_space<hbm>>
      %dma_start3A_178 = arith.constant 0 : i32
      %dma_start3A_179 = arith.constant 0 : i32
      %dma_start3A_180 = arith.constant 0 : i32
      %dma_start3A_181 = tpu.memref_slice %arg3[%run_scoped3A, %dma_start3A_178, %dma_start3A_179, %dma_start3A_180] : memref<2x32x125x80xi32, #tpu.memory_space<hbm>> -> memref<1x32x125x80xi32, #tpu.memory_space<hbm>>
      %dma_start3A_182 = tpu.memref_squeeze %dma_start3A_181 : memref<1x32x125x80xi32, #tpu.memory_space<hbm>> -> memref<32x125x80xi32, #tpu.memory_space<hbm>>
      %dma_start3A_183 = arith.constant 0 : i32
      %dma_start3A_184 = arith.constant 0 : i32
      %dma_start3A_185 = tpu.memref_slice %dma_start3A_182[%add3A, %dma_start3A_183, %dma_start3A_184] : memref<32x125x80xi32, #tpu.memory_space<hbm>> -> memref<1x125x80xi32, #tpu.memory_space<hbm>>
      %dma_start3A_186 = tpu.memref_squeeze %dma_start3A_185 : memref<1x125x80xi32, #tpu.memory_space<hbm>> -> memref<125x80xi32, #tpu.memory_space<hbm>>
      tpu.enqueue_dma source(%dma_start3A_186 : memref<125x80xi32, #tpu.memory_space<hbm>>) target(%arg6 : memref<125x80xi32, #tpu.memory_space<vmem>>) target_semaphore(%run_scoped3A_168 : memref<!tpu.dma_semaphore, #tpu.memory_space<semaphore_mem>>)
      %dma_wait3A_187 = arith.constant 0 : i32
      %dma_wait3A_188 = arith.constant 0 : i32
      %dma_wait3A_189 = arith.constant 0 : i32
      %dma_wait3A_190 = tpu.memref_slice %arg3[%run_scoped3A, %dma_wait3A_187, %dma_wait3A_188, %dma_wait3A_189] : memref<2x32x125x80xi32, #tpu.memory_space<hbm>> -> memref<1x32x125x80xi32, #tpu.memory_space<hbm>>
      %dma_wait3A_191 = tpu.memref_squeeze %dma_wait3A_190 : memref<1x32x125x80xi32, #tpu.memory_space<hbm>> -> memref<32x125x80xi32, #tpu.memory_space<hbm>>
      %dma_wait3A_192 = arith.constant 0 : i32
      %dma_wait3A_193 = arith.constant 0 : i32
      %dma_wait3A_194 = tpu.memref_slice %dma_wait3A_191[%add3A, %dma_wait3A_192, %dma_wait3A_193] : memref<32x125x80xi32, #tpu.memory_space<hbm>> -> memref<1x125x80xi32, #tpu.memory_space<hbm>>
      %dma_wait3A_195 = tpu.memref_squeeze %dma_wait3A_194 : memref<1x125x80xi32, #tpu.memory_space<hbm>> -> memref<125x80xi32, #tpu.memory_space<hbm>>
      %dma_wait3A_196 = arith.constant 0 : i32
      %dma_wait3A_197 = arith.constant 0 : i32
      %dma_wait3A_198 = arith.constant 0 : i32
      %dma_wait3A_199 = tpu.memref_slice %arg3[%run_scoped3A, %dma_wait3A_196, %dma_wait3A_197, %dma_wait3A_198] : memref<2x32x125x80xi32, #tpu.memory_space<hbm>> -> memref<1x32x125x80xi32, #tpu.memory_space<hbm>>
      %dma_wait3A_200 = tpu.memref_squeeze %dma_wait3A_199 : memref<1x32x125x80xi32, #tpu.memory_space<hbm>> -> memref<32x125x80xi32, #tpu.memory_space<hbm>>
      %dma_wait3A_201 = arith.constant 0 : i32
      %dma_wait3A_202 = arith.constant 0 : i32
      %dma_wait3A_203 = tpu.memref_slice %dma_wait3A_200[%add3A, %dma_wait3A_201, %dma_wait3A_202] : memref<32x125x80xi32, #tpu.memory_space<hbm>> -> memref<1x125x80xi32, #tpu.memory_space<hbm>>
      %dma_wait3A_204 = tpu.memref_squeeze %dma_wait3A_203 : memref<1x125x80xi32, #tpu.memory_space<hbm>> -> memref<125x80xi32, #tpu.memory_space<hbm>>
      tpu.wait_dma2 semaphore(%run_scoped3A_168 : memref<!tpu.dma_semaphore, #tpu.memory_space<semaphore_mem>>) src(%dma_wait3A_204 : memref<125x80xi32, #tpu.memory_space<hbm>>) dst(%arg6 : memref<125x80xi32, #tpu.memory_space<vmem>>)
      tpu.yield
    }) : () -> ()
    %run_scoped3A_1 = arith.constant 1 : i32
    "tpu.region"() ({
      %run_scoped3A_168 = tpu.sem_alloc : memref<!tpu.dma_semaphore, #tpu.memory_space<semaphore_mem>>
      %dma_start3A_169 = arith.constant 0 : i32
      %dma_start3A_170 = arith.constant 0 : i32
      %dma_start3A_171 = arith.constant 0 : i32
      %dma_start3A_172 = tpu.memref_slice %arg3[%run_scoped3A_1, %dma_start3A_169, %dma_start3A_170, %dma_start3A_171] : memref<2x32x125x80xi32, #tpu.memory_space<hbm>> -> memref<1x32x125x80xi32, #tpu.memory_space<hbm>>
      %dma_start3A_173 = tpu.memref_squeeze %dma_start3A_172 : memref<1x32x125x80xi32, #tpu.memory_space<hbm>> -> memref<32x125x80xi32, #tpu.memory_space<hbm>>
      %dma_start3A_174 = arith.constant 0 : i32
      %dma_start3A_175 = arith.constant 0 : i32
      %dma_start3A_176 = tpu.memref_slice %dma_start3A_173[%add3A, %dma_start3A_174, %dma_start3A_175] : memref<32x125x80xi32, #tpu.memory_space<hbm>> -> memref<1x125x80xi32, #tpu.memory_space<hbm>>
      %dma_start3A_177 = tpu.memref_squeeze %dma_start3A_176 : memref<1x125x80xi32, #tpu.memory_space<hbm>> -> memref<125x80xi32, #tpu.memory_space<hbm>>
      %dma_start3A_178 = arith.constant 0 : i32
      %dma_start3A_179 = arith.constant 0 : i32
      %dma_start3A_180 = arith.constant 0 : i32
      %dma_start3A_181 = tpu.memref_slice %arg3[%run_scoped3A_1, %dma_start3A_178, %dma_start3A_179, %dma_start3A_180] : memref<2x32x125x80xi32, #tpu.memory_space<hbm>> -> memref<1x32x125x80xi32, #tpu.memory_space<hbm>>
      %dma_start3A_182 = tpu.memref_squeeze %dma_start3A_181 : memref<1x32x125x80xi32, #tpu.memory_space<hbm>> -> memref<32x125x80xi32, #tpu.memory_space<hbm>>
      %dma_start3A_183 = arith.constant 0 : i32
      %dma_start3A_184 = arith.constant 0 : i32
      %dma_start3A_185 = tpu.memref_slice %dma_start3A_182[%add3A, %dma_start3A_183, %dma_start3A_184] : memref<32x125x80xi32, #tpu.memory_space<hbm>> -> memref<1x125x80xi32, #tpu.memory_space<hbm>>
      %dma_start3A_186 = tpu.memref_squeeze %dma_start3A_185 : memref<1x125x80xi32, #tpu.memory_space<hbm>> -> memref<125x80xi32, #tpu.memory_space<hbm>>
      tpu.enqueue_dma source(%dma_start3A_186 : memref<125x80xi32, #tpu.memory_space<hbm>>) target(%arg7 : memref<125x80xi32, #tpu.memory_space<vmem>>) target_semaphore(%run_scoped3A_168 : memref<!tpu.dma_semaphore, #tpu.memory_space<semaphore_mem>>)
      %dma_wait3A_187 = arith.constant 0 : i32
      %dma_wait3A_188 = arith.constant 0 : i32
      %dma_wait3A_189 = arith.constant 0 : i32
      %dma_wait3A_190 = tpu.memref_slice %arg3[%run_scoped3A_1, %dma_wait3A_187, %dma_wait3A_188, %dma_wait3A_189] : memref<2x32x125x80xi32, #tpu.memory_space<hbm>> -> memref<1x32x125x80xi32, #tpu.memory_space<hbm>>
      %dma_wait3A_191 = tpu.memref_squeeze %dma_wait3A_190 : memref<1x32x125x80xi32, #tpu.memory_space<hbm>> -> memref<32x125x80xi32, #tpu.memory_space<hbm>>
      %dma_wait3A_192 = arith.constant 0 : i32
      %dma_wait3A_193 = arith.constant 0 : i32
      %dma_wait3A_194 = tpu.memref_slice %dma_wait3A_191[%add3A, %dma_wait3A_192, %dma_wait3A_193] : memref<32x125x80xi32, #tpu.memory_space<hbm>> -> memref<1x125x80xi32, #tpu.memory_space<hbm>>
      %dma_wait3A_195 = tpu.memref_squeeze %dma_wait3A_194 : memref<1x125x80xi32, #tpu.memory_space<hbm>> -> memref<125x80xi32, #tpu.memory_space<hbm>>
      %dma_wait3A_196 = arith.constant 0 : i32
      %dma_wait3A_197 = arith.constant 0 : i32
      %dma_wait3A_198 = arith.constant 0 : i32
      %dma_wait3A_199 = tpu.memref_slice %arg3[%run_scoped3A_1, %dma_wait3A_196, %dma_wait3A_197, %dma_wait3A_198] : memref<2x32x125x80xi32, #tpu.memory_space<hbm>> -> memref<1x32x125x80xi32, #tpu.memory_space<hbm>>
      %dma_wait3A_200 = tpu.memref_squeeze %dma_wait3A_199 : memref<1x32x125x80xi32, #tpu.memory_space<hbm>> -> memref<32x125x80xi32, #tpu.memory_space<hbm>>
      %dma_wait3A_201 = arith.constant 0 : i32
      %dma_wait3A_202 = arith.constant 0 : i32
      %dma_wait3A_203 = tpu.memref_slice %dma_wait3A_200[%add3A, %dma_wait3A_201, %dma_wait3A_202] : memref<32x125x80xi32, #tpu.memory_space<hbm>> -> memref<1x125x80xi32, #tpu.memory_space<hbm>>
      %dma_wait3A_204 = tpu.memref_squeeze %dma_wait3A_203 : memref<1x125x80xi32, #tpu.memory_space<hbm>> -> memref<125x80xi32, #tpu.memory_space<hbm>>
      tpu.wait_dma2 semaphore(%run_scoped3A_168 : memref<!tpu.dma_semaphore, #tpu.memory_space<semaphore_mem>>) src(%dma_wait3A_204 : memref<125x80xi32, #tpu.memory_space<hbm>>) dst(%arg7 : memref<125x80xi32, #tpu.memory_space<vmem>>)
      tpu.yield
    }) : () -> ()
    %mul3A_2 = arith.constant 640 : i32
    %mul3A_3 = arith.muli %arg1, %mul3A_2 : i32
    %mul3A_4 = arith.constant 640 : i32
    %mul3A_5 = arith.muli %arg1, %mul3A_4 : i32
    "tpu.region"() ({
      %run_scoped3A_168 = tpu.sem_alloc : memref<!tpu.dma_semaphore, #tpu.memory_space<semaphore_mem>>
      %dma_start3A_169 = arith.constant 0 : i32
      %dma_start3A_170 = tpu.memref_slice %arg14[%mul3A_5, %dma_start3A_169] : memref<10240x64xf32, #tpu.memory_space<vmem_shared>> -> memref<640x64xf32, #tpu.memory_space<vmem_shared>>
      %dma_start3A_171 = arith.constant 0 : i32
      %dma_start3A_172 = tpu.memref_slice %arg4[%mul3A_3, %dma_start3A_171] : memref<10240x64xf32, #tpu.memory_space<hbm>> -> memref<640x64xf32, #tpu.memory_space<hbm>>
      tpu.enqueue_dma source(%dma_start3A_172 : memref<640x64xf32, #tpu.memory_space<hbm>>) target(%dma_start3A_170 : memref<640x64xf32, #tpu.memory_space<vmem_shared>>) target_semaphore(%run_scoped3A_168 : memref<!tpu.dma_semaphore, #tpu.memory_space<semaphore_mem>>)
      %dma_wait3A_173 = arith.constant 0 : i32
      %dma_wait3A_174 = tpu.memref_slice %arg14[%mul3A_5, %dma_wait3A_173] : memref<10240x64xf32, #tpu.memory_space<vmem_shared>> -> memref<640x64xf32, #tpu.memory_space<vmem_shared>>
      %dma_wait3A_175 = arith.constant 0 : i32
      %dma_wait3A_176 = tpu.memref_slice %arg4[%mul3A_3, %dma_wait3A_175] : memref<10240x64xf32, #tpu.memory_space<hbm>> -> memref<640x64xf32, #tpu.memory_space<hbm>>
      tpu.wait_dma2 semaphore(%run_scoped3A_168 : memref<!tpu.dma_semaphore, #tpu.memory_space<semaphore_mem>>) src(%dma_wait3A_176 : memref<640x64xf32, #tpu.memory_space<hbm>>) dst(%dma_wait3A_174 : memref<640x64xf32, #tpu.memory_space<vmem_shared>>)
      tpu.yield
    }) : () -> ()
    %barrier3A = arith.constant 0 : index
    tpu.barrier barrier_id(%barrier3A)
    %dma_start3A = arith.constant 0 : i32
    %dma_start3A_6 = arith.constant 0 : i32
    %dma_start3A_7 = tpu.memref_slice %arg6[%dma_start3A, %dma_start3A_6] : memref<125x80xi32, #tpu.memory_space<vmem>> -> memref<1x80xi32, #tpu.memory_space<vmem>>
    %dma_start3A_8 = tpu.memref_squeeze %dma_start3A_7 : memref<1x80xi32, #tpu.memory_space<vmem>> -> memref<80xi32, #tpu.memory_space<vmem>>
    %dma_start3A_9 = arith.constant 0 : i32
    %dma_start3A_10 = arith.constant 0 : i32
    %dma_start3A_11 = tpu.memref_slice %arg2[%dma_start3A_9, %dma_start3A_10] : memref<10000x64xf32, #tpu.memory_space<hbm>> -> memref<10000x64xf32, #tpu.memory_space<hbm>>
    tpu.enqueue_indirect_dma source(%dma_start3A_11 : memref<10000x64xf32, #tpu.memory_space<hbm>>) target(%arg8 : memref<80x64xf32, #tpu.memory_space<vmem>>) offsets(%dma_start3A_8 : memref<80xi32, #tpu.memory_space<vmem>>) semaphore(%arg15 : memref<!tpu.dma_semaphore, #tpu.memory_space<semaphore_mem>>)
    %dma_start3A_12 = arith.constant 1 : i32
    %dma_start3A_13 = arith.constant 0 : i32
    %dma_start3A_14 = tpu.memref_slice %arg6[%dma_start3A_12, %dma_start3A_13] : memref<125x80xi32, #tpu.memory_space<vmem>> -> memref<1x80xi32, #tpu.memory_space<vmem>>
    %dma_start3A_15 = tpu.memref_squeeze %dma_start3A_14 : memref<1x80xi32, #tpu.memory_space<vmem>> -> memref<80xi32, #tpu.memory_space<vmem>>
    %dma_start3A_16 = arith.constant 0 : i32
    %dma_start3A_17 = arith.constant 0 : i32
    %dma_start3A_18 = tpu.memref_slice %arg2[%dma_start3A_16, %dma_start3A_17] : memref<10000x64xf32, #tpu.memory_space<hbm>> -> memref<10000x64xf32, #tpu.memory_space<hbm>>
    tpu.enqueue_indirect_dma source(%dma_start3A_18 : memref<10000x64xf32, #tpu.memory_space<hbm>>) target(%arg9 : memref<80x64xf32, #tpu.memory_space<vmem>>) offsets(%dma_start3A_15 : memref<80xi32, #tpu.memory_space<vmem>>) semaphore(%arg16 : memref<!tpu.dma_semaphore, #tpu.memory_space<semaphore_mem>>)
    %dma_start3A_19 = arith.constant 2 : i32
    %dma_start3A_20 = arith.constant 0 : i32
    %dma_start3A_21 = tpu.memref_slice %arg6[%dma_start3A_19, %dma_start3A_20] : memref<125x80xi32, #tpu.memory_space<vmem>> -> memref<1x80xi32, #tpu.memory_space<vmem>>
    %dma_start3A_22 = tpu.memref_squeeze %dma_start3A_21 : memref<1x80xi32, #tpu.memory_space<vmem>> -> memref<80xi32, #tpu.memory_space<vmem>>
    %dma_start3A_23 = arith.constant 0 : i32
    %dma_start3A_24 = arith.constant 0 : i32
    %dma_start3A_25 = tpu.memref_slice %arg2[%dma_start3A_23, %dma_start3A_24] : memref<10000x64xf32, #tpu.memory_space<hbm>> -> memref<10000x64xf32, #tpu.memory_space<hbm>>
    tpu.enqueue_indirect_dma source(%dma_start3A_25 : memref<10000x64xf32, #tpu.memory_space<hbm>>) target(%arg10 : memref<80x64xf32, #tpu.memory_space<vmem>>) offsets(%dma_start3A_22 : memref<80xi32, #tpu.memory_space<vmem>>) semaphore(%arg17 : memref<!tpu.dma_semaphore, #tpu.memory_space<semaphore_mem>>)
    %dma_start3A_26 = arith.constant 3 : i32
    %dma_start3A_27 = arith.constant 0 : i32
    %dma_start3A_28 = tpu.memref_slice %arg6[%dma_start3A_26, %dma_start3A_27] : memref<125x80xi32, #tpu.memory_space<vmem>> -> memref<1x80xi32, #tpu.memory_space<vmem>>
    %dma_start3A_29 = tpu.memref_squeeze %dma_start3A_28 : memref<1x80xi32, #tpu.memory_space<vmem>> -> memref<80xi32, #tpu.memory_space<vmem>>
    %dma_start3A_30 = arith.constant 0 : i32
    %dma_start3A_31 = arith.constant 0 : i32
    %dma_start3A_32 = tpu.memref_slice %arg2[%dma_start3A_30, %dma_start3A_31] : memref<10000x64xf32, #tpu.memory_space<hbm>> -> memref<10000x64xf32, #tpu.memory_space<hbm>>
    tpu.enqueue_indirect_dma source(%dma_start3A_32 : memref<10000x64xf32, #tpu.memory_space<hbm>>) target(%arg11 : memref<80x64xf32, #tpu.memory_space<vmem>>) offsets(%dma_start3A_29 : memref<80xi32, #tpu.memory_space<vmem>>) semaphore(%arg18 : memref<!tpu.dma_semaphore, #tpu.memory_space<semaphore_mem>>)
    %dma_start3A_33 = arith.constant 4 : i32
    %dma_start3A_34 = arith.constant 0 : i32
    %dma_start3A_35 = tpu.memref_slice %arg6[%dma_start3A_33, %dma_start3A_34] : memref<125x80xi32, #tpu.memory_space<vmem>> -> memref<1x80xi32, #tpu.memory_space<vmem>>
    %dma_start3A_36 = tpu.memref_squeeze %dma_start3A_35 : memref<1x80xi32, #tpu.memory_space<vmem>> -> memref<80xi32, #tpu.memory_space<vmem>>
    %dma_start3A_37 = arith.constant 0 : i32
    %dma_start3A_38 = arith.constant 0 : i32
    %dma_start3A_39 = tpu.memref_slice %arg2[%dma_start3A_37, %dma_start3A_38] : memref<10000x64xf32, #tpu.memory_space<hbm>> -> memref<10000x64xf32, #tpu.memory_space<hbm>>
    tpu.enqueue_indirect_dma source(%dma_start3A_39 : memref<10000x64xf32, #tpu.memory_space<hbm>>) target(%arg12 : memref<80x64xf32, #tpu.memory_space<vmem>>) offsets(%dma_start3A_36 : memref<80xi32, #tpu.memory_space<vmem>>) semaphore(%arg19 : memref<!tpu.dma_semaphore, #tpu.memory_space<semaphore_mem>>)
    %dma_start3A_40 = arith.constant 5 : i32
    %dma_start3A_41 = arith.constant 0 : i32
    %dma_start3A_42 = tpu.memref_slice %arg6[%dma_start3A_40, %dma_start3A_41] : memref<125x80xi32, #tpu.memory_space<vmem>> -> memref<1x80xi32, #tpu.memory_space<vmem>>
    %dma_start3A_43 = tpu.memref_squeeze %dma_start3A_42 : memref<1x80xi32, #tpu.memory_space<vmem>> -> memref<80xi32, #tpu.memory_space<vmem>>
    %dma_start3A_44 = arith.constant 0 : i32
    %dma_start3A_45 = arith.constant 0 : i32
    %dma_start3A_46 = tpu.memref_slice %arg2[%dma_start3A_44, %dma_start3A_45] : memref<10000x64xf32, #tpu.memory_space<hbm>> -> memref<10000x64xf32, #tpu.memory_space<hbm>>
    tpu.enqueue_indirect_dma source(%dma_start3A_46 : memref<10000x64xf32, #tpu.memory_space<hbm>>) target(%arg13 : memref<80x64xf32, #tpu.memory_space<vmem>>) offsets(%dma_start3A_43 : memref<80xi32, #tpu.memory_space<vmem>>) semaphore(%arg20 : memref<!tpu.dma_semaphore, #tpu.memory_space<semaphore_mem>>)
    %scan3A = arith.constant 0 : i32
    %scan3A_47 = arith.constant 0 : i32
    %scan3A_48 = arith.constant 20 : i32
    %scan3A_49 = arith.addi %scan3A_47, %scan3A_48 : i32
    %scan3A_50 = arith.constant 1 : i32
    scf.for %scan3A_168 = %scan3A_47 to %scan3A_49 step %scan3A_50  : i32 {
      %mul3A_169 = arith.constant 6 : i32
      %mul3A_170 = arith.muli %scan3A_168, %mul3A_169 : i32
      %add3A_171 = arith.constant 0 : i32
      %add3A_172 = arith.addi %mul3A_170, %add3A_171 : i32
      %dma_wait3A_173 = arith.constant 0 : i32
      %dma_wait3A_174 = arith.constant 0 : i32
      %dma_wait3A_175 = tpu.memref_slice %arg6[%dma_wait3A_173, %dma_wait3A_174] : memref<125x80xi32, #tpu.memory_space<vmem>> -> memref<1x80xi32, #tpu.memory_space<vmem>>
      %dma_wait3A_176 = tpu.memref_squeeze %dma_wait3A_175 : memref<1x80xi32, #tpu.memory_space<vmem>> -> memref<80xi32, #tpu.memory_space<vmem>>
      %dma_wait3A_177 = arith.constant 0 : i32
      %dma_wait3A_178 = arith.constant 0 : i32
      %dma_wait3A_179 = tpu.memref_slice %arg2[%dma_wait3A_177, %dma_wait3A_178] : memref<10000x64xf32, #tpu.memory_space<hbm>> -> memref<10000x64xf32, #tpu.memory_space<hbm>>
      tpu.wait_indirect_dma semaphore(%arg15 : memref<!tpu.dma_semaphore, #tpu.memory_space<semaphore_mem>>) src(%dma_wait3A_179 : memref<10000x64xf32, #tpu.memory_space<hbm>>) dst(%arg8 : memref<80x64xf32, #tpu.memory_space<vmem>>)
      %dma_start3A_180 = arith.constant 0 : i32
      %dma_start3A_181 = tpu.memref_slice %arg7[%add3A_172, %dma_start3A_180] : memref<125x80xi32, #tpu.memory_space<vmem>> -> memref<1x80xi32, #tpu.memory_space<vmem>>
      %dma_start3A_182 = tpu.memref_squeeze %dma_start3A_181 : memref<1x80xi32, #tpu.memory_space<vmem>> -> memref<80xi32, #tpu.memory_space<vmem>>
      %dma_start3A_183 = arith.constant 0 : i32
      %dma_start3A_184 = arith.constant 0 : i32
      %dma_start3A_185 = tpu.memref_slice %arg14[%dma_start3A_183, %dma_start3A_184] : memref<10240x64xf32, #tpu.memory_space<vmem_shared>> -> memref<10240x64xf32, #tpu.memory_space<vmem_shared>>
      tpu.enqueue_indirect_dma source(%arg8 : memref<80x64xf32, #tpu.memory_space<vmem>>) target(%dma_start3A_185 : memref<10240x64xf32, #tpu.memory_space<vmem_shared>>) offsets(%dma_start3A_182 : memref<80xi32, #tpu.memory_space<vmem>>) semaphore(%arg21 : memref<!tpu.dma_semaphore, #tpu.memory_space<semaphore_mem>>) {add = true}
      %add3A_186 = arith.constant 6 : i32
      %add3A_187 = arith.addi %add3A_172, %add3A_186 : i32
      %lt3A = arith.constant 125 : i32
      %lt3A_188 = arith.cmpi slt, %add3A_187, %lt3A : i32
      %convert_element_type3A = arith.extui %lt3A_188 : i1 to i32
      %cond3A = arith.constant 0 : i32
      %cond3A_189 = arith.cmpi ne, %convert_element_type3A, %cond3A : i32
      scf.if %cond3A_189 {
        %dma_wait3A_310 = arith.constant 0 : i32
        %dma_wait3A_311 = arith.constant 0 : i32
        %dma_wait3A_312 = tpu.memref_slice %arg7[%dma_wait3A_310, %dma_wait3A_311] : memref<125x80xi32, #tpu.memory_space<vmem>> -> memref<1x80xi32, #tpu.memory_space<vmem>>
        %dma_wait3A_313 = tpu.memref_squeeze %dma_wait3A_312 : memref<1x80xi32, #tpu.memory_space<vmem>> -> memref<80xi32, #tpu.memory_space<vmem>>
        %dma_wait3A_314 = arith.constant 0 : i32
        %dma_wait3A_315 = arith.constant 0 : i32
        %dma_wait3A_316 = tpu.memref_slice %arg14[%dma_wait3A_314, %dma_wait3A_315] : memref<10240x64xf32, #tpu.memory_space<vmem_shared>> -> memref<10240x64xf32, #tpu.memory_space<vmem_shared>>
        tpu.wait_indirect_dma semaphore(%arg21 : memref<!tpu.dma_semaphore, #tpu.memory_space<semaphore_mem>>) src(%arg8 : memref<80x64xf32, #tpu.memory_space<vmem>>) dst(%dma_wait3A_316 : memref<10240x64xf32, #tpu.memory_space<vmem_shared>>)
        %dma_start3A_317 = arith.constant 0 : i32
        %dma_start3A_318 = tpu.memref_slice %arg6[%add3A_187, %dma_start3A_317] : memref<125x80xi32, #tpu.memory_space<vmem>> -> memref<1x80xi32, #tpu.memory_space<vmem>>
        %dma_start3A_319 = tpu.memref_squeeze %dma_start3A_318 : memref<1x80xi32, #tpu.memory_space<vmem>> -> memref<80xi32, #tpu.memory_space<vmem>>
        %dma_start3A_320 = arith.constant 0 : i32
        %dma_start3A_321 = arith.constant 0 : i32
        %dma_start3A_322 = tpu.memref_slice %arg2[%dma_start3A_320, %dma_start3A_321] : memref<10000x64xf32, #tpu.memory_space<hbm>> -> memref<10000x64xf32, #tpu.memory_space<hbm>>
        tpu.enqueue_indirect_dma source(%dma_start3A_322 : memref<10000x64xf32, #tpu.memory_space<hbm>>) target(%arg8 : memref<80x64xf32, #tpu.memory_space<vmem>>) offsets(%dma_start3A_319 : memref<80xi32, #tpu.memory_space<vmem>>) semaphore(%arg15 : memref<!tpu.dma_semaphore, #tpu.memory_space<semaphore_mem>>)
      } else {
      }
      %mul3A_190 = arith.constant 6 : i32
      %mul3A_191 = arith.muli %scan3A_168, %mul3A_190 : i32
      %add3A_192 = arith.constant 1 : i32
      %add3A_193 = arith.addi %mul3A_191, %add3A_192 : i32
      %dma_wait3A_194 = arith.constant 0 : i32
      %dma_wait3A_195 = arith.constant 0 : i32
      %dma_wait3A_196 = tpu.memref_slice %arg6[%dma_wait3A_194, %dma_wait3A_195] : memref<125x80xi32, #tpu.memory_space<vmem>> -> memref<1x80xi32, #tpu.memory_space<vmem>>
      %dma_wait3A_197 = tpu.memref_squeeze %dma_wait3A_196 : memref<1x80xi32, #tpu.memory_space<vmem>> -> memref<80xi32, #tpu.memory_space<vmem>>
      %dma_wait3A_198 = arith.constant 0 : i32
      %dma_wait3A_199 = arith.constant 0 : i32
      %dma_wait3A_200 = tpu.memref_slice %arg2[%dma_wait3A_198, %dma_wait3A_199] : memref<10000x64xf32, #tpu.memory_space<hbm>> -> memref<10000x64xf32, #tpu.memory_space<hbm>>
      tpu.wait_indirect_dma semaphore(%arg16 : memref<!tpu.dma_semaphore, #tpu.memory_space<semaphore_mem>>) src(%dma_wait3A_200 : memref<10000x64xf32, #tpu.memory_space<hbm>>) dst(%arg9 : memref<80x64xf32, #tpu.memory_space<vmem>>)
      %dma_start3A_201 = arith.constant 0 : i32
      %dma_start3A_202 = tpu.memref_slice %arg7[%add3A_193, %dma_start3A_201] : memref<125x80xi32, #tpu.memory_space<vmem>> -> memref<1x80xi32, #tpu.memory_space<vmem>>
      %dma_start3A_203 = tpu.memref_squeeze %dma_start3A_202 : memref<1x80xi32, #tpu.memory_space<vmem>> -> memref<80xi32, #tpu.memory_space<vmem>>
      %dma_start3A_204 = arith.constant 0 : i32
      %dma_start3A_205 = arith.constant 0 : i32
      %dma_start3A_206 = tpu.memref_slice %arg14[%dma_start3A_204, %dma_start3A_205] : memref<10240x64xf32, #tpu.memory_space<vmem_shared>> -> memref<10240x64xf32, #tpu.memory_space<vmem_shared>>
      tpu.enqueue_indirect_dma source(%arg9 : memref<80x64xf32, #tpu.memory_space<vmem>>) target(%dma_start3A_206 : memref<10240x64xf32, #tpu.memory_space<vmem_shared>>) offsets(%dma_start3A_203 : memref<80xi32, #tpu.memory_space<vmem>>) semaphore(%arg22 : memref<!tpu.dma_semaphore, #tpu.memory_space<semaphore_mem>>) {add = true}
      %add3A_207 = arith.constant 6 : i32
      %add3A_208 = arith.addi %add3A_193, %add3A_207 : i32
      %lt3A_209 = arith.constant 125 : i32
      %lt3A_210 = arith.cmpi slt, %add3A_208, %lt3A_209 : i32
      %convert_element_type3A_211 = arith.extui %lt3A_210 : i1 to i32
      %cond3A_212 = arith.constant 0 : i32
      %cond3A_213 = arith.cmpi ne, %convert_element_type3A_211, %cond3A_212 : i32
      scf.if %cond3A_213 {
        %dma_wait3A_310 = arith.constant 0 : i32
        %dma_wait3A_311 = arith.constant 0 : i32
        %dma_wait3A_312 = tpu.memref_slice %arg7[%dma_wait3A_310, %dma_wait3A_311] : memref<125x80xi32, #tpu.memory_space<vmem>> -> memref<1x80xi32, #tpu.memory_space<vmem>>
        %dma_wait3A_313 = tpu.memref_squeeze %dma_wait3A_312 : memref<1x80xi32, #tpu.memory_space<vmem>> -> memref<80xi32, #tpu.memory_space<vmem>>
        %dma_wait3A_314 = arith.constant 0 : i32
        %dma_wait3A_315 = arith.constant 0 : i32
        %dma_wait3A_316 = tpu.memref_slice %arg14[%dma_wait3A_314, %dma_wait3A_315] : memref<10240x64xf32, #tpu.memory_space<vmem_shared>> -> memref<10240x64xf32, #tpu.memory_space<vmem_shared>>
        tpu.wait_indirect_dma semaphore(%arg22 : memref<!tpu.dma_semaphore, #tpu.memory_space<semaphore_mem>>) src(%arg9 : memref<80x64xf32, #tpu.memory_space<vmem>>) dst(%dma_wait3A_316 : memref<10240x64xf32, #tpu.memory_space<vmem_shared>>)
        %dma_start3A_317 = arith.constant 0 : i32
        %dma_start3A_318 = tpu.memref_slice %arg6[%add3A_208, %dma_start3A_317] : memref<125x80xi32, #tpu.memory_space<vmem>> -> memref<1x80xi32, #tpu.memory_space<vmem>>
        %dma_start3A_319 = tpu.memref_squeeze %dma_start3A_318 : memref<1x80xi32, #tpu.memory_space<vmem>> -> memref<80xi32, #tpu.memory_space<vmem>>
        %dma_start3A_320 = arith.constant 0 : i32
        %dma_start3A_321 = arith.constant 0 : i32
        %dma_start3A_322 = tpu.memref_slice %arg2[%dma_start3A_320, %dma_start3A_321] : memref<10000x64xf32, #tpu.memory_space<hbm>> -> memref<10000x64xf32, #tpu.memory_space<hbm>>
        tpu.enqueue_indirect_dma source(%dma_start3A_322 : memref<10000x64xf32, #tpu.memory_space<hbm>>) target(%arg9 : memref<80x64xf32, #tpu.memory_space<vmem>>) offsets(%dma_start3A_319 : memref<80xi32, #tpu.memory_space<vmem>>) semaphore(%arg16 : memref<!tpu.dma_semaphore, #tpu.memory_space<semaphore_mem>>)
      } else {
      }
      %mul3A_214 = arith.constant 6 : i32
      %mul3A_215 = arith.muli %scan3A_168, %mul3A_214 : i32
      %add3A_216 = arith.constant 2 : i32
      %add3A_217 = arith.addi %mul3A_215, %add3A_216 : i32
      %dma_wait3A_218 = arith.constant 0 : i32
      %dma_wait3A_219 = arith.constant 0 : i32
      %dma_wait3A_220 = tpu.memref_slice %arg6[%dma_wait3A_218, %dma_wait3A_219] : memref<125x80xi32, #tpu.memory_space<vmem>> -> memref<1x80xi32, #tpu.memory_space<vmem>>
      %dma_wait3A_221 = tpu.memref_squeeze %dma_wait3A_220 : memref<1x80xi32, #tpu.memory_space<vmem>> -> memref<80xi32, #tpu.memory_space<vmem>>
      %dma_wait3A_222 = arith.constant 0 : i32
      %dma_wait3A_223 = arith.constant 0 : i32
      %dma_wait3A_224 = tpu.memref_slice %arg2[%dma_wait3A_222, %dma_wait3A_223] : memref<10000x64xf32, #tpu.memory_space<hbm>> -> memref<10000x64xf32, #tpu.memory_space<hbm>>
      tpu.wait_indirect_dma semaphore(%arg17 : memref<!tpu.dma_semaphore, #tpu.memory_space<semaphore_mem>>) src(%dma_wait3A_224 : memref<10000x64xf32, #tpu.memory_space<hbm>>) dst(%arg10 : memref<80x64xf32, #tpu.memory_space<vmem>>)
      %dma_start3A_225 = arith.constant 0 : i32
      %dma_start3A_226 = tpu.memref_slice %arg7[%add3A_217, %dma_start3A_225] : memref<125x80xi32, #tpu.memory_space<vmem>> -> memref<1x80xi32, #tpu.memory_space<vmem>>
      %dma_start3A_227 = tpu.memref_squeeze %dma_start3A_226 : memref<1x80xi32, #tpu.memory_space<vmem>> -> memref<80xi32, #tpu.memory_space<vmem>>
      %dma_start3A_228 = arith.constant 0 : i32
      %dma_start3A_229 = arith.constant 0 : i32
      %dma_start3A_230 = tpu.memref_slice %arg14[%dma_start3A_228, %dma_start3A_229] : memref<10240x64xf32, #tpu.memory_space<vmem_shared>> -> memref<10240x64xf32, #tpu.memory_space<vmem_shared>>
      tpu.enqueue_indirect_dma source(%arg10 : memref<80x64xf32, #tpu.memory_space<vmem>>) target(%dma_start3A_230 : memref<10240x64xf32, #tpu.memory_space<vmem_shared>>) offsets(%dma_start3A_227 : memref<80xi32, #tpu.memory_space<vmem>>) semaphore(%arg23 : memref<!tpu.dma_semaphore, #tpu.memory_space<semaphore_mem>>) {add = true}
      %add3A_231 = arith.constant 6 : i32
      %add3A_232 = arith.addi %add3A_217, %add3A_231 : i32
      %lt3A_233 = arith.constant 125 : i32
      %lt3A_234 = arith.cmpi slt, %add3A_232, %lt3A_233 : i32
      %convert_element_type3A_235 = arith.extui %lt3A_234 : i1 to i32
      %cond3A_236 = arith.constant 0 : i32
      %cond3A_237 = arith.cmpi ne, %convert_element_type3A_235, %cond3A_236 : i32
      scf.if %cond3A_237 {
        %dma_wait3A_310 = arith.constant 0 : i32
        %dma_wait3A_311 = arith.constant 0 : i32
        %dma_wait3A_312 = tpu.memref_slice %arg7[%dma_wait3A_310, %dma_wait3A_311] : memref<125x80xi32, #tpu.memory_space<vmem>> -> memref<1x80xi32, #tpu.memory_space<vmem>>
        %dma_wait3A_313 = tpu.memref_squeeze %dma_wait3A_312 : memref<1x80xi32, #tpu.memory_space<vmem>> -> memref<80xi32, #tpu.memory_space<vmem>>
        %dma_wait3A_314 = arith.constant 0 : i32
        %dma_wait3A_315 = arith.constant 0 : i32
        %dma_wait3A_316 = tpu.memref_slice %arg14[%dma_wait3A_314, %dma_wait3A_315] : memref<10240x64xf32, #tpu.memory_space<vmem_shared>> -> memref<10240x64xf32, #tpu.memory_space<vmem_shared>>
        tpu.wait_indirect_dma semaphore(%arg23 : memref<!tpu.dma_semaphore, #tpu.memory_space<semaphore_mem>>) src(%arg10 : memref<80x64xf32, #tpu.memory_space<vmem>>) dst(%dma_wait3A_316 : memref<10240x64xf32, #tpu.memory_space<vmem_shared>>)
        %dma_start3A_317 = arith.constant 0 : i32
        %dma_start3A_318 = tpu.memref_slice %arg6[%add3A_232, %dma_start3A_317] : memref<125x80xi32, #tpu.memory_space<vmem>> -> memref<1x80xi32, #tpu.memory_space<vmem>>
        %dma_start3A_319 = tpu.memref_squeeze %dma_start3A_318 : memref<1x80xi32, #tpu.memory_space<vmem>> -> memref<80xi32, #tpu.memory_space<vmem>>
        %dma_start3A_320 = arith.constant 0 : i32
        %dma_start3A_321 = arith.constant 0 : i32
        %dma_start3A_322 = tpu.memref_slice %arg2[%dma_start3A_320, %dma_start3A_321] : memref<10000x64xf32, #tpu.memory_space<hbm>> -> memref<10000x64xf32, #tpu.memory_space<hbm>>
        tpu.enqueue_indirect_dma source(%dma_start3A_322 : memref<10000x64xf32, #tpu.memory_space<hbm>>) target(%arg10 : memref<80x64xf32, #tpu.memory_space<vmem>>) offsets(%dma_start3A_319 : memref<80xi32, #tpu.memory_space<vmem>>) semaphore(%arg17 : memref<!tpu.dma_semaphore, #tpu.memory_space<semaphore_mem>>)
      } else {
      }
      %mul3A_238 = arith.constant 6 : i32
      %mul3A_239 = arith.muli %scan3A_168, %mul3A_238 : i32
      %add3A_240 = arith.constant 3 : i32
      %add3A_241 = arith.addi %mul3A_239, %add3A_240 : i32
      %dma_wait3A_242 = arith.constant 0 : i32
      %dma_wait3A_243 = arith.constant 0 : i32
      %dma_wait3A_244 = tpu.memref_slice %arg6[%dma_wait3A_242, %dma_wait3A_243] : memref<125x80xi32, #tpu.memory_space<vmem>> -> memref<1x80xi32, #tpu.memory_space<vmem>>
      %dma_wait3A_245 = tpu.memref_squeeze %dma_wait3A_244 : memref<1x80xi32, #tpu.memory_space<vmem>> -> memref<80xi32, #tpu.memory_space<vmem>>
      %dma_wait3A_246 = arith.constant 0 : i32
      %dma_wait3A_247 = arith.constant 0 : i32
      %dma_wait3A_248 = tpu.memref_slice %arg2[%dma_wait3A_246, %dma_wait3A_247] : memref<10000x64xf32, #tpu.memory_space<hbm>> -> memref<10000x64xf32, #tpu.memory_space<hbm>>
      tpu.wait_indirect_dma semaphore(%arg18 : memref<!tpu.dma_semaphore, #tpu.memory_space<semaphore_mem>>) src(%dma_wait3A_248 : memref<10000x64xf32, #tpu.memory_space<hbm>>) dst(%arg11 : memref<80x64xf32, #tpu.memory_space<vmem>>)
      %dma_start3A_249 = arith.constant 0 : i32
      %dma_start3A_250 = tpu.memref_slice %arg7[%add3A_241, %dma_start3A_249] : memref<125x80xi32, #tpu.memory_space<vmem>> -> memref<1x80xi32, #tpu.memory_space<vmem>>
      %dma_start3A_251 = tpu.memref_squeeze %dma_start3A_250 : memref<1x80xi32, #tpu.memory_space<vmem>> -> memref<80xi32, #tpu.memory_space<vmem>>
      %dma_start3A_252 = arith.constant 0 : i32
      %dma_start3A_253 = arith.constant 0 : i32
      %dma_start3A_254 = tpu.memref_slice %arg14[%dma_start3A_252, %dma_start3A_253] : memref<10240x64xf32, #tpu.memory_space<vmem_shared>> -> memref<10240x64xf32, #tpu.memory_space<vmem_shared>>
      tpu.enqueue_indirect_dma source(%arg11 : memref<80x64xf32, #tpu.memory_space<vmem>>) target(%dma_start3A_254 : memref<10240x64xf32, #tpu.memory_space<vmem_shared>>) offsets(%dma_start3A_251 : memref<80xi32, #tpu.memory_space<vmem>>) semaphore(%arg24 : memref<!tpu.dma_semaphore, #tpu.memory_space<semaphore_mem>>) {add = true}
      %add3A_255 = arith.constant 6 : i32
      %add3A_256 = arith.addi %add3A_241, %add3A_255 : i32
      %lt3A_257 = arith.constant 125 : i32
      %lt3A_258 = arith.cmpi slt, %add3A_256, %lt3A_257 : i32
      %convert_element_type3A_259 = arith.extui %lt3A_258 : i1 to i32
      %cond3A_260 = arith.constant 0 : i32
      %cond3A_261 = arith.cmpi ne, %convert_element_type3A_259, %cond3A_260 : i32
      scf.if %cond3A_261 {
        %dma_wait3A_310 = arith.constant 0 : i32
        %dma_wait3A_311 = arith.constant 0 : i32
        %dma_wait3A_312 = tpu.memref_slice %arg7[%dma_wait3A_310, %dma_wait3A_311] : memref<125x80xi32, #tpu.memory_space<vmem>> -> memref<1x80xi32, #tpu.memory_space<vmem>>
        %dma_wait3A_313 = tpu.memref_squeeze %dma_wait3A_312 : memref<1x80xi32, #tpu.memory_space<vmem>> -> memref<80xi32, #tpu.memory_space<vmem>>
        %dma_wait3A_314 = arith.constant 0 : i32
        %dma_wait3A_315 = arith.constant 0 : i32
        %dma_wait3A_316 = tpu.memref_slice %arg14[%dma_wait3A_314, %dma_wait3A_315] : memref<10240x64xf32, #tpu.memory_space<vmem_shared>> -> memref<10240x64xf32, #tpu.memory_space<vmem_shared>>
        tpu.wait_indirect_dma semaphore(%arg24 : memref<!tpu.dma_semaphore, #tpu.memory_space<semaphore_mem>>) src(%arg11 : memref<80x64xf32, #tpu.memory_space<vmem>>) dst(%dma_wait3A_316 : memref<10240x64xf32, #tpu.memory_space<vmem_shared>>)
        %dma_start3A_317 = arith.constant 0 : i32
        %dma_start3A_318 = tpu.memref_slice %arg6[%add3A_256, %dma_start3A_317] : memref<125x80xi32, #tpu.memory_space<vmem>> -> memref<1x80xi32, #tpu.memory_space<vmem>>
        %dma_start3A_319 = tpu.memref_squeeze %dma_start3A_318 : memref<1x80xi32, #tpu.memory_space<vmem>> -> memref<80xi32, #tpu.memory_space<vmem>>
        %dma_start3A_320 = arith.constant 0 : i32
        %dma_start3A_321 = arith.constant 0 : i32
        %dma_start3A_322 = tpu.memref_slice %arg2[%dma_start3A_320, %dma_start3A_321] : memref<10000x64xf32, #tpu.memory_space<hbm>> -> memref<10000x64xf32, #tpu.memory_space<hbm>>
        tpu.enqueue_indirect_dma source(%dma_start3A_322 : memref<10000x64xf32, #tpu.memory_space<hbm>>) target(%arg11 : memref<80x64xf32, #tpu.memory_space<vmem>>) offsets(%dma_start3A_319 : memref<80xi32, #tpu.memory_space<vmem>>) semaphore(%arg18 : memref<!tpu.dma_semaphore, #tpu.memory_space<semaphore_mem>>)
      } else {
      }
      %mul3A_262 = arith.constant 6 : i32
      %mul3A_263 = arith.muli %scan3A_168, %mul3A_262 : i32
      %add3A_264 = arith.constant 4 : i32
      %add3A_265 = arith.addi %mul3A_263, %add3A_264 : i32
      %dma_wait3A_266 = arith.constant 0 : i32
      %dma_wait3A_267 = arith.constant 0 : i32
      %dma_wait3A_268 = tpu.memref_slice %arg6[%dma_wait3A_266, %dma_wait3A_267] : memref<125x80xi32, #tpu.memory_space<vmem>> -> memref<1x80xi32, #tpu.memory_space<vmem>>
      %dma_wait3A_269 = tpu.memref_squeeze %dma_wait3A_268 : memref<1x80xi32, #tpu.memory_space<vmem>> -> memref<80xi32, #tpu.memory_space<vmem>>
      %dma_wait3A_270 = arith.constant 0 : i32
      %dma_wait3A_271 = arith.constant 0 : i32
      %dma_wait3A_272 = tpu.memref_slice %arg2[%dma_wait3A_270, %dma_wait3A_271] : memref<10000x64xf32, #tpu.memory_space<hbm>> -> memref<10000x64xf32, #tpu.memory_space<hbm>>
      tpu.wait_indirect_dma semaphore(%arg19 : memref<!tpu.dma_semaphore, #tpu.memory_space<semaphore_mem>>) src(%dma_wait3A_272 : memref<10000x64xf32, #tpu.memory_space<hbm>>) dst(%arg12 : memref<80x64xf32, #tpu.memory_space<vmem>>)
      %dma_start3A_273 = arith.constant 0 : i32
      %dma_start3A_274 = tpu.memref_slice %arg7[%add3A_265, %dma_start3A_273] : memref<125x80xi32, #tpu.memory_space<vmem>> -> memref<1x80xi32, #tpu.memory_space<vmem>>
      %dma_start3A_275 = tpu.memref_squeeze %dma_start3A_274 : memref<1x80xi32, #tpu.memory_space<vmem>> -> memref<80xi32, #tpu.memory_space<vmem>>
      %dma_start3A_276 = arith.constant 0 : i32
      %dma_start3A_277 = arith.constant 0 : i32
      %dma_start3A_278 = tpu.memref_slice %arg14[%dma_start3A_276, %dma_start3A_277] : memref<10240x64xf32, #tpu.memory_space<vmem_shared>> -> memref<10240x64xf32, #tpu.memory_space<vmem_shared>>
      tpu.enqueue_indirect_dma source(%arg12 : memref<80x64xf32, #tpu.memory_space<vmem>>) target(%dma_start3A_278 : memref<10240x64xf32, #tpu.memory_space<vmem_shared>>) offsets(%dma_start3A_275 : memref<80xi32, #tpu.memory_space<vmem>>) semaphore(%arg25 : memref<!tpu.dma_semaphore, #tpu.memory_space<semaphore_mem>>) {add = true}
      %add3A_279 = arith.constant 6 : i32
      %add3A_280 = arith.addi %add3A_265, %add3A_279 : i32
      %lt3A_281 = arith.constant 125 : i32
      %lt3A_282 = arith.cmpi slt, %add3A_280, %lt3A_281 : i32
      %convert_element_type3A_283 = arith.extui %lt3A_282 : i1 to i32
      %cond3A_284 = arith.constant 0 : i32
      %cond3A_285 = arith.cmpi ne, %convert_element_type3A_283, %cond3A_284 : i32
      scf.if %cond3A_285 {
        %dma_wait3A_310 = arith.constant 0 : i32
        %dma_wait3A_311 = arith.constant 0 : i32
        %dma_wait3A_312 = tpu.memref_slice %arg7[%dma_wait3A_310, %dma_wait3A_311] : memref<125x80xi32, #tpu.memory_space<vmem>> -> memref<1x80xi32, #tpu.memory_space<vmem>>
        %dma_wait3A_313 = tpu.memref_squeeze %dma_wait3A_312 : memref<1x80xi32, #tpu.memory_space<vmem>> -> memref<80xi32, #tpu.memory_space<vmem>>
        %dma_wait3A_314 = arith.constant 0 : i32
        %dma_wait3A_315 = arith.constant 0 : i32
        %dma_wait3A_316 = tpu.memref_slice %arg14[%dma_wait3A_314, %dma_wait3A_315] : memref<10240x64xf32, #tpu.memory_space<vmem_shared>> -> memref<10240x64xf32, #tpu.memory_space<vmem_shared>>
        tpu.wait_indirect_dma semaphore(%arg25 : memref<!tpu.dma_semaphore, #tpu.memory_space<semaphore_mem>>) src(%arg12 : memref<80x64xf32, #tpu.memory_space<vmem>>) dst(%dma_wait3A_316 : memref<10240x64xf32, #tpu.memory_space<vmem_shared>>)
        %dma_start3A_317 = arith.constant 0 : i32
        %dma_start3A_318 = tpu.memref_slice %arg6[%add3A_280, %dma_start3A_317] : memref<125x80xi32, #tpu.memory_space<vmem>> -> memref<1x80xi32, #tpu.memory_space<vmem>>
        %dma_start3A_319 = tpu.memref_squeeze %dma_start3A_318 : memref<1x80xi32, #tpu.memory_space<vmem>> -> memref<80xi32, #tpu.memory_space<vmem>>
        %dma_start3A_320 = arith.constant 0 : i32
        %dma_start3A_321 = arith.constant 0 : i32
        %dma_start3A_322 = tpu.memref_slice %arg2[%dma_start3A_320, %dma_start3A_321] : memref<10000x64xf32, #tpu.memory_space<hbm>> -> memref<10000x64xf32, #tpu.memory_space<hbm>>
        tpu.enqueue_indirect_dma source(%dma_start3A_322 : memref<10000x64xf32, #tpu.memory_space<hbm>>) target(%arg12 : memref<80x64xf32, #tpu.memory_space<vmem>>) offsets(%dma_start3A_319 : memref<80xi32, #tpu.memory_space<vmem>>) semaphore(%arg19 : memref<!tpu.dma_semaphore, #tpu.memory_space<semaphore_mem>>)
      } else {
      }
      %mul3A_286 = arith.constant 6 : i32
      %mul3A_287 = arith.muli %scan3A_168, %mul3A_286 : i32
      %add3A_288 = arith.constant 5 : i32
      %add3A_289 = arith.addi %mul3A_287, %add3A_288 : i32
      %dma_wait3A_290 = arith.constant 0 : i32
      %dma_wait3A_291 = arith.constant 0 : i32
      %dma_wait3A_292 = tpu.memref_slice %arg6[%dma_wait3A_290, %dma_wait3A_291] : memref<125x80xi32, #tpu.memory_space<vmem>> -> memref<1x80xi32, #tpu.memory_space<vmem>>
      %dma_wait3A_293 = tpu.memref_squeeze %dma_wait3A_292 : memref<1x80xi32, #tpu.memory_space<vmem>> -> memref<80xi32, #tpu.memory_space<vmem>>
      %dma_wait3A_294 = arith.constant 0 : i32
      %dma_wait3A_295 = arith.constant 0 : i32
      %dma_wait3A_296 = tpu.memref_slice %arg2[%dma_wait3A_294, %dma_wait3A_295] : memref<10000x64xf32, #tpu.memory_space<hbm>> -> memref<10000x64xf32, #tpu.memory_space<hbm>>
      tpu.wait_indirect_dma semaphore(%arg20 : memref<!tpu.dma_semaphore, #tpu.memory_space<semaphore_mem>>) src(%dma_wait3A_296 : memref<10000x64xf32, #tpu.memory_space<hbm>>) dst(%arg13 : memref<80x64xf32, #tpu.memory_space<vmem>>)
      %dma_start3A_297 = arith.constant 0 : i32
      %dma_start3A_298 = tpu.memref_slice %arg7[%add3A_289, %dma_start3A_297] : memref<125x80xi32, #tpu.memory_space<vmem>> -> memref<1x80xi32, #tpu.memory_space<vmem>>
      %dma_start3A_299 = tpu.memref_squeeze %dma_start3A_298 : memref<1x80xi32, #tpu.memory_space<vmem>> -> memref<80xi32, #tpu.memory_space<vmem>>
      %dma_start3A_300 = arith.constant 0 : i32
      %dma_start3A_301 = arith.constant 0 : i32
      %dma_start3A_302 = tpu.memref_slice %arg14[%dma_start3A_300, %dma_start3A_301] : memref<10240x64xf32, #tpu.memory_space<vmem_shared>> -> memref<10240x64xf32, #tpu.memory_space<vmem_shared>>
      tpu.enqueue_indirect_dma source(%arg13 : memref<80x64xf32, #tpu.memory_space<vmem>>) target(%dma_start3A_302 : memref<10240x64xf32, #tpu.memory_space<vmem_shared>>) offsets(%dma_start3A_299 : memref<80xi32, #tpu.memory_space<vmem>>) semaphore(%arg26 : memref<!tpu.dma_semaphore, #tpu.memory_space<semaphore_mem>>) {add = true}
      %add3A_303 = arith.constant 6 : i32
      %add3A_304 = arith.addi %add3A_289, %add3A_303 : i32
      %lt3A_305 = arith.constant 125 : i32
      %lt3A_306 = arith.cmpi slt, %add3A_304, %lt3A_305 : i32
      %convert_element_type3A_307 = arith.extui %lt3A_306 : i1 to i32
      %cond3A_308 = arith.constant 0 : i32
      %cond3A_309 = arith.cmpi ne, %convert_element_type3A_307, %cond3A_308 : i32
      scf.if %cond3A_309 {
        %dma_wait3A_310 = arith.constant 0 : i32
        %dma_wait3A_311 = arith.constant 0 : i32
        %dma_wait3A_312 = tpu.memref_slice %arg7[%dma_wait3A_310, %dma_wait3A_311] : memref<125x80xi32, #tpu.memory_space<vmem>> -> memref<1x80xi32, #tpu.memory_space<vmem>>
        %dma_wait3A_313 = tpu.memref_squeeze %dma_wait3A_312 : memref<1x80xi32, #tpu.memory_space<vmem>> -> memref<80xi32, #tpu.memory_space<vmem>>
        %dma_wait3A_314 = arith.constant 0 : i32
        %dma_wait3A_315 = arith.constant 0 : i32
        %dma_wait3A_316 = tpu.memref_slice %arg14[%dma_wait3A_314, %dma_wait3A_315] : memref<10240x64xf32, #tpu.memory_space<vmem_shared>> -> memref<10240x64xf32, #tpu.memory_space<vmem_shared>>
        tpu.wait_indirect_dma semaphore(%arg26 : memref<!tpu.dma_semaphore, #tpu.memory_space<semaphore_mem>>) src(%arg13 : memref<80x64xf32, #tpu.memory_space<vmem>>) dst(%dma_wait3A_316 : memref<10240x64xf32, #tpu.memory_space<vmem_shared>>)
        %dma_start3A_317 = arith.constant 0 : i32
        %dma_start3A_318 = tpu.memref_slice %arg6[%add3A_304, %dma_start3A_317] : memref<125x80xi32, #tpu.memory_space<vmem>> -> memref<1x80xi32, #tpu.memory_space<vmem>>
        %dma_start3A_319 = tpu.memref_squeeze %dma_start3A_318 : memref<1x80xi32, #tpu.memory_space<vmem>> -> memref<80xi32, #tpu.memory_space<vmem>>
        %dma_start3A_320 = arith.constant 0 : i32
        %dma_start3A_321 = arith.constant 0 : i32
        %dma_start3A_322 = tpu.memref_slice %arg2[%dma_start3A_320, %dma_start3A_321] : memref<10000x64xf32, #tpu.memory_space<hbm>> -> memref<10000x64xf32, #tpu.memory_space<hbm>>
        tpu.enqueue_indirect_dma source(%dma_start3A_322 : memref<10000x64xf32, #tpu.memory_space<hbm>>) target(%arg13 : memref<80x64xf32, #tpu.memory_space<vmem>>) offsets(%dma_start3A_319 : memref<80xi32, #tpu.memory_space<vmem>>) semaphore(%arg20 : memref<!tpu.dma_semaphore, #tpu.memory_space<semaphore_mem>>)
      } else {
      }
    }
    %scan3A_51 = arith.constant 20 : i32
    %dma_wait3A = arith.constant 0 : i32
    %dma_wait3A_52 = arith.constant 0 : i32
    %dma_wait3A_53 = tpu.memref_slice %arg6[%dma_wait3A, %dma_wait3A_52] : memref<125x80xi32, #tpu.memory_space<vmem>> -> memref<1x80xi32, #tpu.memory_space<vmem>>
    %dma_wait3A_54 = tpu.memref_squeeze %dma_wait3A_53 : memref<1x80xi32, #tpu.memory_space<vmem>> -> memref<80xi32, #tpu.memory_space<vmem>>
    %dma_wait3A_55 = arith.constant 0 : i32
    %dma_wait3A_56 = arith.constant 0 : i32
    %dma_wait3A_57 = tpu.memref_slice %arg2[%dma_wait3A_55, %dma_wait3A_56] : memref<10000x64xf32, #tpu.memory_space<hbm>> -> memref<10000x64xf32, #tpu.memory_space<hbm>>
    tpu.wait_indirect_dma semaphore(%arg15 : memref<!tpu.dma_semaphore, #tpu.memory_space<semaphore_mem>>) src(%dma_wait3A_57 : memref<10000x64xf32, #tpu.memory_space<hbm>>) dst(%arg8 : memref<80x64xf32, #tpu.memory_space<vmem>>)
    %dma_start3A_58 = arith.constant 120 : i32
    %dma_start3A_59 = arith.constant 0 : i32
    %dma_start3A_60 = tpu.memref_slice %arg7[%dma_start3A_58, %dma_start3A_59] : memref<125x80xi32, #tpu.memory_space<vmem>> -> memref<1x80xi32, #tpu.memory_space<vmem>>
    %dma_start3A_61 = tpu.memref_squeeze %dma_start3A_60 : memref<1x80xi32, #tpu.memory_space<vmem>> -> memref<80xi32, #tpu.memory_space<vmem>>
    %dma_start3A_62 = arith.constant 0 : i32
    %dma_start3A_63 = arith.constant 0 : i32
    %dma_start3A_64 = tpu.memref_slice %arg14[%dma_start3A_62, %dma_start3A_63] : memref<10240x64xf32, #tpu.memory_space<vmem_shared>> -> memref<10240x64xf32, #tpu.memory_space<vmem_shared>>
    tpu.enqueue_indirect_dma source(%arg8 : memref<80x64xf32, #tpu.memory_space<vmem>>) target(%dma_start3A_64 : memref<10240x64xf32, #tpu.memory_space<vmem_shared>>) offsets(%dma_start3A_61 : memref<80xi32, #tpu.memory_space<vmem>>) semaphore(%arg21 : memref<!tpu.dma_semaphore, #tpu.memory_space<semaphore_mem>>) {add = true}
    %dma_wait3A_65 = arith.constant 0 : i32
    %dma_wait3A_66 = arith.constant 0 : i32
    %dma_wait3A_67 = tpu.memref_slice %arg6[%dma_wait3A_65, %dma_wait3A_66] : memref<125x80xi32, #tpu.memory_space<vmem>> -> memref<1x80xi32, #tpu.memory_space<vmem>>
    %dma_wait3A_68 = tpu.memref_squeeze %dma_wait3A_67 : memref<1x80xi32, #tpu.memory_space<vmem>> -> memref<80xi32, #tpu.memory_space<vmem>>
    %dma_wait3A_69 = arith.constant 0 : i32
    %dma_wait3A_70 = arith.constant 0 : i32
    %dma_wait3A_71 = tpu.memref_slice %arg2[%dma_wait3A_69, %dma_wait3A_70] : memref<10000x64xf32, #tpu.memory_space<hbm>> -> memref<10000x64xf32, #tpu.memory_space<hbm>>
    tpu.wait_indirect_dma semaphore(%arg16 : memref<!tpu.dma_semaphore, #tpu.memory_space<semaphore_mem>>) src(%dma_wait3A_71 : memref<10000x64xf32, #tpu.memory_space<hbm>>) dst(%arg9 : memref<80x64xf32, #tpu.memory_space<vmem>>)
    %dma_start3A_72 = arith.constant 121 : i32
    %dma_start3A_73 = arith.constant 0 : i32
    %dma_start3A_74 = tpu.memref_slice %arg7[%dma_start3A_72, %dma_start3A_73] : memref<125x80xi32, #tpu.memory_space<vmem>> -> memref<1x80xi32, #tpu.memory_space<vmem>>
    %dma_start3A_75 = tpu.memref_squeeze %dma_start3A_74 : memref<1x80xi32, #tpu.memory_space<vmem>> -> memref<80xi32, #tpu.memory_space<vmem>>
    %dma_start3A_76 = arith.constant 0 : i32
    %dma_start3A_77 = arith.constant 0 : i32
    %dma_start3A_78 = tpu.memref_slice %arg14[%dma_start3A_76, %dma_start3A_77] : memref<10240x64xf32, #tpu.memory_space<vmem_shared>> -> memref<10240x64xf32, #tpu.memory_space<vmem_shared>>
    tpu.enqueue_indirect_dma source(%arg9 : memref<80x64xf32, #tpu.memory_space<vmem>>) target(%dma_start3A_78 : memref<10240x64xf32, #tpu.memory_space<vmem_shared>>) offsets(%dma_start3A_75 : memref<80xi32, #tpu.memory_space<vmem>>) semaphore(%arg22 : memref<!tpu.dma_semaphore, #tpu.memory_space<semaphore_mem>>) {add = true}
    %dma_wait3A_79 = arith.constant 0 : i32
    %dma_wait3A_80 = arith.constant 0 : i32
    %dma_wait3A_81 = tpu.memref_slice %arg6[%dma_wait3A_79, %dma_wait3A_80] : memref<125x80xi32, #tpu.memory_space<vmem>> -> memref<1x80xi32, #tpu.memory_space<vmem>>
    %dma_wait3A_82 = tpu.memref_squeeze %dma_wait3A_81 : memref<1x80xi32, #tpu.memory_space<vmem>> -> memref<80xi32, #tpu.memory_space<vmem>>
    %dma_wait3A_83 = arith.constant 0 : i32
    %dma_wait3A_84 = arith.constant 0 : i32
    %dma_wait3A_85 = tpu.memref_slice %arg2[%dma_wait3A_83, %dma_wait3A_84] : memref<10000x64xf32, #tpu.memory_space<hbm>> -> memref<10000x64xf32, #tpu.memory_space<hbm>>
    tpu.wait_indirect_dma semaphore(%arg17 : memref<!tpu.dma_semaphore, #tpu.memory_space<semaphore_mem>>) src(%dma_wait3A_85 : memref<10000x64xf32, #tpu.memory_space<hbm>>) dst(%arg10 : memref<80x64xf32, #tpu.memory_space<vmem>>)
    %dma_start3A_86 = arith.constant 122 : i32
    %dma_start3A_87 = arith.constant 0 : i32
    %dma_start3A_88 = tpu.memref_slice %arg7[%dma_start3A_86, %dma_start3A_87] : memref<125x80xi32, #tpu.memory_space<vmem>> -> memref<1x80xi32, #tpu.memory_space<vmem>>
    %dma_start3A_89 = tpu.memref_squeeze %dma_start3A_88 : memref<1x80xi32, #tpu.memory_space<vmem>> -> memref<80xi32, #tpu.memory_space<vmem>>
    %dma_start3A_90 = arith.constant 0 : i32
    %dma_start3A_91 = arith.constant 0 : i32
    %dma_start3A_92 = tpu.memref_slice %arg14[%dma_start3A_90, %dma_start3A_91] : memref<10240x64xf32, #tpu.memory_space<vmem_shared>> -> memref<10240x64xf32, #tpu.memory_space<vmem_shared>>
    tpu.enqueue_indirect_dma source(%arg10 : memref<80x64xf32, #tpu.memory_space<vmem>>) target(%dma_start3A_92 : memref<10240x64xf32, #tpu.memory_space<vmem_shared>>) offsets(%dma_start3A_89 : memref<80xi32, #tpu.memory_space<vmem>>) semaphore(%arg23 : memref<!tpu.dma_semaphore, #tpu.memory_space<semaphore_mem>>) {add = true}
    %dma_wait3A_93 = arith.constant 0 : i32
    %dma_wait3A_94 = arith.constant 0 : i32
    %dma_wait3A_95 = tpu.memref_slice %arg6[%dma_wait3A_93, %dma_wait3A_94] : memref<125x80xi32, #tpu.memory_space<vmem>> -> memref<1x80xi32, #tpu.memory_space<vmem>>
    %dma_wait3A_96 = tpu.memref_squeeze %dma_wait3A_95 : memref<1x80xi32, #tpu.memory_space<vmem>> -> memref<80xi32, #tpu.memory_space<vmem>>
    %dma_wait3A_97 = arith.constant 0 : i32
    %dma_wait3A_98 = arith.constant 0 : i32
    %dma_wait3A_99 = tpu.memref_slice %arg2[%dma_wait3A_97, %dma_wait3A_98] : memref<10000x64xf32, #tpu.memory_space<hbm>> -> memref<10000x64xf32, #tpu.memory_space<hbm>>
    tpu.wait_indirect_dma semaphore(%arg18 : memref<!tpu.dma_semaphore, #tpu.memory_space<semaphore_mem>>) src(%dma_wait3A_99 : memref<10000x64xf32, #tpu.memory_space<hbm>>) dst(%arg11 : memref<80x64xf32, #tpu.memory_space<vmem>>)
    %dma_start3A_100 = arith.constant 123 : i32
    %dma_start3A_101 = arith.constant 0 : i32
    %dma_start3A_102 = tpu.memref_slice %arg7[%dma_start3A_100, %dma_start3A_101] : memref<125x80xi32, #tpu.memory_space<vmem>> -> memref<1x80xi32, #tpu.memory_space<vmem>>
    %dma_start3A_103 = tpu.memref_squeeze %dma_start3A_102 : memref<1x80xi32, #tpu.memory_space<vmem>> -> memref<80xi32, #tpu.memory_space<vmem>>
    %dma_start3A_104 = arith.constant 0 : i32
    %dma_start3A_105 = arith.constant 0 : i32
    %dma_start3A_106 = tpu.memref_slice %arg14[%dma_start3A_104, %dma_start3A_105] : memref<10240x64xf32, #tpu.memory_space<vmem_shared>> -> memref<10240x64xf32, #tpu.memory_space<vmem_shared>>
    tpu.enqueue_indirect_dma source(%arg11 : memref<80x64xf32, #tpu.memory_space<vmem>>) target(%dma_start3A_106 : memref<10240x64xf32, #tpu.memory_space<vmem_shared>>) offsets(%dma_start3A_103 : memref<80xi32, #tpu.memory_space<vmem>>) semaphore(%arg24 : memref<!tpu.dma_semaphore, #tpu.memory_space<semaphore_mem>>) {add = true}
    %dma_wait3A_107 = arith.constant 0 : i32
    %dma_wait3A_108 = arith.constant 0 : i32
    %dma_wait3A_109 = tpu.memref_slice %arg6[%dma_wait3A_107, %dma_wait3A_108] : memref<125x80xi32, #tpu.memory_space<vmem>> -> memref<1x80xi32, #tpu.memory_space<vmem>>
    %dma_wait3A_110 = tpu.memref_squeeze %dma_wait3A_109 : memref<1x80xi32, #tpu.memory_space<vmem>> -> memref<80xi32, #tpu.memory_space<vmem>>
    %dma_wait3A_111 = arith.constant 0 : i32
    %dma_wait3A_112 = arith.constant 0 : i32
    %dma_wait3A_113 = tpu.memref_slice %arg2[%dma_wait3A_111, %dma_wait3A_112] : memref<10000x64xf32, #tpu.memory_space<hbm>> -> memref<10000x64xf32, #tpu.memory_space<hbm>>
    tpu.wait_indirect_dma semaphore(%arg19 : memref<!tpu.dma_semaphore, #tpu.memory_space<semaphore_mem>>) src(%dma_wait3A_113 : memref<10000x64xf32, #tpu.memory_space<hbm>>) dst(%arg12 : memref<80x64xf32, #tpu.memory_space<vmem>>)
    %dma_start3A_114 = arith.constant 124 : i32
    %dma_start3A_115 = arith.constant 0 : i32
    %dma_start3A_116 = tpu.memref_slice %arg7[%dma_start3A_114, %dma_start3A_115] : memref<125x80xi32, #tpu.memory_space<vmem>> -> memref<1x80xi32, #tpu.memory_space<vmem>>
    %dma_start3A_117 = tpu.memref_squeeze %dma_start3A_116 : memref<1x80xi32, #tpu.memory_space<vmem>> -> memref<80xi32, #tpu.memory_space<vmem>>
    %dma_start3A_118 = arith.constant 0 : i32
    %dma_start3A_119 = arith.constant 0 : i32
    %dma_start3A_120 = tpu.memref_slice %arg14[%dma_start3A_118, %dma_start3A_119] : memref<10240x64xf32, #tpu.memory_space<vmem_shared>> -> memref<10240x64xf32, #tpu.memory_space<vmem_shared>>
    tpu.enqueue_indirect_dma source(%arg12 : memref<80x64xf32, #tpu.memory_space<vmem>>) target(%dma_start3A_120 : memref<10240x64xf32, #tpu.memory_space<vmem_shared>>) offsets(%dma_start3A_117 : memref<80xi32, #tpu.memory_space<vmem>>) semaphore(%arg25 : memref<!tpu.dma_semaphore, #tpu.memory_space<semaphore_mem>>) {add = true}
    %dma_wait3A_121 = arith.constant 0 : i32
    %dma_wait3A_122 = arith.constant 0 : i32
    %dma_wait3A_123 = tpu.memref_slice %arg7[%dma_wait3A_121, %dma_wait3A_122] : memref<125x80xi32, #tpu.memory_space<vmem>> -> memref<1x80xi32, #tpu.memory_space<vmem>>
    %dma_wait3A_124 = tpu.memref_squeeze %dma_wait3A_123 : memref<1x80xi32, #tpu.memory_space<vmem>> -> memref<80xi32, #tpu.memory_space<vmem>>
    %dma_wait3A_125 = arith.constant 0 : i32
    %dma_wait3A_126 = arith.constant 0 : i32
    %dma_wait3A_127 = tpu.memref_slice %arg14[%dma_wait3A_125, %dma_wait3A_126] : memref<10240x64xf32, #tpu.memory_space<vmem_shared>> -> memref<10240x64xf32, #tpu.memory_space<vmem_shared>>
    tpu.wait_indirect_dma semaphore(%arg21 : memref<!tpu.dma_semaphore, #tpu.memory_space<semaphore_mem>>) src(%arg8 : memref<80x64xf32, #tpu.memory_space<vmem>>) dst(%dma_wait3A_127 : memref<10240x64xf32, #tpu.memory_space<vmem_shared>>)
    %dma_wait3A_128 = arith.constant 0 : i32
    %dma_wait3A_129 = arith.constant 0 : i32
    %dma_wait3A_130 = tpu.memref_slice %arg7[%dma_wait3A_128, %dma_wait3A_129] : memref<125x80xi32, #tpu.memory_space<vmem>> -> memref<1x80xi32, #tpu.memory_space<vmem>>
    %dma_wait3A_131 = tpu.memref_squeeze %dma_wait3A_130 : memref<1x80xi32, #tpu.memory_space<vmem>> -> memref<80xi32, #tpu.memory_space<vmem>>
    %dma_wait3A_132 = arith.constant 0 : i32
    %dma_wait3A_133 = arith.constant 0 : i32
    %dma_wait3A_134 = tpu.memref_slice %arg14[%dma_wait3A_132, %dma_wait3A_133] : memref<10240x64xf32, #tpu.memory_space<vmem_shared>> -> memref<10240x64xf32, #tpu.memory_space<vmem_shared>>
    tpu.wait_indirect_dma semaphore(%arg22 : memref<!tpu.dma_semaphore, #tpu.memory_space<semaphore_mem>>) src(%arg9 : memref<80x64xf32, #tpu.memory_space<vmem>>) dst(%dma_wait3A_134 : memref<10240x64xf32, #tpu.memory_space<vmem_shared>>)
    %dma_wait3A_135 = arith.constant 0 : i32
    %dma_wait3A_136 = arith.constant 0 : i32
    %dma_wait3A_137 = tpu.memref_slice %arg7[%dma_wait3A_135, %dma_wait3A_136] : memref<125x80xi32, #tpu.memory_space<vmem>> -> memref<1x80xi32, #tpu.memory_space<vmem>>
    %dma_wait3A_138 = tpu.memref_squeeze %dma_wait3A_137 : memref<1x80xi32, #tpu.memory_space<vmem>> -> memref<80xi32, #tpu.memory_space<vmem>>
    %dma_wait3A_139 = arith.constant 0 : i32
    %dma_wait3A_140 = arith.constant 0 : i32
    %dma_wait3A_141 = tpu.memref_slice %arg14[%dma_wait3A_139, %dma_wait3A_140] : memref<10240x64xf32, #tpu.memory_space<vmem_shared>> -> memref<10240x64xf32, #tpu.memory_space<vmem_shared>>
    tpu.wait_indirect_dma semaphore(%arg23 : memref<!tpu.dma_semaphore, #tpu.memory_space<semaphore_mem>>) src(%arg10 : memref<80x64xf32, #tpu.memory_space<vmem>>) dst(%dma_wait3A_141 : memref<10240x64xf32, #tpu.memory_space<vmem_shared>>)
    %dma_wait3A_142 = arith.constant 0 : i32
    %dma_wait3A_143 = arith.constant 0 : i32
    %dma_wait3A_144 = tpu.memref_slice %arg7[%dma_wait3A_142, %dma_wait3A_143] : memref<125x80xi32, #tpu.memory_space<vmem>> -> memref<1x80xi32, #tpu.memory_space<vmem>>
    %dma_wait3A_145 = tpu.memref_squeeze %dma_wait3A_144 : memref<1x80xi32, #tpu.memory_space<vmem>> -> memref<80xi32, #tpu.memory_space<vmem>>
    %dma_wait3A_146 = arith.constant 0 : i32
    %dma_wait3A_147 = arith.constant 0 : i32
    %dma_wait3A_148 = tpu.memref_slice %arg14[%dma_wait3A_146, %dma_wait3A_147] : memref<10240x64xf32, #tpu.memory_space<vmem_shared>> -> memref<10240x64xf32, #tpu.memory_space<vmem_shared>>
    tpu.wait_indirect_dma semaphore(%arg24 : memref<!tpu.dma_semaphore, #tpu.memory_space<semaphore_mem>>) src(%arg11 : memref<80x64xf32, #tpu.memory_space<vmem>>) dst(%dma_wait3A_148 : memref<10240x64xf32, #tpu.memory_space<vmem_shared>>)
    %dma_wait3A_149 = arith.constant 0 : i32
    %dma_wait3A_150 = arith.constant 0 : i32
    %dma_wait3A_151 = tpu.memref_slice %arg7[%dma_wait3A_149, %dma_wait3A_150] : memref<125x80xi32, #tpu.memory_space<vmem>> -> memref<1x80xi32, #tpu.memory_space<vmem>>
    %dma_wait3A_152 = tpu.memref_squeeze %dma_wait3A_151 : memref<1x80xi32, #tpu.memory_space<vmem>> -> memref<80xi32, #tpu.memory_space<vmem>>
    %dma_wait3A_153 = arith.constant 0 : i32
    %dma_wait3A_154 = arith.constant 0 : i32
    %dma_wait3A_155 = tpu.memref_slice %arg14[%dma_wait3A_153, %dma_wait3A_154] : memref<10240x64xf32, #tpu.memory_space<vmem_shared>> -> memref<10240x64xf32, #tpu.memory_space<vmem_shared>>
    tpu.wait_indirect_dma semaphore(%arg25 : memref<!tpu.dma_semaphore, #tpu.memory_space<semaphore_mem>>) src(%arg12 : memref<80x64xf32, #tpu.memory_space<vmem>>) dst(%dma_wait3A_155 : memref<10240x64xf32, #tpu.memory_space<vmem_shared>>)
    %dma_wait3A_156 = arith.constant 0 : i32
    %dma_wait3A_157 = arith.constant 0 : i32
    %dma_wait3A_158 = tpu.memref_slice %arg7[%dma_wait3A_156, %dma_wait3A_157] : memref<125x80xi32, #tpu.memory_space<vmem>> -> memref<1x80xi32, #tpu.memory_space<vmem>>
    %dma_wait3A_159 = tpu.memref_squeeze %dma_wait3A_158 : memref<1x80xi32, #tpu.memory_space<vmem>> -> memref<80xi32, #tpu.memory_space<vmem>>
    %dma_wait3A_160 = arith.constant 0 : i32
    %dma_wait3A_161 = arith.constant 0 : i32
    %dma_wait3A_162 = tpu.memref_slice %arg14[%dma_wait3A_160, %dma_wait3A_161] : memref<10240x64xf32, #tpu.memory_space<vmem_shared>> -> memref<10240x64xf32, #tpu.memory_space<vmem_shared>>
    tpu.wait_indirect_dma semaphore(%arg26 : memref<!tpu.dma_semaphore, #tpu.memory_space<semaphore_mem>>) src(%arg13 : memref<80x64xf32, #tpu.memory_space<vmem>>) dst(%dma_wait3A_162 : memref<10240x64xf32, #tpu.memory_space<vmem_shared>>)
    %barrier3A_163 = arith.constant 0 : index
    tpu.barrier barrier_id(%barrier3A_163)
    %mul3A_164 = arith.constant 640 : i32
    %mul3A_165 = arith.muli %arg1, %mul3A_164 : i32
    %mul3A_166 = arith.constant 640 : i32
    %mul3A_167 = arith.muli %arg1, %mul3A_166 : i32
    "tpu.region"() ({
      %run_scoped3A_168 = tpu.sem_alloc : memref<!tpu.dma_semaphore, #tpu.memory_space<semaphore_mem>>
      %dma_start3A_169 = arith.constant 0 : i32
      %dma_start3A_170 = arith.constant 0 : i32
      %dma_start3A_171 = tpu.memref_slice %arg5[%arg0, %dma_start3A_169, %dma_start3A_170] : memref<2x10240x64xf32, #tpu.memory_space<hbm>> -> memref<1x10240x64xf32, #tpu.memory_space<hbm>>
      %dma_start3A_172 = tpu.memref_squeeze %dma_start3A_171 : memref<1x10240x64xf32, #tpu.memory_space<hbm>> -> memref<10240x64xf32, #tpu.memory_space<hbm>>
      %dma_start3A_173 = arith.constant 0 : i32
      %dma_start3A_174 = tpu.memref_slice %dma_start3A_172[%mul3A_167, %dma_start3A_173] : memref<10240x64xf32, #tpu.memory_space<hbm>> -> memref<640x64xf32, #tpu.memory_space<hbm>>
      %dma_start3A_175 = arith.constant 0 : i32
      %dma_start3A_176 = tpu.memref_slice %arg14[%mul3A_165, %dma_start3A_175] : memref<10240x64xf32, #tpu.memory_space<vmem_shared>> -> memref<640x64xf32, #tpu.memory_space<vmem_shared>>
      tpu.enqueue_dma source(%dma_start3A_176 : memref<640x64xf32, #tpu.memory_space<vmem_shared>>) target(%dma_start3A_174 : memref<640x64xf32, #tpu.memory_space<hbm>>) target_semaphore(%run_scoped3A_168 : memref<!tpu.dma_semaphore, #tpu.memory_space<semaphore_mem>>)
      %dma_wait3A_177 = arith.constant 0 : i32
      %dma_wait3A_178 = arith.constant 0 : i32
      %dma_wait3A_179 = tpu.memref_slice %arg5[%arg0, %dma_wait3A_177, %dma_wait3A_178] : memref<2x10240x64xf32, #tpu.memory_space<hbm>> -> memref<1x10240x64xf32, #tpu.memory_space<hbm>>
      %dma_wait3A_180 = tpu.memref_squeeze %dma_wait3A_179 : memref<1x10240x64xf32, #tpu.memory_space<hbm>> -> memref<10240x64xf32, #tpu.memory_space<hbm>>
      %dma_wait3A_181 = arith.constant 0 : i32
      %dma_wait3A_182 = tpu.memref_slice %dma_wait3A_180[%mul3A_167, %dma_wait3A_181] : memref<10240x64xf32, #tpu.memory_space<hbm>> -> memref<640x64xf32, #tpu.memory_space<hbm>>
      %dma_wait3A_183 = arith.constant 0 : i32
      %dma_wait3A_184 = tpu.memref_slice %arg14[%mul3A_165, %dma_wait3A_183] : memref<10240x64xf32, #tpu.memory_space<vmem_shared>> -> memref<640x64xf32, #tpu.memory_space<vmem_shared>>
      tpu.wait_dma2 semaphore(%run_scoped3A_168 : memref<!tpu.dma_semaphore, #tpu.memory_space<semaphore_mem>>) src(%dma_wait3A_184 : memref<640x64xf32, #tpu.memory_space<vmem_shared>>) dst(%dma_wait3A_182 : memref<640x64xf32, #tpu.memory_space<hbm>>)
      tpu.yield
    }) : () -> ()
    return
  }
}

module attributes {stable_mosaic.version = 14 : i64} {
  func.func @_proj1_body(%arg0: i32, %arg1: memref<2000x128xf32, #tpu.memory_space<vmem>>, %arg2: memref<64x128xf32, #tpu.memory_space<vmem>>, %arg3: memref<64x128xf32, #tpu.memory_space<vmem>>, %arg4: memref<1x64xf32, #tpu.memory_space<vmem>>, %arg5: memref<2000x64xf32, #tpu.memory_space<vmem>>, %arg6: memref<2000x64xf32, #tpu.memory_space<vmem>>) attributes {dimension_semantics = [#tpu.dimension_semantics<arbitrary>], iteration_bounds = array<i64: 5>, scalar_prefetch = 0 : i64, scratch_operands = 0 : i64, tpu.core_type = #tpu.core_type<tc>, window_params = [{transform_indices = @transform_0, window_bounds = array<i64: 2000, 128>}, {pipeline_mode = #tpu.pipeline_mode<synchronous>, transform_indices = @transform_1, window_bounds = array<i64: 64, 128>}, {pipeline_mode = #tpu.pipeline_mode<synchronous>, transform_indices = @transform_2, window_bounds = array<i64: 64, 128>}, {pipeline_mode = #tpu.pipeline_mode<synchronous>, transform_indices = @transform_3, window_bounds = array<i64: 1, 64>}, {transform_indices = @transform_4, window_bounds = array<i64: 2000, 64>}, {transform_indices = @transform_5, window_bounds = array<i64: 2000, 64>}]} {
    %get3A = arith.constant 0 : index
    %get3A_0 = arith.constant 0 : index
    %get3A_1 = vector.load %arg1[%get3A, %get3A_0] : memref<2000x128xf32, #tpu.memory_space<vmem>>, vector<2000x128xf32>
    %get3A_2 = arith.constant 0 : index
    %get3A_3 = arith.constant 0 : index
    %get3A_4 = vector.load %arg2[%get3A_2, %get3A_3] : memref<64x128xf32, #tpu.memory_space<vmem>>, vector<64x128xf32>
    %dot_general3A = arith.constant dense<0.000000e+00> : vector<2000x64xf32>
    %dot_general3A_5 = tpu.matmul %get3A_1, %get3A_4, %dot_general3A {dimension_numbers = #tpu.dot_dimension_numbers<[1], [1], [0], [0], [0, 0, 1, 0], [], []>, transpose_lhs_hint = false} : vector<2000x128xf32>, vector<64x128xf32>, vector<2000x64xf32> -> vector<2000x64xf32>
    %swap3A = arith.constant 0 : index
    %swap3A_6 = arith.constant 0 : index
    %swap3A_7 = vector.load %arg5[%swap3A, %swap3A_6] : memref<2000x64xf32, #tpu.memory_space<vmem>>, vector<2000x64xf32>
    tpu.vector_store %arg5[%swap3A, %swap3A_6], %dot_general3A_5 {strides = array<i32>} : memref<2000x64xf32, #tpu.memory_space<vmem>>, vector<2000x64xf32>,
    %get3A_8 = arith.constant 0 : index
    %get3A_9 = arith.constant 0 : index
    %get3A_10 = vector.load %arg3[%get3A_8, %get3A_9] : memref<64x128xf32, #tpu.memory_space<vmem>>, vector<64x128xf32>
    %dot_general3A_11 = arith.constant dense<0.000000e+00> : vector<2000x64xf32>
    %dot_general3A_12 = tpu.matmul %get3A_1, %get3A_10, %dot_general3A_11 {dimension_numbers = #tpu.dot_dimension_numbers<[1], [1], [0], [0], [0, 0, 1, 0], [], []>, transpose_lhs_hint = false} : vector<2000x128xf32>, vector<64x128xf32>, vector<2000x64xf32> -> vector<2000x64xf32>
    %get3A_13 = arith.constant 0 : index
    %get3A_14 = arith.constant 0 : index
    %get3A_15 = vector.load %arg4[%get3A_13, %get3A_14] : memref<1x64xf32, #tpu.memory_space<vmem>>, vector<1x64xf32>
    %add3A = vector.broadcast %get3A_15 : vector<1x64xf32> to vector<2000x64xf32>
    %add3A_16 = arith.addf %dot_general3A_12, %add3A : vector<2000x64xf32>
    %swap3A_17 = arith.constant 0 : index
    %swap3A_18 = arith.constant 0 : index
    %swap3A_19 = vector.load %arg6[%swap3A_17, %swap3A_18] : memref<2000x64xf32, #tpu.memory_space<vmem>>, vector<2000x64xf32>
    tpu.vector_store %arg6[%swap3A_17, %swap3A_18], %add3A_16 {strides = array<i32>} : memref<2000x64xf32, #tpu.memory_space<vmem>>, vector<2000x64xf32>,
    return
  }
  func.func @transform_0(%arg0: i32) -> (i32, i32) {
    %c0_i32 = arith.constant 0 : i32
    %c0_i32_0 = arith.constant 0 : i32
    return %arg0, %c0_i32 : i32, i32
  }
  func.func @transform_1(%arg0: i32) -> (i32, i32) {
    %c0_i32 = arith.constant 0 : i32
    %c0_i32_0 = arith.constant 0 : i32
    %c0_i32_1 = arith.constant 0 : i32
    return %c0_i32, %c0_i32_0 : i32, i32
  }
  func.func @transform_2(%arg0: i32) -> (i32, i32) {
    %c0_i32 = arith.constant 0 : i32
    %c0_i32_0 = arith.constant 0 : i32
    %c0_i32_1 = arith.constant 0 : i32
    return %c0_i32, %c0_i32_0 : i32, i32
  }
  func.func @transform_3(%arg0: i32) -> (i32, i32) {
    %c0_i32 = arith.constant 0 : i32
    %c0_i32_0 = arith.constant 0 : i32
    %c0_i32_1 = arith.constant 0 : i32
    return %c0_i32, %c0_i32_0 : i32, i32
  }
  func.func @transform_4(%arg0: i32) -> (i32, i32) {
    %c0_i32 = arith.constant 0 : i32
    %c0_i32_0 = arith.constant 0 : i32
    return %arg0, %c0_i32 : i32, i32
  }
  func.func @transform_5(%arg0: i32) -> (i32, i32) {
    %c0_i32 = arith.constant 0 : i32
    %c0_i32_0 = arith.constant 0 : i32
    return %arg0, %c0_i32 : i32, i32
  }
}

module attributes {stable_mosaic.version = 14 : i64} {
  func.func @_mid_body(%arg0: i32, %arg1: memref<2x2000x64xf32, #tpu.memory_space<vmem>>, %arg2: memref<2x2000x8xf32, #tpu.memory_space<vmem>>, %arg3: memref<2000x64xf32, #tpu.memory_space<vmem>>, %arg4: memref<64x64xf32, #tpu.memory_space<vmem>>, %arg5: memref<64x64xf32, #tpu.memory_space<vmem>>, %arg6: memref<1x64xf32, #tpu.memory_space<vmem>>, %arg7: memref<2000x64xf32, #tpu.memory_space<vmem>>, %arg8: memref<2000x64xf32, #tpu.memory_space<vmem>>) attributes {dimension_semantics = [#tpu.dimension_semantics<arbitrary>], iteration_bounds = array<i64: 5>, scalar_prefetch = 0 : i64, scratch_operands = 0 : i64, tpu.core_type = #tpu.core_type<tc>, window_params = [{transform_indices = @transform_0, window_bounds = array<i64: 2, 2000, 64>}, {transform_indices = @transform_1, window_bounds = array<i64: 2, 2000, 8>}, {transform_indices = @transform_2, window_bounds = array<i64: 2000, 64>}, {pipeline_mode = #tpu.pipeline_mode<synchronous>, transform_indices = @transform_3, window_bounds = array<i64: 64, 64>}, {pipeline_mode = #tpu.pipeline_mode<synchronous>, transform_indices = @transform_4, window_bounds = array<i64: 64, 64>}, {pipeline_mode = #tpu.pipeline_mode<synchronous>, transform_indices = @transform_5, window_bounds = array<i64: 1, 64>}, {transform_indices = @transform_6, window_bounds = array<i64: 2000, 64>}, {transform_indices = @transform_7, window_bounds = array<i64: 2000, 64>}]} {
    %get3A = arith.constant 0 : index
    %get3A_0 = arith.constant 0 : index
    %get3A_1 = arith.constant 0 : index
    %get3A_2 = vector.load %arg1[%get3A, %get3A_0, %get3A_1] : memref<2x2000x64xf32, #tpu.memory_space<vmem>>, vector<1x2000x64xf32>
    %get3A_3 = vector.shape_cast %get3A_2 : vector<1x2000x64xf32> to vector<2000x64xf32>
    %get3A_4 = arith.constant 1 : index
    %get3A_5 = arith.constant 0 : index
    %get3A_6 = arith.constant 0 : index
    %get3A_7 = vector.load %arg1[%get3A_4, %get3A_5, %get3A_6] : memref<2x2000x64xf32, #tpu.memory_space<vmem>>, vector<1x2000x64xf32>
    %get3A_8 = vector.shape_cast %get3A_7 : vector<1x2000x64xf32> to vector<2000x64xf32>
    %add3A = arith.addf %get3A_3, %get3A_8 : vector<2000x64xf32>
    %get3A_9 = arith.constant 0 : index
    %get3A_10 = arith.constant 0 : index
    %get3A_11 = arith.constant 0 : index
    %get3A_12 = vector.load %arg2[%get3A_9, %get3A_10, %get3A_11] : memref<2x2000x8xf32, #tpu.memory_space<vmem>>, vector<1x2000x1xf32>
    %get3A_13 = vector.shape_cast %get3A_12 : vector<1x2000x1xf32> to vector<2000x1xf32>
    %get3A_14 = arith.constant 1 : index
    %get3A_15 = arith.constant 0 : index
    %get3A_16 = arith.constant 0 : index
    %get3A_17 = vector.load %arg2[%get3A_14, %get3A_15, %get3A_16] : memref<2x2000x8xf32, #tpu.memory_space<vmem>>, vector<1x2000x1xf32>
    %get3A_18 = vector.shape_cast %get3A_17 : vector<1x2000x1xf32> to vector<2000x1xf32>
    %add3A_19 = arith.addf %get3A_13, %get3A_18 : vector<2000x1xf32>
    %max3A = arith.constant 1.000000e+00 : f32
    %max3A_20 = vector.broadcast %max3A : f32 to vector<2000x1xf32>
    %max3A_21 = arith.maximumf %add3A_19, %max3A_20 : vector<2000x1xf32>
    %div3A = vector.broadcast %max3A_21 : vector<2000x1xf32> to vector<2000x64xf32>
    %div3A_22 = arith.divf %add3A, %div3A : vector<2000x64xf32>
    %get3A_23 = arith.constant 0 : index
    %get3A_24 = arith.constant 0 : index
    %get3A_25 = vector.load %arg3[%get3A_23, %get3A_24] : memref<2000x64xf32, #tpu.memory_space<vmem>>, vector<2000x64xf32>
    %add3A_26 = arith.addf %div3A_22, %get3A_25 : vector<2000x64xf32>
    %max3A_27 = arith.constant 0.000000e+00 : f32
    %max3A_28 = vector.broadcast %max3A_27 : f32 to vector<2000x64xf32>
    %max3A_29 = arith.maximumf %add3A_26, %max3A_28 : vector<2000x64xf32>
    %get3A_30 = arith.constant 0 : index
    %get3A_31 = arith.constant 0 : index
    %get3A_32 = vector.load %arg4[%get3A_30, %get3A_31] : memref<64x64xf32, #tpu.memory_space<vmem>>, vector<64x64xf32>
    %dot_general3A = arith.constant dense<0.000000e+00> : vector<2000x64xf32>
    %dot_general3A_33 = tpu.matmul %max3A_29, %get3A_32, %dot_general3A {dimension_numbers = #tpu.dot_dimension_numbers<[1], [1], [0], [0], [0, 0, 1, 0], [], []>, transpose_lhs_hint = false} : vector<2000x64xf32>, vector<64x64xf32>, vector<2000x64xf32> -> vector<2000x64xf32>
    %swap3A = arith.constant 0 : index
    %swap3A_34 = arith.constant 0 : index
    %swap3A_35 = vector.load %arg7[%swap3A, %swap3A_34] : memref<2000x64xf32, #tpu.memory_space<vmem>>, vector<2000x64xf32>
    tpu.vector_store %arg7[%swap3A, %swap3A_34], %dot_general3A_33 {strides = array<i32>} : memref<2000x64xf32, #tpu.memory_space<vmem>>, vector<2000x64xf32>,
    %get3A_36 = arith.constant 0 : index
    %get3A_37 = arith.constant 0 : index
    %get3A_38 = vector.load %arg5[%get3A_36, %get3A_37] : memref<64x64xf32, #tpu.memory_space<vmem>>, vector<64x64xf32>
    %dot_general3A_39 = arith.constant dense<0.000000e+00> : vector<2000x64xf32>
    %dot_general3A_40 = tpu.matmul %max3A_29, %get3A_38, %dot_general3A_39 {dimension_numbers = #tpu.dot_dimension_numbers<[1], [1], [0], [0], [0, 0, 1, 0], [], []>, transpose_lhs_hint = false} : vector<2000x64xf32>, vector<64x64xf32>, vector<2000x64xf32> -> vector<2000x64xf32>
    %get3A_41 = arith.constant 0 : index
    %get3A_42 = arith.constant 0 : index
    %get3A_43 = vector.load %arg6[%get3A_41, %get3A_42] : memref<1x64xf32, #tpu.memory_space<vmem>>, vector<1x64xf32>
    %add3A_44 = vector.broadcast %get3A_43 : vector<1x64xf32> to vector<2000x64xf32>
    %add3A_45 = arith.addf %dot_general3A_40, %add3A_44 : vector<2000x64xf32>
    %swap3A_46 = arith.constant 0 : index
    %swap3A_47 = arith.constant 0 : index
    %swap3A_48 = vector.load %arg8[%swap3A_46, %swap3A_47] : memref<2000x64xf32, #tpu.memory_space<vmem>>, vector<2000x64xf32>
    tpu.vector_store %arg8[%swap3A_46, %swap3A_47], %add3A_45 {strides = array<i32>} : memref<2000x64xf32, #tpu.memory_space<vmem>>, vector<2000x64xf32>,
    return
  }
  func.func @transform_0(%arg0: i32) -> (i32, i32, i32) {
    %c0_i32 = arith.constant 0 : i32
    %c0_i32_0 = arith.constant 0 : i32
    %c0_i32_1 = arith.constant 0 : i32
    return %c0_i32, %arg0, %c0_i32_0 : i32, i32, i32
  }
  func.func @transform_1(%arg0: i32) -> (i32, i32, i32) {
    %c0_i32 = arith.constant 0 : i32
    %c0_i32_0 = arith.constant 0 : i32
    %c0_i32_1 = arith.constant 0 : i32
    return %c0_i32, %arg0, %c0_i32_0 : i32, i32, i32
  }
  func.func @transform_2(%arg0: i32) -> (i32, i32) {
    %c0_i32 = arith.constant 0 : i32
    %c0_i32_0 = arith.constant 0 : i32
    return %arg0, %c0_i32 : i32, i32
  }
  func.func @transform_3(%arg0: i32) -> (i32, i32) {
    %c0_i32 = arith.constant 0 : i32
    %c0_i32_0 = arith.constant 0 : i32
    %c0_i32_1 = arith.constant 0 : i32
    return %c0_i32, %c0_i32_0 : i32, i32
  }
  func.func @transform_4(%arg0: i32) -> (i32, i32) {
    %c0_i32 = arith.constant 0 : i32
    %c0_i32_0 = arith.constant 0 : i32
    %c0_i32_1 = arith.constant 0 : i32
    return %c0_i32, %c0_i32_0 : i32, i32
  }
  func.func @transform_5(%arg0: i32) -> (i32, i32) {
    %c0_i32 = arith.constant 0 : i32
    %c0_i32_0 = arith.constant 0 : i32
    %c0_i32_1 = arith.constant 0 : i32
    return %c0_i32, %c0_i32_0 : i32, i32
  }
  func.func @transform_6(%arg0: i32) -> (i32, i32) {
    %c0_i32 = arith.constant 0 : i32
    %c0_i32_0 = arith.constant 0 : i32
    return %arg0, %c0_i32 : i32, i32
  }
  func.func @transform_7(%arg0: i32) -> (i32, i32) {
    %c0_i32 = arith.constant 0 : i32
    %c0_i32_0 = arith.constant 0 : i32
    return %arg0, %c0_i32 : i32, i32
  }
}

module attributes {stable_mosaic.version = 14 : i64} {
  func.func @_final_body(%arg0: i32, %arg1: memref<2x2000x64xf32, #tpu.memory_space<vmem>>, %arg2: memref<2x2000x8xf32, #tpu.memory_space<vmem>>, %arg3: memref<2000x64xf32, #tpu.memory_space<vmem>>, %arg4: memref<1x64xf32, #tpu.memory_space<vmem>>, %arg5: memref<1xf32, #tpu.memory_space<smem>>, %arg6: memref<1x1x2000xf32, #tpu.memory_space<vmem>>) attributes {dimension_semantics = [#tpu.dimension_semantics<arbitrary>], iteration_bounds = array<i64: 5>, scalar_prefetch = 0 : i64, scratch_operands = 0 : i64, tpu.core_type = #tpu.core_type<tc>, window_params = [{transform_indices = @transform_0, window_bounds = array<i64: 2, 2000, 64>}, {transform_indices = @transform_1, window_bounds = array<i64: 2, 2000, 8>}, {transform_indices = @transform_2, window_bounds = array<i64: 2000, 64>}, {pipeline_mode = #tpu.pipeline_mode<synchronous>, transform_indices = @transform_3, window_bounds = array<i64: 1, 64>}, {transform_indices = @transform_4, window_bounds = array<i64: 1>}, {transform_indices = @transform_5, window_bounds = array<i64: 1, 1, 2000>}]} {
    %get3A = arith.constant 0 : index
    %get3A_0 = arith.constant 0 : index
    %get3A_1 = arith.constant 0 : index
    %get3A_2 = vector.load %arg1[%get3A, %get3A_0, %get3A_1] : memref<2x2000x64xf32, #tpu.memory_space<vmem>>, vector<1x2000x64xf32>
    %get3A_3 = vector.shape_cast %get3A_2 : vector<1x2000x64xf32> to vector<2000x64xf32>
    %get3A_4 = arith.constant 1 : index
    %get3A_5 = arith.constant 0 : index
    %get3A_6 = arith.constant 0 : index
    %get3A_7 = vector.load %arg1[%get3A_4, %get3A_5, %get3A_6] : memref<2x2000x64xf32, #tpu.memory_space<vmem>>, vector<1x2000x64xf32>
    %get3A_8 = vector.shape_cast %get3A_7 : vector<1x2000x64xf32> to vector<2000x64xf32>
    %add3A = arith.addf %get3A_3, %get3A_8 : vector<2000x64xf32>
    %get3A_9 = arith.constant 0 : index
    %get3A_10 = arith.constant 0 : index
    %get3A_11 = arith.constant 0 : index
    %get3A_12 = vector.load %arg2[%get3A_9, %get3A_10, %get3A_11] : memref<2x2000x8xf32, #tpu.memory_space<vmem>>, vector<1x2000x1xf32>
    %get3A_13 = vector.shape_cast %get3A_12 : vector<1x2000x1xf32> to vector<2000x1xf32>
    %get3A_14 = arith.constant 1 : index
    %get3A_15 = arith.constant 0 : index
    %get3A_16 = arith.constant 0 : index
    %get3A_17 = vector.load %arg2[%get3A_14, %get3A_15, %get3A_16] : memref<2x2000x8xf32, #tpu.memory_space<vmem>>, vector<1x2000x1xf32>
    %get3A_18 = vector.shape_cast %get3A_17 : vector<1x2000x1xf32> to vector<2000x1xf32>
    %add3A_19 = arith.addf %get3A_13, %get3A_18 : vector<2000x1xf32>
    %max3A = arith.constant 1.000000e+00 : f32
    %max3A_20 = vector.broadcast %max3A : f32 to vector<2000x1xf32>
    %max3A_21 = arith.maximumf %add3A_19, %max3A_20 : vector<2000x1xf32>
    %div3A = vector.broadcast %max3A_21 : vector<2000x1xf32> to vector<2000x64xf32>
    %div3A_22 = arith.divf %add3A, %div3A : vector<2000x64xf32>
    %get3A_23 = arith.constant 0 : index
    %get3A_24 = arith.constant 0 : index
    %get3A_25 = vector.load %arg3[%get3A_23, %get3A_24] : memref<2000x64xf32, #tpu.memory_space<vmem>>, vector<2000x64xf32>
    %add3A_26 = arith.addf %div3A_22, %get3A_25 : vector<2000x64xf32>
    %max3A_27 = arith.constant 0.000000e+00 : f32
    %max3A_28 = vector.broadcast %max3A_27 : f32 to vector<2000x64xf32>
    %max3A_29 = arith.maximumf %add3A_26, %max3A_28 : vector<2000x64xf32>
    %get3A_30 = arith.constant 0 : index
    %get3A_31 = arith.constant 0 : index
    %get3A_32 = vector.load %arg4[%get3A_30, %get3A_31] : memref<1x64xf32, #tpu.memory_space<vmem>>, vector<1x64xf32>
    %mul3A = vector.broadcast %get3A_32 : vector<1x64xf32> to vector<2000x64xf32>
    %mul3A_33 = arith.mulf %max3A_29, %mul3A : vector<2000x64xf32>
    %reduce_sum3A = arith.constant dense<0.000000e+00> : vector<2000xf32>
    %reduce_sum3A_34 = vector.multi_reduction <add>, %mul3A_33, %reduce_sum3A [1] : vector<2000x64xf32> to vector<2000xf32>
    %get3A_35 = arith.constant 0 : index
    %get3A_36 = memref.load %arg5[%get3A_35] : memref<1xf32, #tpu.memory_space<smem>>
    %add3A_37 = vector.broadcast %get3A_36 : f32 to vector<2000xf32>
    %add3A_38 = arith.addf %reduce_sum3A_34, %add3A_37 : vector<2000xf32>
    %reshape3A = vector.shape_cast %add3A_38 : vector<2000xf32> to vector<1x1x2000xf32>
    %swap3A = arith.constant 0 : index
    %swap3A_39 = arith.constant 0 : index
    %swap3A_40 = arith.constant 0 : index
    %swap3A_41 = vector.load %arg6[%swap3A, %swap3A_39, %swap3A_40] : memref<1x1x2000xf32, #tpu.memory_space<vmem>>, vector<1x1x2000xf32>
    tpu.vector_store %arg6[%swap3A, %swap3A_39, %swap3A_40], %reshape3A {strides = array<i32>} : memref<1x1x2000xf32, #tpu.memory_space<vmem>>, vector<1x1x2000xf32>,
    return
  }
  func.func @transform_0(%arg0: i32) -> (i32, i32, i32) {
    %c0_i32 = arith.constant 0 : i32
    %c0_i32_0 = arith.constant 0 : i32
    %c0_i32_1 = arith.constant 0 : i32
    return %c0_i32, %arg0, %c0_i32_0 : i32, i32, i32
  }
  func.func @transform_1(%arg0: i32) -> (i32, i32, i32) {
    %c0_i32 = arith.constant 0 : i32
    %c0_i32_0 = arith.constant 0 : i32
    %c0_i32_1 = arith.constant 0 : i32
    return %c0_i32, %arg0, %c0_i32_0 : i32, i32, i32
  }
  func.func @transform_2(%arg0: i32) -> (i32, i32) {
    %c0_i32 = arith.constant 0 : i32
    %c0_i32_0 = arith.constant 0 : i32
    return %arg0, %c0_i32 : i32, i32
  }
  func.func @transform_3(%arg0: i32) -> (i32, i32) {
    %c0_i32 = arith.constant 0 : i32
    %c0_i32_0 = arith.constant 0 : i32
    %c0_i32_1 = arith.constant 0 : i32
    return %c0_i32, %c0_i32_0 : i32, i32
  }
  func.func @transform_4(%arg0: i32) -> i32 {
    %c0_i32 = arith.constant 0 : i32
    %c0_i32_0 = arith.constant 0 : i32
    return %c0_i32 : i32
  }
  func.func @transform_5(%arg0: i32) -> (i32, i32, i32) {
    %c0_i32 = arith.constant 0 : i32
    %c0_i32_0 = arith.constant 0 : i32
    %c0_i32_1 = arith.constant 0 : i32
    return %arg0, %c0_i32, %c0_i32_0 : i32, i32, i32
  }
}

</mosaic_0001>

<sc_bundles>
// kernel: kernel.11.cloned.1.call-start
scs
__scs_entry_jumppad:
0x0: {  	(pc) =	sbr.rel $0x88, $3  }
0x1: {  	(tag) =	ssettag $0x0;
	lr =	simm.s32 $0x1  }
0x2: {  	[smem:$0x3F97] =	sst lr;
	_ =	strace $0xD0000000  }
0x3: {  	_ = 	snop  }
0x4: {  	_ = 	snop  }
0x5: {  	_ = 	snop  }
0x6: {  	_ = 	snop  }
0x7: {  	_ = 	snop  }
__scs_overlays_trampoline_lowered:
0x8: {  	[smem:$0x3FA6] =	sst s0  }
0x9: {  	[smem:$0x3FA7] =	sst s1  }
0xa: {  	[smem:$0x3FA8] =	sst s2  }
0xb: {  	[smem:$0x3FA9] =	sst s3  }
0xc: {  	[smem:$0x3FAA] =	sst s4  }
0xd: {  	[smem:$0x3FAB] =	sst s5  }
0xe: {  	[smem:$0x3FAC] =	sst s6  }
0xf: {  	[smem:$0x3FAD] =	sst s7  }
0x10: {  	[smem:$0x3FAE] =	sst s8  }
0x11: {  	[smem:$0x3FAF] =	sst s9;
	s0 =	simm.s32 @!p0 $0x0  }
0x12: {  	s1 =	sld [smem:$0x3F95];
	s0 =	simm.s32 @p0 $0x1  }
0x13: {  	[smem:$0x3FB0] =	sst s0;
	s0 =	simm.s32 @!p1 $0x0  }
0x14: {  	s2 =	sld [smem:$0x3F94];
	s0 =	simm.s32 @p1 $0x1  }
0x15: {  	[smem:$0x3FB1] =	sst s0;
	s0 =	simm.s32 @!p2 $0x0  }
0x16: {  	s3 =	sld [smem:$0x3FDB];
	s0 =	simm.s32 @p2 $0x1  }
0x17: {  	s4 =	simm.s32 $0x1BF5;
	[smem:$0x3FB3] =	sst s0  }
0x18: {  	s0 =	sld [smem:$0x3F96];
	_ =	swait.ge [sflag:s4], $0x0  }
0x19: {  	s7 =	sld [smem:$0x3F97]  }
0x1a: {  	s8 =	sadd.s32 $0xFFFFE003, lr  }
0x1b: {  	s9 =	sadd.s32 $0xFFFFFEF7, lr;
	s5 =	simm.s32 $0xFFFFFFFF;
	p2 =	slt.u32 s8, $0xFFFFF086  }
0x1c: {  	p1 =	slt.u32 s9, $0xF7A;
	s5 =	simm.s32 @!p2 $0x0  }
0x1d: {  	s5 =	simm.s32 @p1 $0x1;
	p0 =	seq.s32 s7, s2  }
0x1e: {  	s7 =	smul.u32 @!p0 $0xF7A, s2;
	p2 =	seq.s32 @!p0 s5, $0x0  }
0x1f: {  	s9 =	smul.u32 $0xF7A, s1;
	s8 =	simm.s32 @!p0 $0x1BF5;
	p2 =	por !p2, p0  }
0x20: {  	[sflag:s8] =	ssyncset.s32 @!p0 $0xFFFFF086;
	s6 =	sadd.s32 @!p0 s3, s7;
	s7 =	simm.s32 @!p0 $0x108  }
0x21: {  	s3 =	sadd.s32 s3, s9;
	s6 =	sadd.s32 @!p0 $0x88, s6;
	s7 =	simm.s32 @p2 $0x1082  }
0x22: {  	[simem:s7], [sflag:s8] =	dma.local @!p0 [hbm:s6], $0xF7A  }
0x23: {  	s9 =	sor.u32 $0xD0000000, s2;
	s6 =	simm.s32 $0x108;
	_ =	swait.ge @!p0 [sflag:s8], $0x0  }
0x24: {  	s3 =	sadd.s32 $0x88, s3;
	s6 =	simm.s32 @!p1 $0x1082;
	[sflag:s4] =	ssyncset.s32 $0xFFFFF086  }
0x25: {  	[simem:s6], [sflag:s4] =	dma.local [hbm:s3], $0xF7A  }
0x26: {  	[smem:$0x3F97] =	sst s1;
	(tag) =	ssettag s2;
	_ =	strace s9  }
0x27: {  	s1 =	sld [smem:$0x3FA7]  }
0x28: {  	s2 =	sld [smem:$0x3FA8]  }
0x29: {  	s4 =	sld [smem:$0x3FAA]  }
0x2a: {  	p0 =	seq.s32 s5, $0x0;
	s5 =	sld [smem:$0x3FAB]  }
0x2b: {  	s6 =	sld [smem:$0x3FAC]  }
0x2c: {  	s7 =	sld [smem:$0x3FAD]  }
0x2d: {  	s3 =	simm.s32 $0x108;
	s8 =	sld [smem:$0x3FAE]  }
0x2e: {  	s3 =	simm.s32 @!p0 $0x1082;
	s9 =	sld [smem:$0x3FAF]  }
0x2f: {  	lr =	sadd.s32 s0, s3;
	s0 =	sld [smem:$0x3FA6]  }
0x30: {  	s3 =	sld [smem:$0x3FA9]  }
0x31: {  	[smem:$0x3FB2] =	sst s10  }
0x32: {  	s10 =	sld [smem:$0x3FB0];
	_ =	sdelay $0x3  }
0x33: {  	p0 =	seq.s32 s10, $0x1;
	s10 =	sld [smem:$0x3FB2];
	_ =	sdelay $0x3  }
0x34: {  	[smem:$0x3FB2] =	sst s10  }
0x35: {  	s10 =	sld [smem:$0x3FB1];
	_ =	sdelay $0x3  }
0x36: {  	p1 =	seq.s32 s10, $0x1;
	s10 =	sld [smem:$0x3FB2];
	_ =	sdelay $0x3  }
0x37: {  	[smem:$0x3FB2] =	sst s10  }
0x38: {  	s10 =	sld [smem:$0x3FB3]  }
0x39: {  	_ = 	snop;
	(pc) =	sbr.ind lr, $3  }
0x3a: {  	_ = 	snop  }
0x3b: {  	_ = 	snop  }
0x3c: {  	p2 =	seq.s32 s10, $0x1;
	s10 =	sld [smem:$0x3FB2]  }
0x3d: {  	_ =	shalt  }
0x3e: {  	_ =	shalt  }
0x3f: {  	_ =	shalt  }
0x40: {  	_ =	shalt  }
0x41: {  	_ =	shalt  }
0x42: {  	_ =	shalt  }
0x43: {  	_ =	shalt  }
0x44: {  	_ =	shalt  }
0x45: {  	_ =	shalt  }
0x46: {  	_ =	shalt  }
0x47: {  	_ =	shalt  }
0x48: {  	_ =	shalt  }
0x49: {  	_ =	shalt  }
0x4a: {  	_ =	shalt  }
0x4b: {  	_ =	shalt  }
0x4c: {  	_ =	shalt  }
0x4d: {  	_ =	shalt  }
0x4e: {  	_ =	shalt  }
0x4f: {  	_ =	shalt  }
0x50: {  	_ =	shalt  }
0x51: {  	_ =	shalt  }
0x52: {  	_ =	shalt  }
0x53: {  	_ =	shalt  }
0x54: {  	_ =	shalt  }
0x55: {  	_ =	shalt  }
0x56: {  	_ =	shalt  }
0x57: {  	_ =	shalt  }
0x58: {  	_ =	shalt  }
0x59: {  	_ =	shalt  }
0x5a: {  	_ =	shalt  }
0x5b: {  	_ =	shalt  }
0x5c: {  	_ =	shalt  }
0x5d: {  	_ =	shalt  }
0x5e: {  	_ =	shalt  }
0x5f: {  	_ =	shalt  }
0x60: {  	_ =	shalt  }
0x61: {  	_ =	shalt  }
0x62: {  	_ =	shalt  }
0x63: {  	_ =	shalt  }
0x64: {  	_ =	shalt  }
0x65: {  	_ =	shalt  }
0x66: {  	_ =	shalt  }
0x67: {  	_ =	shalt  }
0x68: {  	_ =	shalt  }
0x69: {  	_ =	shalt  }
0x6a: {  	_ =	shalt  }
0x6b: {  	_ =	shalt  }
0x6c: {  	_ =	shalt  }
0x6d: {  	_ =	shalt  }
0x6e: {  	_ =	shalt  }
0x6f: {  	_ =	shalt  }
0x70: {  	_ =	shalt  }
0x71: {  	_ =	shalt  }
0x72: {  	_ =	shalt  }
0x73: {  	_ =	shalt  }
0x74: {  	_ =	shalt  }
0x75: {  	_ =	shalt  }
0x76: {  	_ =	shalt  }
0x77: {  	_ =	shalt  }
0x78: {  	_ =	shalt  }
0x79: {  	_ =	shalt  }
0x7a: {  	_ =	shalt  }
0x7b: {  	_ =	shalt  }
0x7c: {  	_ =	shalt  }
0x7d: {  	_ =	shalt  }
0x7e: {  	_ =	shalt  }
0x7f: {  	_ =	shalt  }
0x80: {  	_ =	shalt  }
0x81: {  	_ =	shalt  }
0x82: {  	_ =	shalt  }
0x83: {  	_ =	shalt  }
0x84: {  	_ =	shalt  }
0x85: {  	_ =	shalt  }
0x86: {  	_ =	shalt  }
0x87: {  	_ =	shalt  }
.Lfunc_end0:
.L_simem_size_0:
called_computation.1_lowered:
.L_overlay_start_0:
0x88: {  	s2 =	sld [smem:$0x3FD9]  }
0x89: {  	s3 =	sld [smem:$0x3FFE];
	_ =	sdelay $0x1  }
0x8a: {  	s1 =	srdreg.scid  }
0x8b: {  	s0 =	sand.u32 $0x1, s1  }
0x8c: {  	s16 =	sshll.u32 s0, $0xA;
	s2 =	sadd.s32 s3, s2  }
0x8d: {  	s2 =	sadd.s32 s2, s16  }
0x8e: {  	[smem:$0x3FBE] =	sst s2  }
0x8f: {  	_ = 	snop  }
0x90: {  	(tm) =	ssettm $0x1  }
0x91: {  	s17 =	sld [smem:$0x3FFB];
	_ =	sdelay $0x3  }
0x92: {  	_ =	strace s17  }
0x93: {  	s2 =	sld [smem:$0x3FFC];
	_ =	sdelay $0x3  }
0x94: {  	_ =	strace s2  }
0x95: {  	s2 =	sld [smem:$0x3FFD];
	_ =	sdelay $0x3  }
0x96: {  	_ =	strace s2  }
0x97: {  	_ =	strace $0x8FFFFFFF  }
0x98: {  	s18 =	sld [smem:$0x3FDB];
	_ =	sdelay $0x1  }
0x99: {  	s19 =	simm.s32 $_scs_section_size  }
0x9a: {  	s4 =	simm.s32 $_size__tile_overlayer_lowered;
	s5 =	simm.s32 $_tile_overlayer_lowered  }
0x9b: {  	s22 =	simm.s32 $0x1BFF;
	s21 =	sshll.u32 s5, $0x1;
	s2 =	sadd.s32 s19, s18  }
0x9c: {  	s6 =	simm.s32 $0x0;
	s20 =	sshll.u32 s4, $0x1;
	s4 =	sadd.s32 s21, s2  }
0x9d: {  	[timem:s6], [sflag:s22] =	dma.local [hbm:s4], s20  }
0x9e: {  	_ =	swait.ge [sflag:s22], s20  }
0x9f: {  	s3 =	ssub.s32 $0x0, s20;
	[sflag:s22] =	ssyncset.done $0x0  }
0xa0: {  	[sflag:s22] =	ssyncadd.s32 s3;
	_ =	sdelay $0x1  }
0xa1: {  	s23 =	simm.s32 $0x1B8B  }
0xa2: {  	_ =	swait.ge [sflag:s23], $0x1  }
0xa3: {  	[sflag:s23] =	ssyncset.done $0x0  }
0xa4: {  	s25 =	simm.s32 $0x1B8E;
	s24 =	sld [smem:$0x3FFE];
	[sflag:s23] =	ssyncadd.s32 $0xFFFFFFFF  }
0xa5: {  	s26 =	simm.s32 $execute0_lowered;
	[smem:$0x3FD2] =	sst s25  }
0xa6: {  	s4 =	sshll.u32 s26, $0x1;
	_ =	strace $0x80000049;
	[dreg:$0x1] =	wrdreg $0xFFFFFFFF  }
0xa7: {  	s28 =	simm.s32 $_size_execute0_lowered;
	s2 =	sadd.s32 s2, s4;
	[dreg:$0x0] =	wrdreg $0x0  }
0xa8: {  	s4 =	sshll.u32 s28, $0x1;
	[dreg:$0x2] =	wrdreg s2  }
0xa9: {  	[dreg:$0x3] =	wrdreg s4  }
0xaa: {  	[dreg:$0x4] =	wrdreg $0xC0  }
0xab: {  	_ =	task [dreg:s6], $0x5FFFF  }
0xac: {  	[dreg:$0x1] =	wrdreg $0xFFFFFFFF  }
0xad: {  	[dreg:$0x0] =	wrdreg $0x60  }
0xae: {  	[dreg:$0x2] =	wrdreg s24  }
0xaf: {  	[dreg:$0x3] =	wrdreg $0xC6200  }
0xb0: {  	[dreg:$0x4] =	wrdreg $0x9  }
0xb1: {  	_ =	task.clear_ibuf [dreg:s6], $0x5FFFF;
	_ =	strace $0x90000049  }
0xb2: {  	s29 =	simm.s32 $0x9;
	_ =	strace $0x8000004B  }
0xb3: {  	_ =	swait.ge [sflag:s29], $0x1  }
0xb4: {  	[sflag:s29] =	ssyncadd.s32 $0xFFFFFFFF  }
0xb5: {  	_ =	strace $0x9000004B  }
0xb6: {  	_ =	sfence  }
0xb7: {  	s30 =	sld [smem:$0x0];
	_ =	sdelay $0x2  }
0xb8: {  	s31 =	sshll.u32 s1, $0xD;
	s1 =	sshrl.u32 s1, $0x2  }
0xb9: {  	s3 =	sand.u32 $0x4000, s31;
	s1 =	sadd.s32 s1, s30  }
0xba: {  	s0 =	sor.u32 s3, s0;
	s1 =	sshll.u32 s1, $0x11  }
0xbb: {  	s0 =	sor.u32 s1, s0  }
0xbc: {  	s0 =	sadd.s32 $0x8F2B, s0  }
0xbd: {  	[sflag:s0] =	ssyncadd.remote.s32 $0x1  }
0xbe: {  	_ =	sfence.sel $0xFFFF  }
0xbf: {  	[dreg:$0x0] =	wrdreg $0xFFFFFFFF;
	(pc) =	sbr.abs _section_cstart, $3  }
0xc0: {  	[dreg:$0x1] =	wrdreg $0xFFFFFFFF  }
0xc1: {  	_ =	task.clear_ibuf [dreg:s6], $0x2FFFF;
	_ =	strace $0x9FFFFFFF  }
0xc2: {  	(tm) =	ssettm $0x7FFFFFFF  }
0xc3: {  	_ =	shalt  }
tec
execute0_lowered:
.L_overlay_start_1:
0x0: {  	(tag) =	ssettag $0x1  }
0x1: {  	s0 =	srdreg.scid;
	s1 =	rddreg [dreg:$0x0]  }
0x2: {  	s12 =	stileid.u32;
	s2 =	rddreg [dreg:$0x1];
	s13 =	simm.s32 $0x50  }
0x3: {  	s14 =	simm.s32 $0x4E20;
	s15 =	simm.s32 $0x6220;
	s17 =	simm.s32 $0x7620  }
0x4: {  	s19 =	simm.s32 $0x8A20;
	s21 =	simm.s32 $0x9E20;
	s23 =	simm.s32 $0xB220  }
0x5: {  	s28 =	simm.s32 $0x2;
	s29 =	simm.s32 $0x8;
	s30 =	simm.s32 $0x3  }
0x6: {  	s31 =	simm.s32 $0x9;
	s18 =	simm.s32 $0x6;
	s20 =	simm.s32 $0xC  }
0x7: {  	s22 =	simm.s32 $0x0;
	s0 =	sand.u32 $0x1, s0;
	s6 =	smul.u32 $0xA000, s12  }
0x8: {  	s26 =	sshll.u32 s12, $0x6;
	s3 =	sshll.u32 s0, $0x4;
	s7 =	smul.u32 $0x14000, s0  }
0x9: {  	s0 =	ssub.s32 $0x2, s0;
	s4 =	sor.u32 s12, s3;
	s3 =	simm.s32 $0x0  }
0xa: {  	s10 =	sshrl.u32 s6, $0x3;
	s11 =	sshrl.u32 s0, $0x1;
	s6 =	sadd.s32 s6, s2  }
0xb: {  	s5 =	smul.u32 $0x4E2, s4;
	[smem:$0x7FF] =	sst s3;
	s4 =	sadd.s32 $0x6D400, s1  }
0xc: {  	s9 =	sadd.s32 s10, s1;
	s7 =	sadd.s32 s7, s1;
	s0 =	ssub.s32 s0, s11  }
0xd: {  	s11 =	sor.u32 $0x1C0D, s26;
	s12 =	sshrl.u32 s6, $0x3;
	s26 =	simm.s32 $0x7  }
0xe: {  	_ =	strace $0x8000004A;
	s25 =	sadd.s32 $0x80E00, s9;
	s16 =	sadd.s32 $0x94E00, s7  }
0xf: {  	s0 =	smax.u32 s0, $0x1;
	s8 =	sadd.s32 s5, s1;
	[dreg:$0x4] =	wrdreg s25  }
0x10: {  	s1 =	sadd.s32 $0xBE40, s1;
	[dreg:$0x5] =	wrdreg s0;
	s24 =	sadd.s32 s10, s16  }
0x11: {  	s25 =	simm.s32 $0x1;
	s0 =	simm.s32 $0xA;
	s10 =	simm.s32 $0x5  }
0x12: {  	s16 =	simm.s32 $0xB;
	s8 =	sadd.s32 $0x2200, s8;
	s9 =	sadd.s32 s5, s1  }
0x13: {  	s1 =	simm.s32 $0x4;
	[dreg:$0x3] =	wrdreg s8;
	s8 =	simm.s32 $0xD  }
.LBB2_1:
0x14: {  	s5 =	rddreg [dreg:$0x3]  }
0x15: {  	[tilespmem:s3], [sflag:$0xD] =	stream.linear.gather [hbm4b:s5+s3], $0x2710, $0x38;
	[tilespmem:$0x16620] =	vst v63  }
0x16: {  	_ =	swait.ge [sflag:s8], $0x2710  }
0x17: {  	[sflag:s8] =	ssyncset.done $0x0  }
0x18: {  	s7 =	simm.s32 $0x2710;
	[sflag:s8] =	ssyncadd.s32 $0xFFFFD8F0  }
0x19: {  	[tilespmem:s7], [sflag:$0xD] =	stream.linear.gather [hbm4b:s9+s3], $0x2710, $0x38;
	[tilespmem:$0x16620] =	vst v63  }
0x1a: {  	_ =	swait.ge [sflag:s8], $0x2710  }
0x1b: {  	[sflag:s8] =	ssyncset.done $0x0  }
0x1c: {  	s6 =	rddreg [dreg:$0x4];
	[sflag:s8] =	ssyncadd.s32 $0xFFFFD8F0  }
0x1d: {  	[spmem:s12], [sflag:s11] =	dma.local [hbm:s6], $0x1400  }
0x1e: {  	_ =	swait.ge [sflag:s8], $0x1400  }
0x1f: {  	[sflag:s8] =	ssyncset.done $0x0  }
0x20: {  	[sflag:s8] =	ssyncadd.s32 $0xFFFFEC00  }
0x21: {  	[bflag:$0x0] =	sbarrier.arrive $0xFFFF  }
0x22: {  	[tilespmem:s14], [sflag:$0x1] =	stream.indirect.gather [hbm4b:s4+s13], $0x40, s3, s13, $0xb8;
	[tilespmem:$0x16620] =	vst v63  }
0x23: {  	_ = 	snop  }
0x24: {  	[tilespmem:s15], [sflag:$0x2] =	stream.indirect.gather [hbm4b:s4+s13], $0x40, s13, s13, $0xb8;
	[tilespmem:$0x16620] =	vst v63  }
0x25: {  	s7 =	simm.s32 $0xA0  }
0x26: {  	[tilespmem:s17], [sflag:$0x3] =	stream.indirect.gather [hbm4b:s4+s13], $0x40, s7, s13, $0xb8;
	[tilespmem:$0x16620] =	vst v63  }
0x27: {  	s6 =	simm.s32 $0xF0  }
0x28: {  	[tilespmem:s19], [sflag:$0x4] =	stream.indirect.gather [hbm4b:s4+s13], $0x40, s6, s13, $0xb8;
	[tilespmem:$0x16620] =	vst v63  }
0x29: {  	s7 =	simm.s32 $0x140  }
0x2a: {  	[tilespmem:s21], [sflag:$0x5] =	stream.indirect.gather [hbm4b:s4+s13], $0x40, s7, s13, $0xb8;
	[tilespmem:$0x16620] =	vst v63  }
0x2b: {  	s6 =	simm.s32 $0x190  }
0x2c: {  	[tilespmem:s23], [sflag:$0x6] =	stream.indirect.gather [hbm4b:s4+s13], $0x40, s6, s13, $0xb8;
	[tilespmem:$0x16620] =	vst v63  }
0x2d: {  	_ =	swait.ge [sflag:s25], $0x1400  }
0x2e: {  	[sflag:s25] =	ssyncset.done $0x0  }
0x2f: {  	s7 =	simm.s32 $0x2710;
	[sflag:s25] =	ssyncadd.s32 $0xFFFFEC00  }
0x30: {  	[spmem:s2] =	stream.indirect.scatter.add.f32 [tilespmem:s14], [sflag:$0x7], $0x40, s7, s13, $0xb8;
	[tilespmem:$0x16620] =	vst v63  }
0x31: {  	_ =	swait.ge [sflag:s26], $0x1400  }
0x32: {  	[sflag:s26] =	ssyncset.done $0x0  }
0x33: {  	s6 =	simm.s32 $0x1E0;
	[sflag:s26] =	ssyncadd.s32 $0xFFFFEC00  }
0x34: {  	[tilespmem:s14], [sflag:$0x1] =	stream.indirect.gather [hbm4b:s4+s13], $0x40, s6, s13, $0xb8;
	[tilespmem:$0x16620] =	vst v63  }
0x35: {  	_ =	swait.ge [sflag:s28], $0x1400  }
0x36: {  	[sflag:s28] =	ssyncset.done $0x0  }
0x37: {  	s7 =	simm.s32 $0x2760;
	[sflag:s28] =	ssyncadd.s32 $0xFFFFEC00  }
0x38: {  	[spmem:s2] =	stream.indirect.scatter.add.f32 [tilespmem:s15], [sflag:$0x8], $0x40, s7, s13, $0xb8;
	[tilespmem:$0x16620] =	vst v63  }
0x39: {  	_ =	swait.ge [sflag:s29], $0x1400  }
0x3a: {  	[sflag:s29] =	ssyncset.done $0x0  }
0x3b: {  	s6 =	simm.s32 $0x230;
	[sflag:s29] =	ssyncadd.s32 $0xFFFFEC00  }
0x3c: {  	[tilespmem:s15], [sflag:$0x2] =	stream.indirect.gather [hbm4b:s4+s13], $0x40, s6, s13, $0xb8;
	[tilespmem:$0x16620] =	vst v63  }
0x3d: {  	_ =	swait.ge [sflag:s30], $0x1400  }
0x3e: {  	[sflag:s30] =	ssyncset.done $0x0  }
0x3f: {  	s7 =	simm.s32 $0x27B0;
	[sflag:s30] =	ssyncadd.s32 $0xFFFFEC00  }
0x40: {  	[spmem:s2] =	stream.indirect.scatter.add.f32 [tilespmem:s17], [sflag:$0x9], $0x40, s7, s13, $0xb8;
	[tilespmem:$0x16620] =	vst v63  }
0x41: {  	_ =	swait.ge [sflag:s31], $0x1400  }
0x42: {  	[sflag:s31] =	ssyncset.done $0x0  }
0x43: {  	s6 =	simm.s32 $0x280;
	[sflag:s31] =	ssyncadd.s32 $0xFFFFEC00  }
0x44: {  	[tilespmem:s17], [sflag:$0x3] =	stream.indirect.gather [hbm4b:s4+s13], $0x40, s6, s13, $0xb8;
	[tilespmem:$0x16620] =	vst v63  }
0x45: {  	_ =	swait.ge [sflag:s1], $0x1400  }
0x46: {  	[sflag:s1] =	ssyncset.done $0x0  }
0x47: {  	s7 =	simm.s32 $0x2800;
	[sflag:s1] =	ssyncadd.s32 $0xFFFFEC00  }
0x48: {  	[spmem:s2] =	stream.indirect.scatter.add.f32 [tilespmem:s19], [sflag:$0xA], $0x40, s7, s13, $0xb8;
	[tilespmem:$0x16620] =	vst v63  }
0x49: {  	_ =	swait.ge [sflag:s0], $0x1400  }
0x4a: {  	[sflag:s0] =	ssyncset.done $0x0  }
0x4b: {  	s6 =	simm.s32 $0x2D0;
	[sflag:s0] =	ssyncadd.s32 $0xFFFFEC00  }
0x4c: {  	[tilespmem:s19], [sflag:$0x4] =	stream.indirect.gather [hbm4b:s4+s13], $0x40, s6, s13, $0xb8;
	[tilespmem:$0x16620] =	vst v63  }
0x4d: {  	_ =	swait.ge [sflag:s10], $0x1400  }
0x4e: {  	[sflag:s10] =	ssyncset.done $0x0  }
0x4f: {  	s7 =	simm.s32 $0x2850;
	[sflag:s10] =	ssyncadd.s32 $0xFFFFEC00  }
0x50: {  	[spmem:s2] =	stream.indirect.scatter.add.f32 [tilespmem:s21], [sflag:$0xB], $0x40, s7, s13, $0xb8;
	[tilespmem:$0x16620] =	vst v63  }
0x51: {  	_ =	swait.ge [sflag:s16], $0x1400  }
0x52: {  	[sflag:s16] =	ssyncset.done $0x0  }
0x53: {  	s6 =	simm.s32 $0x320;
	[sflag:s16] =	ssyncadd.s32 $0xFFFFEC00  }
0x54: {  	[tilespmem:s21], [sflag:$0x5] =	stream.indirect.gather [hbm4b:s4+s13], $0x40, s6, s13, $0xb8;
	[tilespmem:$0x16620] =	vst v63  }
0x55: {  	_ =	swait.ge [sflag:s18], $0x1400  }
0x56: {  	[sflag:s18] =	ssyncset.done $0x0  }
0x57: {  	s7 =	simm.s32 $0x28A0;
	[sflag:s18] =	ssyncadd.s32 $0xFFFFEC00  }
0x58: {  	[spmem:s2] =	stream.indirect.scatter.add.f32 [tilespmem:s23], [sflag:$0xC], $0x40, s7, s13, $0xb8;
	[tilespmem:$0x16620] =	vst v63  }
0x59: {  	_ =	swait.ge [sflag:s20], $0x1400  }
0x5a: {  	[sflag:s20] =	ssyncset.done $0x0  }
0x5b: {  	s5 =	simm.s32 $0x780;
	s6 =	simm.s32 $0x370;
	[sflag:s20] =	ssyncadd.s32 $0xFFFFEC00  }
.LBB2_2:
0x5c: {  	[tilespmem:s23], [sflag:$0x6] =	stream.indirect.gather [hbm4b:s4+s13], $0x40, s6, s13, $0xb8;
	[tilespmem:$0x16620] =	vst v63  }
0x5d: {  	s6 =	smov.u32 s5  }
0x5e: {  	p0 =	sne.s32 s5, $0x8700;
	s5 =	sadd.s32 $0x780, s5;
	_ =	swait.ge [sflag:s25], $0x1400  }
0x5f: {  	s6 =	sshra.s32 s6, $0x2;
	[sflag:s25] =	ssyncset.done $0x0  }
0x60: {  	s7 =	sadd.s32 $0x2710, s6;
	[sflag:s25] =	ssyncadd.s32 $0xFFFFEC00  }
0x61: {  	[spmem:s2] =	stream.indirect.scatter.add.f32 [tilespmem:s14], [sflag:$0x7], $0x40, s7, s13, $0xb8;
	[tilespmem:$0x16620] =	vst v63  }
0x62: {  	_ =	swait.ge [sflag:s26], $0x1400  }
0x63: {  	[sflag:s26] =	ssyncset.done $0x0  }
0x64: {  	s7 =	sadd.s32 $0x1E0, s6;
	[sflag:s26] =	ssyncadd.s32 $0xFFFFEC00  }
0x65: {  	[tilespmem:s14], [sflag:$0x1] =	stream.indirect.gather [hbm4b:s4+s13], $0x40, s7, s13, $0xb8;
	[tilespmem:$0x16620] =	vst v63  }
0x66: {  	_ =	swait.ge [sflag:s28], $0x1400  }
0x67: {  	[sflag:s28] =	ssyncset.done $0x0  }
0x68: {  	s7 =	sadd.s32 $0x2760, s6;
	[sflag:s28] =	ssyncadd.s32 $0xFFFFEC00  }
0x69: {  	[spmem:s2] =	stream.indirect.scatter.add.f32 [tilespmem:s15], [sflag:$0x8], $0x40, s7, s13, $0xb8;
	[tilespmem:$0x16620] =	vst v63  }
0x6a: {  	_ =	swait.ge [sflag:s29], $0x1400  }
0x6b: {  	[sflag:s29] =	ssyncset.done $0x0  }
0x6c: {  	s7 =	sadd.s32 $0x230, s6;
	[sflag:s29] =	ssyncadd.s32 $0xFFFFEC00  }
0x6d: {  	[tilespmem:s15], [sflag:$0x2] =	stream.indirect.gather [hbm4b:s4+s13], $0x40, s7, s13, $0xb8;
	[tilespmem:$0x16620] =	vst v63  }
0x6e: {  	_ =	swait.ge [sflag:s30], $0x1400  }
0x6f: {  	[sflag:s30] =	ssyncset.done $0x0  }
0x70: {  	s7 =	sadd.s32 $0x27B0, s6;
	[sflag:s30] =	ssyncadd.s32 $0xFFFFEC00  }
0x71: {  	[spmem:s2] =	stream.indirect.scatter.add.f32 [tilespmem:s17], [sflag:$0x9], $0x40, s7, s13, $0xb8;
	[tilespmem:$0x16620] =	vst v63  }
0x72: {  	_ =	swait.ge [sflag:s31], $0x1400  }
0x73: {  	[sflag:s31] =	ssyncset.done $0x0  }
0x74: {  	s7 =	sadd.s32 $0x280, s6;
	[sflag:s31] =	ssyncadd.s32 $0xFFFFEC00  }
0x75: {  	[tilespmem:s17], [sflag:$0x3] =	stream.indirect.gather [hbm4b:s4+s13], $0x40, s7, s13, $0xb8;
	[tilespmem:$0x16620] =	vst v63  }
0x76: {  	_ =	swait.ge [sflag:s1], $0x1400  }
0x77: {  	[sflag:s1] =	ssyncset.done $0x0  }
0x78: {  	s7 =	sadd.s32 $0x2800, s6;
	[sflag:s1] =	ssyncadd.s32 $0xFFFFEC00  }
0x79: {  	[spmem:s2] =	stream.indirect.scatter.add.f32 [tilespmem:s19], [sflag:$0xA], $0x40, s7, s13, $0xb8;
	[tilespmem:$0x16620] =	vst v63  }
0x7a: {  	_ =	swait.ge [sflag:s0], $0x1400  }
0x7b: {  	[sflag:s0] =	ssyncset.done $0x0  }
0x7c: {  	s7 =	sadd.s32 $0x2D0, s6;
	[sflag:s0] =	ssyncadd.s32 $0xFFFFEC00  }
0x7d: {  	[tilespmem:s19], [sflag:$0x4] =	stream.indirect.gather [hbm4b:s4+s13], $0x40, s7, s13, $0xb8;
	[tilespmem:$0x16620] =	vst v63  }
0x7e: {  	_ =	swait.ge [sflag:s10], $0x1400  }
0x7f: {  	[sflag:s10] =	ssyncset.done $0x0  }
0x80: {  	s7 =	sadd.s32 $0x2850, s6;
	[sflag:s10] =	ssyncadd.s32 $0xFFFFEC00  }
0x81: {  	[spmem:s2] =	stream.indirect.scatter.add.f32 [tilespmem:s21], [sflag:$0xB], $0x40, s7, s13, $0xb8;
	[tilespmem:$0x16620] =	vst v63  }
0x82: {  	_ =	swait.ge [sflag:s16], $0x1400  }
0x83: {  	[sflag:s16] =	ssyncset.done $0x0  }
0x84: {  	s7 =	sadd.s32 $0x320, s6;
	[sflag:s16] =	ssyncadd.s32 $0xFFFFEC00  }
0x85: {  	[tilespmem:s21], [sflag:$0x5] =	stream.indirect.gather [hbm4b:s4+s13], $0x40, s7, s13, $0xb8;
	[tilespmem:$0x16620] =	vst v63  }
0x86: {  	_ =	swait.ge [sflag:s18], $0x1400  }
0x87: {  	[sflag:s18] =	ssyncset.done $0x0  }
.Ltmp0:
0x88: {  	s7 =	sadd.s32 $0x28A0, s6;
	[sflag:s18] =	ssyncadd.s32 $0xFFFFEC00;
	(pc) =	sbr.rel @p0 .LBB2_2-.Ltmp0, $4  }
0x89: {  	[spmem:s2] =	stream.indirect.scatter.add.f32 [tilespmem:s23], [sflag:$0xC], $0x40, s7, s13, $0xb8;
	[tilespmem:$0x16620] =	vst v63  }
0x8a: {  	_ =	swait.ge [sflag:s20], $0x1400  }
0x8b: {  	[sflag:s20] =	ssyncset.done $0x0  }
0x8c: {  	s6 =	sadd.s32 $0x370, s6;
	[sflag:s20] =	ssyncadd.s32 $0xFFFFEC00  }
0x8d: {  	[tilespmem:s23], [sflag:$0x6] =	stream.indirect.gather [hbm4b:s4+s13], $0x40, s6, s13, $0xb8;
	[tilespmem:$0x16620] =	vst v63  }
0x8e: {  	_ =	swait.ge [sflag:s25], $0x1400  }
0x8f: {  	[sflag:s25] =	ssyncset.done $0x0  }
0x90: {  	s5 =	simm.s32 $0x4AB0;
	[sflag:s25] =	ssyncadd.s32 $0xFFFFEC00  }
0x91: {  	[spmem:s2] =	stream.indirect.scatter.add.f32 [tilespmem:s14], [sflag:$0x7], $0x40, s5, s13, $0xb8;
	[tilespmem:$0x16620] =	vst v63  }
0x92: {  	_ =	swait.ge [sflag:s26], $0x1400  }
0x93: {  	[sflag:s26] =	ssyncset.done $0x0  }
0x94: {  	s6 =	simm.s32 $0x2580;
	[sflag:s26] =	ssyncadd.s32 $0xFFFFEC00  }
0x95: {  	[tilespmem:s14], [sflag:$0x1] =	stream.indirect.gather [hbm4b:s4+s13], $0x40, s6, s13, $0xb8;
	[tilespmem:$0x16620] =	vst v63  }
0x96: {  	_ =	swait.ge [sflag:s28], $0x1400  }
0x97: {  	[sflag:s28] =	ssyncset.done $0x0  }
0x98: {  	s7 =	simm.s32 $0x4B00;
	[sflag:s28] =	ssyncadd.s32 $0xFFFFEC00  }
0x99: {  	[spmem:s2] =	stream.indirect.scatter.add.f32 [tilespmem:s15], [sflag:$0x8], $0x40, s7, s13, $0xb8;
	[tilespmem:$0x16620] =	vst v63  }
0x9a: {  	_ =	swait.ge [sflag:s29], $0x1400  }
0x9b: {  	[sflag:s29] =	ssyncset.done $0x0  }
0x9c: {  	s6 =	simm.s32 $0x25D0;
	[sflag:s29] =	ssyncadd.s32 $0xFFFFEC00  }
0x9d: {  	[tilespmem:s15], [sflag:$0x2] =	stream.indirect.gather [hbm4b:s4+s13], $0x40, s6, s13, $0xb8;
	[tilespmem:$0x16620] =	vst v63  }
0x9e: {  	_ =	swait.ge [sflag:s30], $0x1400  }
0x9f: {  	[sflag:s30] =	ssyncset.done $0x0  }
0xa0: {  	s7 =	simm.s32 $0x4B50;
	[sflag:s30] =	ssyncadd.s32 $0xFFFFEC00  }
0xa1: {  	[spmem:s2] =	stream.indirect.scatter.add.f32 [tilespmem:s17], [sflag:$0x9], $0x40, s7, s13, $0xb8;
	[tilespmem:$0x16620] =	vst v63  }
0xa2: {  	_ =	swait.ge [sflag:s31], $0x1400  }
0xa3: {  	[sflag:s31] =	ssyncset.done $0x0  }
0xa4: {  	s6 =	simm.s32 $0x2620;
	[sflag:s31] =	ssyncadd.s32 $0xFFFFEC00  }
0xa5: {  	[tilespmem:s17], [sflag:$0x3] =	stream.indirect.gather [hbm4b:s4+s13], $0x40, s6, s13, $0xb8;
	[tilespmem:$0x16620] =	vst v63  }
0xa6: {  	_ =	swait.ge [sflag:s1], $0x1400  }
0xa7: {  	[sflag:s1] =	ssyncset.done $0x0  }
0xa8: {  	s7 =	simm.s32 $0x4BA0;
	[sflag:s1] =	ssyncadd.s32 $0xFFFFEC00  }
0xa9: {  	[spmem:s2] =	stream.indirect.scatter.add.f32 [tilespmem:s19], [sflag:$0xA], $0x40, s7, s13, $0xb8;
	[tilespmem:$0x16620] =	vst v63  }
0xaa: {  	_ =	swait.ge [sflag:s0], $0x1400  }
0xab: {  	[sflag:s0] =	ssyncset.done $0x0  }
0xac: {  	s6 =	simm.s32 $0x2670;
	[sflag:s0] =	ssyncadd.s32 $0xFFFFEC00  }
0xad: {  	[tilespmem:s19], [sflag:$0x4] =	stream.indirect.gather [hbm4b:s4+s13], $0x40, s6, s13, $0xb8;
	[tilespmem:$0x16620] =	vst v63  }
0xae: {  	_ =	swait.ge [sflag:s10], $0x1400  }
0xaf: {  	[sflag:s10] =	ssyncset.done $0x0  }
0xb0: {  	s7 =	simm.s32 $0x4BF0;
	[sflag:s10] =	ssyncadd.s32 $0xFFFFEC00  }
0xb1: {  	[spmem:s2] =	stream.indirect.scatter.add.f32 [tilespmem:s21], [sflag:$0xB], $0x40, s7, s13, $0xb8;
	[tilespmem:$0x16620] =	vst v63  }
0xb2: {  	_ =	swait.ge [sflag:s16], $0x1400  }
0xb3: {  	[sflag:s16] =	ssyncset.done $0x0  }
0xb4: {  	s6 =	simm.s32 $0x26C0;
	[sflag:s16] =	ssyncadd.s32 $0xFFFFEC00  }
0xb5: {  	[tilespmem:s21], [sflag:$0x5] =	stream.indirect.gather [hbm4b:s4+s13], $0x40, s6, s13, $0xb8;
	[tilespmem:$0x16620] =	vst v63  }
0xb6: {  	_ =	swait.ge [sflag:s18], $0x1400  }
0xb7: {  	[sflag:s18] =	ssyncset.done $0x0  }
0xb8: {  	s7 =	simm.s32 $0x4C40;
	[sflag:s18] =	ssyncadd.s32 $0xFFFFEC00  }
0xb9: {  	[spmem:s2] =	stream.indirect.scatter.add.f32 [tilespmem:s23], [sflag:$0xC], $0x40, s7, s13, $0xb8;
	[tilespmem:$0x16620] =	vst v63  }
0xba: {  	_ =	swait.ge [sflag:s25], $0x1400  }
0xbb: {  	[sflag:s25] =	ssyncset.done $0x0  }
0xbc: {  	s6 =	simm.s32 $0x4C90;
	[sflag:s25] =	ssyncadd.s32 $0xFFFFEC00  }
0xbd: {  	[spmem:s2] =	stream.indirect.scatter.add.f32 [tilespmem:s14], [sflag:$0x7], $0x40, s6, s13, $0xb8;
	[tilespmem:$0x16620] =	vst v63  }
0xbe: {  	_ =	swait.ge [sflag:s28], $0x1400  }
0xbf: {  	[sflag:s28] =	ssyncset.done $0x0  }
0xc0: {  	s7 =	simm.s32 $0x4CE0;
	[sflag:s28] =	ssyncadd.s32 $0xFFFFEC00  }
0xc1: {  	[spmem:s2] =	stream.indirect.scatter.add.f32 [tilespmem:s15], [sflag:$0x8], $0x40, s7, s13, $0xb8;
	[tilespmem:$0x16620] =	vst v63  }
0xc2: {  	_ =	swait.ge [sflag:s30], $0x1400  }
0xc3: {  	[sflag:s30] =	ssyncset.done $0x0  }
0xc4: {  	s6 =	simm.s32 $0x4D30;
	[sflag:s30] =	ssyncadd.s32 $0xFFFFEC00  }
0xc5: {  	[spmem:s2] =	stream.indirect.scatter.add.f32 [tilespmem:s17], [sflag:$0x9], $0x40, s6, s13, $0xb8;
	[tilespmem:$0x16620] =	vst v63  }
0xc6: {  	_ =	swait.ge [sflag:s1], $0x1400  }
0xc7: {  	[sflag:s1] =	ssyncset.done $0x0  }
0xc8: {  	s7 =	simm.s32 $0x4D80;
	[sflag:s1] =	ssyncadd.s32 $0xFFFFEC00  }
0xc9: {  	[spmem:s2] =	stream.indirect.scatter.add.f32 [tilespmem:s19], [sflag:$0xA], $0x40, s7, s13, $0xb8;
	[tilespmem:$0x16620] =	vst v63  }
0xca: {  	_ =	swait.ge [sflag:s10], $0x1400  }
0xcb: {  	[sflag:s10] =	ssyncset.done $0x0  }
0xcc: {  	s6 =	simm.s32 $0x4DD0;
	[sflag:s10] =	ssyncadd.s32 $0xFFFFEC00  }
0xcd: {  	[spmem:s2] =	stream.indirect.scatter.add.f32 [tilespmem:s21], [sflag:$0xB], $0x40, s6, s13, $0xb8;
	[tilespmem:$0x16620] =	vst v63  }
0xce: {  	_ =	swait.ge [sflag:s26], $0x1400  }
0xcf: {  	[sflag:s26] =	ssyncset.done $0x0  }
0xd0: {  	[sflag:s26] =	ssyncadd.s32 $0xFFFFEC00  }
0xd1: {  	_ =	swait.ge [sflag:s29], $0x1400  }
0xd2: {  	[sflag:s29] =	ssyncset.done $0x0  }
0xd3: {  	[sflag:s29] =	ssyncadd.s32 $0xFFFFEC00  }
0xd4: {  	_ =	swait.ge [sflag:s31], $0x1400  }
0xd5: {  	[sflag:s31] =	ssyncset.done $0x0  }
0xd6: {  	[sflag:s31] =	ssyncadd.s32 $0xFFFFEC00  }
0xd7: {  	_ =	swait.ge [sflag:s0], $0x1400  }
0xd8: {  	[sflag:s0] =	ssyncset.done $0x0  }
0xd9: {  	[sflag:s0] =	ssyncadd.s32 $0xFFFFEC00  }
0xda: {  	_ =	swait.ge [sflag:s16], $0x1400  }
0xdb: {  	[sflag:s16] =	ssyncset.done $0x0  }
0xdc: {  	[sflag:s16] =	ssyncadd.s32 $0xFFFFEC00  }
0xdd: {  	_ =	swait.ge [sflag:s20], $0x1400  }
0xde: {  	[sflag:s20] =	ssyncset.done $0x0  }
0xdf: {  	[sflag:s20] =	ssyncadd.s32 $0xFFFFEC00  }
0xe0: {  	[bflag:$0x0] =	sbarrier.arrive $0xFFFF  }
0xe1: {  	[hbm:s24], [sflag:s11] =	dma.local [spmem:s12], $0x1400  }
0xe2: {  	_ =	swait.ge [sflag:s8], $0x1400  }
0xe3: {  	s22 =	sadd.s32 $0x1, s22;
	s7 =	rddreg [dreg:$0x5]  }
0xe4: {  	p0 =	sne.s32 s22, s7  }
.Ltmp1:
0xe5: {  	_ = 	snop;
	(pc) =	sbr.rel @p0 .LBB2_1-.Ltmp1, $3  }
0xe6: {  	_ =	sdelay $0x1  }
0xe7: {  	[sflag:s8] =	ssyncset.done $0x0  }
0xe8: {  	[sflag:s8] =	ssyncadd.s32 $0xFFFFEC00  }
0xe9: {  	_ =	sfence.sel $0x180000  }
0xea: {  	[bflag:$0x0] =	sbarrier.arrive $0xFFFF  }
0xeb: {  	_ =	strace $0x9000004A  }
0xec: {  	s0 =	stileid.u32;
	[bflag:$0x2] =	sbarrier.arrive $0xFFFF  }
0xed: {  	p0 =	sne.s32 s0, $0x0;
	s0 =	rddreg [dreg:$0x2]  }
0xee: {  	s0 =	sadd.s32 @!p0 $0x100000, s0  }
0xef: {  	[sflag:s0] =	ssyncadd.tile.s32 @!p0 $0x1;
	_ =	shalt  }
.Lfunc_end2:
_tile_overlayer_lowered:
.L_overlay_start_2:
0xf0: {  	(tag) =	ssettag $0x2  }
0xf1: {  	s0 =	rddreg [dreg:$0x0];
	s2 =	stileid.u32  }
0xf2: {  	s1 =	rddreg [dreg:$0x1];
	p0 =	sne.s32 s2, $0x0  }
0xf3: {  	s3 =	rddreg [dreg:$0x2];
	[bflag:$0x3] =	sbarrier.arrive $0xFFFF;
	s2 =	simm.s32 @!p0 $0x1C0D  }
0xf4: {  	[timem:s3], [sflag:s2] =	dma.local @!p0 [hbm:s0], s1  }
0xf5: {  	s0 =	simm.s32 @!p0 $0xD  }
0xf6: {  	_ =	swait.ge @!p0 [sflag:s0], s1  }
0xf7: {  	s1 =	ssub.s32 @!p0 $0x0, s1;
	[sflag:s0] =	ssyncset.done @!p0 $0x0  }
0xf8: {  	[sflag:s0] =	ssyncadd.s32 @!p0 s1  }
0xf9: {  	[bflag:$0x3] =	sbarrier.arrive $0xFFFF  }
0xfa: {  	_ =	shalt  }

// kernel: kernel.14.cloned.1.call-start
scs
__scs_entry_jumppad:
0x0: {  	(pc) =	sbr.rel $0x88, $3  }
0x1: {  	(tag) =	ssettag $0x0;
	lr =	simm.s32 $0x1  }
0x2: {  	[smem:$0x3F97] =	sst lr;
	_ =	strace $0xD0000000  }
0x3: {  	_ = 	snop  }
0x4: {  	_ = 	snop  }
0x5: {  	_ = 	snop  }
0x6: {  	_ = 	snop  }
0x7: {  	_ = 	snop  }
__scs_overlays_trampoline_lowered:
0x8: {  	[smem:$0x3FA6] =	sst s0  }
0x9: {  	[smem:$0x3FA7] =	sst s1  }
0xa: {  	[smem:$0x3FA8] =	sst s2  }
0xb: {  	[smem:$0x3FA9] =	sst s3  }
0xc: {  	[smem:$0x3FAA] =	sst s4  }
0xd: {  	[smem:$0x3FAB] =	sst s5  }
0xe: {  	[smem:$0x3FAC] =	sst s6  }
0xf: {  	[smem:$0x3FAD] =	sst s7  }
0x10: {  	[smem:$0x3FAE] =	sst s8  }
0x11: {  	[smem:$0x3FAF] =	sst s9;
	s0 =	simm.s32 @!p0 $0x0  }
0x12: {  	s1 =	sld [smem:$0x3F95];
	s0 =	simm.s32 @p0 $0x1  }
0x13: {  	[smem:$0x3FB0] =	sst s0;
	s0 =	simm.s32 @!p1 $0x0  }
0x14: {  	s2 =	sld [smem:$0x3F94];
	s0 =	simm.s32 @p1 $0x1  }
0x15: {  	[smem:$0x3FB1] =	sst s0;
	s0 =	simm.s32 @!p2 $0x0  }
0x16: {  	s3 =	sld [smem:$0x3FDB];
	s0 =	simm.s32 @p2 $0x1  }
0x17: {  	s4 =	simm.s32 $0x1BF5;
	[smem:$0x3FB3] =	sst s0  }
0x18: {  	s0 =	sld [smem:$0x3F96];
	_ =	swait.ge [sflag:s4], $0x0  }
0x19: {  	s7 =	sld [smem:$0x3F97]  }
0x1a: {  	s8 =	sadd.s32 $0xFFFFE003, lr  }
0x1b: {  	s9 =	sadd.s32 $0xFFFFFEF7, lr;
	s5 =	simm.s32 $0xFFFFFFFF;
	p2 =	slt.u32 s8, $0xFFFFF086  }
0x1c: {  	p1 =	slt.u32 s9, $0xF7A;
	s5 =	simm.s32 @!p2 $0x0  }
0x1d: {  	s5 =	simm.s32 @p1 $0x1;
	p0 =	seq.s32 s7, s2  }
0x1e: {  	s7 =	smul.u32 @!p0 $0xF7A, s2;
	p2 =	seq.s32 @!p0 s5, $0x0  }
0x1f: {  	s9 =	smul.u32 $0xF7A, s1;
	s8 =	simm.s32 @!p0 $0x1BF5;
	p2 =	por !p2, p0  }
0x20: {  	[sflag:s8] =	ssyncset.s32 @!p0 $0xFFFFF086;
	s6 =	sadd.s32 @!p0 s3, s7;
	s7 =	simm.s32 @!p0 $0x108  }
0x21: {  	s3 =	sadd.s32 s3, s9;
	s6 =	sadd.s32 @!p0 $0x88, s6;
	s7 =	simm.s32 @p2 $0x1082  }
0x22: {  	[simem:s7], [sflag:s8] =	dma.local @!p0 [hbm:s6], $0xF7A  }
0x23: {  	s9 =	sor.u32 $0xD0000000, s2;
	s6 =	simm.s32 $0x108;
	_ =	swait.ge @!p0 [sflag:s8], $0x0  }
0x24: {  	s3 =	sadd.s32 $0x88, s3;
	s6 =	simm.s32 @!p1 $0x1082;
	[sflag:s4] =	ssyncset.s32 $0xFFFFF086  }
0x25: {  	[simem:s6], [sflag:s4] =	dma.local [hbm:s3], $0xF7A  }
0x26: {  	[smem:$0x3F97] =	sst s1;
	(tag) =	ssettag s2;
	_ =	strace s9  }
0x27: {  	s1 =	sld [smem:$0x3FA7]  }
0x28: {  	s2 =	sld [smem:$0x3FA8]  }
0x29: {  	s4 =	sld [smem:$0x3FAA]  }
0x2a: {  	p0 =	seq.s32 s5, $0x0;
	s5 =	sld [smem:$0x3FAB]  }
0x2b: {  	s6 =	sld [smem:$0x3FAC]  }
0x2c: {  	s7 =	sld [smem:$0x3FAD]  }
0x2d: {  	s3 =	simm.s32 $0x108;
	s8 =	sld [smem:$0x3FAE]  }
0x2e: {  	s3 =	simm.s32 @!p0 $0x1082;
	s9 =	sld [smem:$0x3FAF]  }
0x2f: {  	lr =	sadd.s32 s0, s3;
	s0 =	sld [smem:$0x3FA6]  }
0x30: {  	s3 =	sld [smem:$0x3FA9]  }
0x31: {  	[smem:$0x3FB2] =	sst s10  }
0x32: {  	s10 =	sld [smem:$0x3FB0];
	_ =	sdelay $0x3  }
0x33: {  	p0 =	seq.s32 s10, $0x1;
	s10 =	sld [smem:$0x3FB2];
	_ =	sdelay $0x3  }
0x34: {  	[smem:$0x3FB2] =	sst s10  }
0x35: {  	s10 =	sld [smem:$0x3FB1];
	_ =	sdelay $0x3  }
0x36: {  	p1 =	seq.s32 s10, $0x1;
	s10 =	sld [smem:$0x3FB2];
	_ =	sdelay $0x3  }
0x37: {  	[smem:$0x3FB2] =	sst s10  }
0x38: {  	s10 =	sld [smem:$0x3FB3]  }
0x39: {  	_ = 	snop;
	(pc) =	sbr.ind lr, $3  }
0x3a: {  	_ = 	snop  }
0x3b: {  	_ = 	snop  }
0x3c: {  	p2 =	seq.s32 s10, $0x1;
	s10 =	sld [smem:$0x3FB2]  }
0x3d: {  	_ =	shalt  }
0x3e: {  	_ =	shalt  }
0x3f: {  	_ =	shalt  }
0x40: {  	_ =	shalt  }
0x41: {  	_ =	shalt  }
0x42: {  	_ =	shalt  }
0x43: {  	_ =	shalt  }
0x44: {  	_ =	shalt  }
0x45: {  	_ =	shalt  }
0x46: {  	_ =	shalt  }
0x47: {  	_ =	shalt  }
0x48: {  	_ =	shalt  }
0x49: {  	_ =	shalt  }
0x4a: {  	_ =	shalt  }
0x4b: {  	_ =	shalt  }
0x4c: {  	_ =	shalt  }
0x4d: {  	_ =	shalt  }
0x4e: {  	_ =	shalt  }
0x4f: {  	_ =	shalt  }
0x50: {  	_ =	shalt  }
0x51: {  	_ =	shalt  }
0x52: {  	_ =	shalt  }
0x53: {  	_ =	shalt  }
0x54: {  	_ =	shalt  }
0x55: {  	_ =	shalt  }
0x56: {  	_ =	shalt  }
0x57: {  	_ =	shalt  }
0x58: {  	_ =	shalt  }
0x59: {  	_ =	shalt  }
0x5a: {  	_ =	shalt  }
0x5b: {  	_ =	shalt  }
0x5c: {  	_ =	shalt  }
0x5d: {  	_ =	shalt  }
0x5e: {  	_ =	shalt  }
0x5f: {  	_ =	shalt  }
0x60: {  	_ =	shalt  }
0x61: {  	_ =	shalt  }
0x62: {  	_ =	shalt  }
0x63: {  	_ =	shalt  }
0x64: {  	_ =	shalt  }
0x65: {  	_ =	shalt  }
0x66: {  	_ =	shalt  }
0x67: {  	_ =	shalt  }
0x68: {  	_ =	shalt  }
0x69: {  	_ =	shalt  }
0x6a: {  	_ =	shalt  }
0x6b: {  	_ =	shalt  }
0x6c: {  	_ =	shalt  }
0x6d: {  	_ =	shalt  }
0x6e: {  	_ =	shalt  }
0x6f: {  	_ =	shalt  }
0x70: {  	_ =	shalt  }
0x71: {  	_ =	shalt  }
0x72: {  	_ =	shalt  }
0x73: {  	_ =	shalt  }
0x74: {  	_ =	shalt  }
0x75: {  	_ =	shalt  }
0x76: {  	_ =	shalt  }
0x77: {  	_ =	shalt  }
0x78: {  	_ =	shalt  }
0x79: {  	_ =	shalt  }
0x7a: {  	_ =	shalt  }
0x7b: {  	_ =	shalt  }
0x7c: {  	_ =	shalt  }
0x7d: {  	_ =	shalt  }
0x7e: {  	_ =	shalt  }
0x7f: {  	_ =	shalt  }
0x80: {  	_ =	shalt  }
0x81: {  	_ =	shalt  }
0x82: {  	_ =	shalt  }
0x83: {  	_ =	shalt  }
0x84: {  	_ =	shalt  }
0x85: {  	_ =	shalt  }
0x86: {  	_ =	shalt  }
0x87: {  	_ =	shalt  }
.Lfunc_end0:
.L_simem_size_0:
called_computation.2_lowered:
.L_overlay_start_0:
0x88: {  	s2 =	sld [smem:$0x3FD9]  }
0x89: {  	s3 =	sld [smem:$0x3FFE];
	_ =	sdelay $0x1  }
0x8a: {  	s1 =	srdreg.scid  }
0x8b: {  	s0 =	sand.u32 $0x1, s1  }
0x8c: {  	s16 =	sshll.u32 s0, $0xA;
	s2 =	sadd.s32 s3, s2  }
0x8d: {  	s2 =	sadd.s32 s2, s16  }
0x8e: {  	[smem:$0x3FBE] =	sst s2  }
0x8f: {  	_ = 	snop  }
0x90: {  	(tm) =	ssettm $0x1  }
0x91: {  	s17 =	sld [smem:$0x3FFB];
	_ =	sdelay $0x3  }
0x92: {  	_ =	strace s17  }
0x93: {  	s2 =	sld [smem:$0x3FFC];
	_ =	sdelay $0x3  }
0x94: {  	_ =	strace s2  }
0x95: {  	s2 =	sld [smem:$0x3FFD];
	_ =	sdelay $0x3  }
0x96: {  	_ =	strace s2  }
0x97: {  	_ =	strace $0x8FFFFFFF  }
0x98: {  	s18 =	sld [smem:$0x3FDB];
	_ =	sdelay $0x1  }
0x99: {  	s19 =	simm.s32 $_scs_section_size  }
0x9a: {  	s4 =	simm.s32 $_size__tile_overlayer_lowered;
	s5 =	simm.s32 $_tile_overlayer_lowered  }
0x9b: {  	s22 =	simm.s32 $0x1BFF;
	s21 =	sshll.u32 s5, $0x1;
	s2 =	sadd.s32 s19, s18  }
0x9c: {  	s6 =	simm.s32 $0x0;
	s20 =	sshll.u32 s4, $0x1;
	s4 =	sadd.s32 s21, s2  }
0x9d: {  	[timem:s6], [sflag:s22] =	dma.local [hbm:s4], s20  }
0x9e: {  	_ =	swait.ge [sflag:s22], s20  }
0x9f: {  	s3 =	ssub.s32 $0x0, s20;
	[sflag:s22] =	ssyncset.done $0x0  }
0xa0: {  	[sflag:s22] =	ssyncadd.s32 s3;
	_ =	sdelay $0x1  }
0xa1: {  	s23 =	simm.s32 $0x1B8B  }
0xa2: {  	_ =	swait.ge [sflag:s23], $0x1  }
0xa3: {  	[sflag:s23] =	ssyncset.done $0x0  }
0xa4: {  	s25 =	simm.s32 $0x1B8E;
	s24 =	sld [smem:$0x3FFE];
	[sflag:s23] =	ssyncadd.s32 $0xFFFFFFFF  }
0xa5: {  	s26 =	simm.s32 $execute0_lowered;
	[smem:$0x3FD2] =	sst s25  }
0xa6: {  	s4 =	sshll.u32 s26, $0x1;
	_ =	strace $0x8000004C;
	[dreg:$0x1] =	wrdreg $0xFFFFFFFF  }
0xa7: {  	s28 =	simm.s32 $_size_execute0_lowered;
	s2 =	sadd.s32 s2, s4;
	[dreg:$0x0] =	wrdreg $0x0  }
0xa8: {  	s4 =	sshll.u32 s28, $0x1;
	[dreg:$0x2] =	wrdreg s2  }
0xa9: {  	[dreg:$0x3] =	wrdreg s4  }
0xaa: {  	[dreg:$0x4] =	wrdreg $0xC0  }
0xab: {  	_ =	task [dreg:s6], $0x5FFFF  }
0xac: {  	[dreg:$0x1] =	wrdreg $0xFFFFFFFF  }
0xad: {  	[dreg:$0x0] =	wrdreg $0x60  }
0xae: {  	[dreg:$0x2] =	wrdreg s24  }
0xaf: {  	[dreg:$0x3] =	wrdreg $0xC6200  }
0xb0: {  	[dreg:$0x4] =	wrdreg $0x9  }
0xb1: {  	_ =	task.clear_ibuf [dreg:s6], $0x5FFFF;
	_ =	strace $0x9000004C  }
0xb2: {  	s29 =	simm.s32 $0x9;
	_ =	strace $0x8000004E  }
0xb3: {  	_ =	swait.ge [sflag:s29], $0x1  }
0xb4: {  	[sflag:s29] =	ssyncadd.s32 $0xFFFFFFFF  }
0xb5: {  	_ =	strace $0x9000004E  }
0xb6: {  	_ =	sfence  }
0xb7: {  	s30 =	sld [smem:$0x0];
	_ =	sdelay $0x2  }
0xb8: {  	s31 =	sshll.u32 s1, $0xD;
	s1 =	sshrl.u32 s1, $0x2  }
0xb9: {  	s3 =	sand.u32 $0x4000, s31;
	s1 =	sadd.s32 s1, s30  }
0xba: {  	s0 =	sor.u32 s3, s0;
	s1 =	sshll.u32 s1, $0x11  }
0xbb: {  	s0 =	sor.u32 s1, s0  }
0xbc: {  	s0 =	sadd.s32 $0x8F2B, s0  }
0xbd: {  	[sflag:s0] =	ssyncadd.remote.s32 $0x1  }
0xbe: {  	_ =	sfence.sel $0xFFFF  }
0xbf: {  	[dreg:$0x0] =	wrdreg $0xFFFFFFFF;
	(pc) =	sbr.abs _section_cstart, $3  }
0xc0: {  	[dreg:$0x1] =	wrdreg $0xFFFFFFFF  }
0xc1: {  	_ =	task.clear_ibuf [dreg:s6], $0x2FFFF;
	_ =	strace $0x9FFFFFFF  }
0xc2: {  	(tm) =	ssettm $0x7FFFFFFF  }
0xc3: {  	_ =	shalt  }
tec
execute0_lowered:
.L_overlay_start_1:
0x0: {  	(tag) =	ssettag $0x1  }
0x1: {  	s0 =	srdreg.scid;
	s1 =	rddreg [dreg:$0x0]  }
0x2: {  	s12 =	stileid.u32;
	s2 =	rddreg [dreg:$0x1];
	s13 =	simm.s32 $0x50  }
0x3: {  	s14 =	simm.s32 $0x4E20;
	s15 =	simm.s32 $0x6220;
	s17 =	simm.s32 $0x7620  }
0x4: {  	s19 =	simm.s32 $0x8A20;
	s21 =	simm.s32 $0x9E20;
	s23 =	simm.s32 $0xB220  }
0x5: {  	s28 =	simm.s32 $0x2;
	s29 =	simm.s32 $0x8;
	s30 =	simm.s32 $0x3  }
0x6: {  	s31 =	simm.s32 $0x9;
	s18 =	simm.s32 $0x6;
	s20 =	simm.s32 $0xC  }
0x7: {  	s22 =	simm.s32 $0x0;
	s0 =	sand.u32 $0x1, s0;
	s6 =	smul.u32 $0xA000, s12  }
0x8: {  	s26 =	sshll.u32 s12, $0x6;
	s3 =	sshll.u32 s0, $0x4;
	s7 =	smul.u32 $0x14000, s0  }
0x9: {  	s0 =	ssub.s32 $0x2, s0;
	s4 =	sor.u32 s12, s3;
	s3 =	simm.s32 $0x0  }
0xa: {  	s10 =	sshrl.u32 s6, $0x3;
	s11 =	sshrl.u32 s0, $0x1;
	s6 =	sadd.s32 s6, s2  }
0xb: {  	s5 =	smul.u32 $0x4E2, s4;
	[smem:$0x7FF] =	sst s3;
	s4 =	sadd.s32 $0x6D400, s1  }
0xc: {  	s9 =	sadd.s32 s10, s1;
	s7 =	sadd.s32 s7, s1;
	s0 =	ssub.s32 s0, s11  }
0xd: {  	s11 =	sor.u32 $0x1C0D, s26;
	s12 =	sshrl.u32 s6, $0x3;
	s26 =	simm.s32 $0x7  }
0xe: {  	_ =	strace $0x8000004D;
	s25 =	sadd.s32 $0x80E00, s9;
	s16 =	sadd.s32 $0x94E00, s7  }
0xf: {  	s0 =	smax.u32 s0, $0x1;
	s8 =	sadd.s32 s5, s1;
	[dreg:$0x4] =	wrdreg s25  }
0x10: {  	s1 =	sadd.s32 $0xBE40, s1;
	[dreg:$0x5] =	wrdreg s0;
	s24 =	sadd.s32 s10, s16  }
0x11: {  	s25 =	simm.s32 $0x1;
	s0 =	simm.s32 $0xA;
	s10 =	simm.s32 $0x5  }
0x12: {  	s16 =	simm.s32 $0xB;
	s8 =	sadd.s32 $0x2200, s8;
	s9 =	sadd.s32 s5, s1  }
0x13: {  	s1 =	simm.s32 $0x4;
	[dreg:$0x3] =	wrdreg s8;
	s8 =	simm.s32 $0xD  }
.LBB2_1:
0x14: {  	s5 =	rddreg [dreg:$0x3]  }
0x15: {  	[tilespmem:s3], [sflag:$0xD] =	stream.linear.gather [hbm4b:s5+s3], $0x2710, $0x38;
	[tilespmem:$0x16620] =	vst v63  }
0x16: {  	_ =	swait.ge [sflag:s8], $0x2710  }
0x17: {  	[sflag:s8] =	ssyncset.done $0x0  }
0x18: {  	s7 =	simm.s32 $0x2710;
	[sflag:s8] =	ssyncadd.s32 $0xFFFFD8F0  }
0x19: {  	[tilespmem:s7], [sflag:$0xD] =	stream.linear.gather [hbm4b:s9+s3], $0x2710, $0x38;
	[tilespmem:$0x16620] =	vst v63  }
0x1a: {  	_ =	swait.ge [sflag:s8], $0x2710  }
0x1b: {  	[sflag:s8] =	ssyncset.done $0x0  }
0x1c: {  	s6 =	rddreg [dreg:$0x4];
	[sflag:s8] =	ssyncadd.s32 $0xFFFFD8F0  }
0x1d: {  	[spmem:s12], [sflag:s11] =	dma.local [hbm:s6], $0x1400  }
0x1e: {  	_ =	swait.ge [sflag:s8], $0x1400  }
0x1f: {  	[sflag:s8] =	ssyncset.done $0x0  }
0x20: {  	[sflag:s8] =	ssyncadd.s32 $0xFFFFEC00  }
0x21: {  	[bflag:$0x0] =	sbarrier.arrive $0xFFFF  }
0x22: {  	[tilespmem:s14], [sflag:$0x1] =	stream.indirect.gather [hbm4b:s4+s13], $0x40, s3, s13, $0xb8;
	[tilespmem:$0x16620] =	vst v63  }
0x23: {  	_ = 	snop  }
0x24: {  	[tilespmem:s15], [sflag:$0x2] =	stream.indirect.gather [hbm4b:s4+s13], $0x40, s13, s13, $0xb8;
	[tilespmem:$0x16620] =	vst v63  }
0x25: {  	s7 =	simm.s32 $0xA0  }
0x26: {  	[tilespmem:s17], [sflag:$0x3] =	stream.indirect.gather [hbm4b:s4+s13], $0x40, s7, s13, $0xb8;
	[tilespmem:$0x16620] =	vst v63  }
0x27: {  	s6 =	simm.s32 $0xF0  }
0x28: {  	[tilespmem:s19], [sflag:$0x4] =	stream.indirect.gather [hbm4b:s4+s13], $0x40, s6, s13, $0xb8;
	[tilespmem:$0x16620] =	vst v63  }
0x29: {  	s7 =	simm.s32 $0x140  }
0x2a: {  	[tilespmem:s21], [sflag:$0x5] =	stream.indirect.gather [hbm4b:s4+s13], $0x40, s7, s13, $0xb8;
	[tilespmem:$0x16620] =	vst v63  }
0x2b: {  	s6 =	simm.s32 $0x190  }
0x2c: {  	[tilespmem:s23], [sflag:$0x6] =	stream.indirect.gather [hbm4b:s4+s13], $0x40, s6, s13, $0xb8;
	[tilespmem:$0x16620] =	vst v63  }
0x2d: {  	_ =	swait.ge [sflag:s25], $0x1400  }
0x2e: {  	[sflag:s25] =	ssyncset.done $0x0  }
0x2f: {  	s7 =	simm.s32 $0x2710;
	[sflag:s25] =	ssyncadd.s32 $0xFFFFEC00  }
0x30: {  	[spmem:s2] =	stream.indirect.scatter.add.f32 [tilespmem:s14], [sflag:$0x7], $0x40, s7, s13, $0xb8;
	[tilespmem:$0x16620] =	vst v63  }
0x31: {  	_ =	swait.ge [sflag:s26], $0x1400  }
0x32: {  	[sflag:s26] =	ssyncset.done $0x0  }
0x33: {  	s6 =	simm.s32 $0x1E0;
	[sflag:s26] =	ssyncadd.s32 $0xFFFFEC00  }
0x34: {  	[tilespmem:s14], [sflag:$0x1] =	stream.indirect.gather [hbm4b:s4+s13], $0x40, s6, s13, $0xb8;
	[tilespmem:$0x16620] =	vst v63  }
0x35: {  	_ =	swait.ge [sflag:s28], $0x1400  }
0x36: {  	[sflag:s28] =	ssyncset.done $0x0  }
0x37: {  	s7 =	simm.s32 $0x2760;
	[sflag:s28] =	ssyncadd.s32 $0xFFFFEC00  }
0x38: {  	[spmem:s2] =	stream.indirect.scatter.add.f32 [tilespmem:s15], [sflag:$0x8], $0x40, s7, s13, $0xb8;
	[tilespmem:$0x16620] =	vst v63  }
0x39: {  	_ =	swait.ge [sflag:s29], $0x1400  }
0x3a: {  	[sflag:s29] =	ssyncset.done $0x0  }
0x3b: {  	s6 =	simm.s32 $0x230;
	[sflag:s29] =	ssyncadd.s32 $0xFFFFEC00  }
0x3c: {  	[tilespmem:s15], [sflag:$0x2] =	stream.indirect.gather [hbm4b:s4+s13], $0x40, s6, s13, $0xb8;
	[tilespmem:$0x16620] =	vst v63  }
0x3d: {  	_ =	swait.ge [sflag:s30], $0x1400  }
0x3e: {  	[sflag:s30] =	ssyncset.done $0x0  }
0x3f: {  	s7 =	simm.s32 $0x27B0;
	[sflag:s30] =	ssyncadd.s32 $0xFFFFEC00  }
0x40: {  	[spmem:s2] =	stream.indirect.scatter.add.f32 [tilespmem:s17], [sflag:$0x9], $0x40, s7, s13, $0xb8;
	[tilespmem:$0x16620] =	vst v63  }
0x41: {  	_ =	swait.ge [sflag:s31], $0x1400  }
0x42: {  	[sflag:s31] =	ssyncset.done $0x0  }
0x43: {  	s6 =	simm.s32 $0x280;
	[sflag:s31] =	ssyncadd.s32 $0xFFFFEC00  }
0x44: {  	[tilespmem:s17], [sflag:$0x3] =	stream.indirect.gather [hbm4b:s4+s13], $0x40, s6, s13, $0xb8;
	[tilespmem:$0x16620] =	vst v63  }
0x45: {  	_ =	swait.ge [sflag:s1], $0x1400  }
0x46: {  	[sflag:s1] =	ssyncset.done $0x0  }
0x47: {  	s7 =	simm.s32 $0x2800;
	[sflag:s1] =	ssyncadd.s32 $0xFFFFEC00  }
0x48: {  	[spmem:s2] =	stream.indirect.scatter.add.f32 [tilespmem:s19], [sflag:$0xA], $0x40, s7, s13, $0xb8;
	[tilespmem:$0x16620] =	vst v63  }
0x49: {  	_ =	swait.ge [sflag:s0], $0x1400  }
0x4a: {  	[sflag:s0] =	ssyncset.done $0x0  }
0x4b: {  	s6 =	simm.s32 $0x2D0;
	[sflag:s0] =	ssyncadd.s32 $0xFFFFEC00  }
0x4c: {  	[tilespmem:s19], [sflag:$0x4] =	stream.indirect.gather [hbm4b:s4+s13], $0x40, s6, s13, $0xb8;
	[tilespmem:$0x16620] =	vst v63  }
0x4d: {  	_ =	swait.ge [sflag:s10], $0x1400  }
0x4e: {  	[sflag:s10] =	ssyncset.done $0x0  }
0x4f: {  	s7 =	simm.s32 $0x2850;
	[sflag:s10] =	ssyncadd.s32 $0xFFFFEC00  }
0x50: {  	[spmem:s2] =	stream.indirect.scatter.add.f32 [tilespmem:s21], [sflag:$0xB], $0x40, s7, s13, $0xb8;
	[tilespmem:$0x16620] =	vst v63  }
0x51: {  	_ =	swait.ge [sflag:s16], $0x1400  }
0x52: {  	[sflag:s16] =	ssyncset.done $0x0  }
0x53: {  	s6 =	simm.s32 $0x320;
	[sflag:s16] =	ssyncadd.s32 $0xFFFFEC00  }
0x54: {  	[tilespmem:s21], [sflag:$0x5] =	stream.indirect.gather [hbm4b:s4+s13], $0x40, s6, s13, $0xb8;
	[tilespmem:$0x16620] =	vst v63  }
0x55: {  	_ =	swait.ge [sflag:s18], $0x1400  }
0x56: {  	[sflag:s18] =	ssyncset.done $0x0  }
0x57: {  	s7 =	simm.s32 $0x28A0;
	[sflag:s18] =	ssyncadd.s32 $0xFFFFEC00  }
0x58: {  	[spmem:s2] =	stream.indirect.scatter.add.f32 [tilespmem:s23], [sflag:$0xC], $0x40, s7, s13, $0xb8;
	[tilespmem:$0x16620] =	vst v63  }
0x59: {  	_ =	swait.ge [sflag:s20], $0x1400  }
0x5a: {  	[sflag:s20] =	ssyncset.done $0x0  }
0x5b: {  	s5 =	simm.s32 $0x780;
	s6 =	simm.s32 $0x370;
	[sflag:s20] =	ssyncadd.s32 $0xFFFFEC00  }
.LBB2_2:
0x5c: {  	[tilespmem:s23], [sflag:$0x6] =	stream.indirect.gather [hbm4b:s4+s13], $0x40, s6, s13, $0xb8;
	[tilespmem:$0x16620] =	vst v63  }
0x5d: {  	s6 =	smov.u32 s5  }
0x5e: {  	p0 =	sne.s32 s5, $0x8700;
	s5 =	sadd.s32 $0x780, s5;
	_ =	swait.ge [sflag:s25], $0x1400  }
0x5f: {  	s6 =	sshra.s32 s6, $0x2;
	[sflag:s25] =	ssyncset.done $0x0  }
0x60: {  	s7 =	sadd.s32 $0x2710, s6;
	[sflag:s25] =	ssyncadd.s32 $0xFFFFEC00  }
0x61: {  	[spmem:s2] =	stream.indirect.scatter.add.f32 [tilespmem:s14], [sflag:$0x7], $0x40, s7, s13, $0xb8;
	[tilespmem:$0x16620] =	vst v63  }
0x62: {  	_ =	swait.ge [sflag:s26], $0x1400  }
0x63: {  	[sflag:s26] =	ssyncset.done $0x0  }
0x64: {  	s7 =	sadd.s32 $0x1E0, s6;
	[sflag:s26] =	ssyncadd.s32 $0xFFFFEC00  }
0x65: {  	[tilespmem:s14], [sflag:$0x1] =	stream.indirect.gather [hbm4b:s4+s13], $0x40, s7, s13, $0xb8;
	[tilespmem:$0x16620] =	vst v63  }
0x66: {  	_ =	swait.ge [sflag:s28], $0x1400  }
0x67: {  	[sflag:s28] =	ssyncset.done $0x0  }
0x68: {  	s7 =	sadd.s32 $0x2760, s6;
	[sflag:s28] =	ssyncadd.s32 $0xFFFFEC00  }
0x69: {  	[spmem:s2] =	stream.indirect.scatter.add.f32 [tilespmem:s15], [sflag:$0x8], $0x40, s7, s13, $0xb8;
	[tilespmem:$0x16620] =	vst v63  }
0x6a: {  	_ =	swait.ge [sflag:s29], $0x1400  }
0x6b: {  	[sflag:s29] =	ssyncset.done $0x0  }
0x6c: {  	s7 =	sadd.s32 $0x230, s6;
	[sflag:s29] =	ssyncadd.s32 $0xFFFFEC00  }
0x6d: {  	[tilespmem:s15], [sflag:$0x2] =	stream.indirect.gather [hbm4b:s4+s13], $0x40, s7, s13, $0xb8;
	[tilespmem:$0x16620] =	vst v63  }
0x6e: {  	_ =	swait.ge [sflag:s30], $0x1400  }
0x6f: {  	[sflag:s30] =	ssyncset.done $0x0  }
0x70: {  	s7 =	sadd.s32 $0x27B0, s6;
	[sflag:s30] =	ssyncadd.s32 $0xFFFFEC00  }
0x71: {  	[spmem:s2] =	stream.indirect.scatter.add.f32 [tilespmem:s17], [sflag:$0x9], $0x40, s7, s13, $0xb8;
	[tilespmem:$0x16620] =	vst v63  }
0x72: {  	_ =	swait.ge [sflag:s31], $0x1400  }
0x73: {  	[sflag:s31] =	ssyncset.done $0x0  }
0x74: {  	s7 =	sadd.s32 $0x280, s6;
	[sflag:s31] =	ssyncadd.s32 $0xFFFFEC00  }
0x75: {  	[tilespmem:s17], [sflag:$0x3] =	stream.indirect.gather [hbm4b:s4+s13], $0x40, s7, s13, $0xb8;
	[tilespmem:$0x16620] =	vst v63  }
0x76: {  	_ =	swait.ge [sflag:s1], $0x1400  }
0x77: {  	[sflag:s1] =	ssyncset.done $0x0  }
0x78: {  	s7 =	sadd.s32 $0x2800, s6;
	[sflag:s1] =	ssyncadd.s32 $0xFFFFEC00  }
0x79: {  	[spmem:s2] =	stream.indirect.scatter.add.f32 [tilespmem:s19], [sflag:$0xA], $0x40, s7, s13, $0xb8;
	[tilespmem:$0x16620] =	vst v63  }
0x7a: {  	_ =	swait.ge [sflag:s0], $0x1400  }
0x7b: {  	[sflag:s0] =	ssyncset.done $0x0  }
0x7c: {  	s7 =	sadd.s32 $0x2D0, s6;
	[sflag:s0] =	ssyncadd.s32 $0xFFFFEC00  }
0x7d: {  	[tilespmem:s19], [sflag:$0x4] =	stream.indirect.gather [hbm4b:s4+s13], $0x40, s7, s13, $0xb8;
	[tilespmem:$0x16620] =	vst v63  }
0x7e: {  	_ =	swait.ge [sflag:s10], $0x1400  }
0x7f: {  	[sflag:s10] =	ssyncset.done $0x0  }
0x80: {  	s7 =	sadd.s32 $0x2850, s6;
	[sflag:s10] =	ssyncadd.s32 $0xFFFFEC00  }
0x81: {  	[spmem:s2] =	stream.indirect.scatter.add.f32 [tilespmem:s21], [sflag:$0xB], $0x40, s7, s13, $0xb8;
	[tilespmem:$0x16620] =	vst v63  }
0x82: {  	_ =	swait.ge [sflag:s16], $0x1400  }
0x83: {  	[sflag:s16] =	ssyncset.done $0x0  }
0x84: {  	s7 =	sadd.s32 $0x320, s6;
	[sflag:s16] =	ssyncadd.s32 $0xFFFFEC00  }
0x85: {  	[tilespmem:s21], [sflag:$0x5] =	stream.indirect.gather [hbm4b:s4+s13], $0x40, s7, s13, $0xb8;
	[tilespmem:$0x16620] =	vst v63  }
0x86: {  	_ =	swait.ge [sflag:s18], $0x1400  }
0x87: {  	[sflag:s18] =	ssyncset.done $0x0  }
.Ltmp0:
0x88: {  	s7 =	sadd.s32 $0x28A0, s6;
	[sflag:s18] =	ssyncadd.s32 $0xFFFFEC00;
	(pc) =	sbr.rel @p0 .LBB2_2-.Ltmp0, $4  }
0x89: {  	[spmem:s2] =	stream.indirect.scatter.add.f32 [tilespmem:s23], [sflag:$0xC], $0x40, s7, s13, $0xb8;
	[tilespmem:$0x16620] =	vst v63  }
0x8a: {  	_ =	swait.ge [sflag:s20], $0x1400  }
0x8b: {  	[sflag:s20] =	ssyncset.done $0x0  }
0x8c: {  	s6 =	sadd.s32 $0x370, s6;
	[sflag:s20] =	ssyncadd.s32 $0xFFFFEC00  }
0x8d: {  	[tilespmem:s23], [sflag:$0x6] =	stream.indirect.gather [hbm4b:s4+s13], $0x40, s6, s13, $0xb8;
	[tilespmem:$0x16620] =	vst v63  }
0x8e: {  	_ =	swait.ge [sflag:s25], $0x1400  }
0x8f: {  	[sflag:s25] =	ssyncset.done $0x0  }
0x90: {  	s5 =	simm.s32 $0x4AB0;
	[sflag:s25] =	ssyncadd.s32 $0xFFFFEC00  }
0x91: {  	[spmem:s2] =	stream.indirect.scatter.add.f32 [tilespmem:s14], [sflag:$0x7], $0x40, s5, s13, $0xb8;
	[tilespmem:$0x16620] =	vst v63  }
0x92: {  	_ =	swait.ge [sflag:s26], $0x1400  }
0x93: {  	[sflag:s26] =	ssyncset.done $0x0  }
0x94: {  	s6 =	simm.s32 $0x2580;
	[sflag:s26] =	ssyncadd.s32 $0xFFFFEC00  }
0x95: {  	[tilespmem:s14], [sflag:$0x1] =	stream.indirect.gather [hbm4b:s4+s13], $0x40, s6, s13, $0xb8;
	[tilespmem:$0x16620] =	vst v63  }
0x96: {  	_ =	swait.ge [sflag:s28], $0x1400  }
0x97: {  	[sflag:s28] =	ssyncset.done $0x0  }
0x98: {  	s7 =	simm.s32 $0x4B00;
	[sflag:s28] =	ssyncadd.s32 $0xFFFFEC00  }
0x99: {  	[spmem:s2] =	stream.indirect.scatter.add.f32 [tilespmem:s15], [sflag:$0x8], $0x40, s7, s13, $0xb8;
	[tilespmem:$0x16620] =	vst v63  }
0x9a: {  	_ =	swait.ge [sflag:s29], $0x1400  }
0x9b: {  	[sflag:s29] =	ssyncset.done $0x0  }
0x9c: {  	s6 =	simm.s32 $0x25D0;
	[sflag:s29] =	ssyncadd.s32 $0xFFFFEC00  }
0x9d: {  	[tilespmem:s15], [sflag:$0x2] =	stream.indirect.gather [hbm4b:s4+s13], $0x40, s6, s13, $0xb8;
	[tilespmem:$0x16620] =	vst v63  }
0x9e: {  	_ =	swait.ge [sflag:s30], $0x1400  }
0x9f: {  	[sflag:s30] =	ssyncset.done $0x0  }
0xa0: {  	s7 =	simm.s32 $0x4B50;
	[sflag:s30] =	ssyncadd.s32 $0xFFFFEC00  }
0xa1: {  	[spmem:s2] =	stream.indirect.scatter.add.f32 [tilespmem:s17], [sflag:$0x9], $0x40, s7, s13, $0xb8;
	[tilespmem:$0x16620] =	vst v63  }
0xa2: {  	_ =	swait.ge [sflag:s31], $0x1400  }
0xa3: {  	[sflag:s31] =	ssyncset.done $0x0  }
0xa4: {  	s6 =	simm.s32 $0x2620;
	[sflag:s31] =	ssyncadd.s32 $0xFFFFEC00  }
0xa5: {  	[tilespmem:s17], [sflag:$0x3] =	stream.indirect.gather [hbm4b:s4+s13], $0x40, s6, s13, $0xb8;
	[tilespmem:$0x16620] =	vst v63  }
0xa6: {  	_ =	swait.ge [sflag:s1], $0x1400  }
0xa7: {  	[sflag:s1] =	ssyncset.done $0x0  }
0xa8: {  	s7 =	simm.s32 $0x4BA0;
	[sflag:s1] =	ssyncadd.s32 $0xFFFFEC00  }
0xa9: {  	[spmem:s2] =	stream.indirect.scatter.add.f32 [tilespmem:s19], [sflag:$0xA], $0x40, s7, s13, $0xb8;
	[tilespmem:$0x16620] =	vst v63  }
0xaa: {  	_ =	swait.ge [sflag:s0], $0x1400  }
0xab: {  	[sflag:s0] =	ssyncset.done $0x0  }
0xac: {  	s6 =	simm.s32 $0x2670;
	[sflag:s0] =	ssyncadd.s32 $0xFFFFEC00  }
0xad: {  	[tilespmem:s19], [sflag:$0x4] =	stream.indirect.gather [hbm4b:s4+s13], $0x40, s6, s13, $0xb8;
	[tilespmem:$0x16620] =	vst v63  }
0xae: {  	_ =	swait.ge [sflag:s10], $0x1400  }
0xaf: {  	[sflag:s10] =	ssyncset.done $0x0  }
0xb0: {  	s7 =	simm.s32 $0x4BF0;
	[sflag:s10] =	ssyncadd.s32 $0xFFFFEC00  }
0xb1: {  	[spmem:s2] =	stream.indirect.scatter.add.f32 [tilespmem:s21], [sflag:$0xB], $0x40, s7, s13, $0xb8;
	[tilespmem:$0x16620] =	vst v63  }
0xb2: {  	_ =	swait.ge [sflag:s16], $0x1400  }
0xb3: {  	[sflag:s16] =	ssyncset.done $0x0  }
0xb4: {  	s6 =	simm.s32 $0x26C0;
	[sflag:s16] =	ssyncadd.s32 $0xFFFFEC00  }
0xb5: {  	[tilespmem:s21], [sflag:$0x5] =	stream.indirect.gather [hbm4b:s4+s13], $0x40, s6, s13, $0xb8;
	[tilespmem:$0x16620] =	vst v63  }
0xb6: {  	_ =	swait.ge [sflag:s18], $0x1400  }
0xb7: {  	[sflag:s18] =	ssyncset.done $0x0  }
0xb8: {  	s7 =	simm.s32 $0x4C40;
	[sflag:s18] =	ssyncadd.s32 $0xFFFFEC00  }
0xb9: {  	[spmem:s2] =	stream.indirect.scatter.add.f32 [tilespmem:s23], [sflag:$0xC], $0x40, s7, s13, $0xb8;
	[tilespmem:$0x16620] =	vst v63  }
0xba: {  	_ =	swait.ge [sflag:s25], $0x1400  }
0xbb: {  	[sflag:s25] =	ssyncset.done $0x0  }
0xbc: {  	s6 =	simm.s32 $0x4C90;
	[sflag:s25] =	ssyncadd.s32 $0xFFFFEC00  }
0xbd: {  	[spmem:s2] =	stream.indirect.scatter.add.f32 [tilespmem:s14], [sflag:$0x7], $0x40, s6, s13, $0xb8;
	[tilespmem:$0x16620] =	vst v63  }
0xbe: {  	_ =	swait.ge [sflag:s28], $0x1400  }
0xbf: {  	[sflag:s28] =	ssyncset.done $0x0  }
0xc0: {  	s7 =	simm.s32 $0x4CE0;
	[sflag:s28] =	ssyncadd.s32 $0xFFFFEC00  }
0xc1: {  	[spmem:s2] =	stream.indirect.scatter.add.f32 [tilespmem:s15], [sflag:$0x8], $0x40, s7, s13, $0xb8;
	[tilespmem:$0x16620] =	vst v63  }
0xc2: {  	_ =	swait.ge [sflag:s30], $0x1400  }
0xc3: {  	[sflag:s30] =	ssyncset.done $0x0  }
0xc4: {  	s6 =	simm.s32 $0x4D30;
	[sflag:s30] =	ssyncadd.s32 $0xFFFFEC00  }
0xc5: {  	[spmem:s2] =	stream.indirect.scatter.add.f32 [tilespmem:s17], [sflag:$0x9], $0x40, s6, s13, $0xb8;
	[tilespmem:$0x16620] =	vst v63  }
0xc6: {  	_ =	swait.ge [sflag:s1], $0x1400  }
0xc7: {  	[sflag:s1] =	ssyncset.done $0x0  }
0xc8: {  	s7 =	simm.s32 $0x4D80;
	[sflag:s1] =	ssyncadd.s32 $0xFFFFEC00  }
0xc9: {  	[spmem:s2] =	stream.indirect.scatter.add.f32 [tilespmem:s19], [sflag:$0xA], $0x40, s7, s13, $0xb8;
	[tilespmem:$0x16620] =	vst v63  }
0xca: {  	_ =	swait.ge [sflag:s10], $0x1400  }
0xcb: {  	[sflag:s10] =	ssyncset.done $0x0  }
0xcc: {  	s6 =	simm.s32 $0x4DD0;
	[sflag:s10] =	ssyncadd.s32 $0xFFFFEC00  }
0xcd: {  	[spmem:s2] =	stream.indirect.scatter.add.f32 [tilespmem:s21], [sflag:$0xB], $0x40, s6, s13, $0xb8;
	[tilespmem:$0x16620] =	vst v63  }
0xce: {  	_ =	swait.ge [sflag:s26], $0x1400  }
0xcf: {  	[sflag:s26] =	ssyncset.done $0x0  }
0xd0: {  	[sflag:s26] =	ssyncadd.s32 $0xFFFFEC00  }
0xd1: {  	_ =	swait.ge [sflag:s29], $0x1400  }
0xd2: {  	[sflag:s29] =	ssyncset.done $0x0  }
0xd3: {  	[sflag:s29] =	ssyncadd.s32 $0xFFFFEC00  }
0xd4: {  	_ =	swait.ge [sflag:s31], $0x1400  }
0xd5: {  	[sflag:s31] =	ssyncset.done $0x0  }
0xd6: {  	[sflag:s31] =	ssyncadd.s32 $0xFFFFEC00  }
0xd7: {  	_ =	swait.ge [sflag:s0], $0x1400  }
0xd8: {  	[sflag:s0] =	ssyncset.done $0x0  }
0xd9: {  	[sflag:s0] =	ssyncadd.s32 $0xFFFFEC00  }
0xda: {  	_ =	swait.ge [sflag:s16], $0x1400  }
0xdb: {  	[sflag:s16] =	ssyncset.done $0x0  }
0xdc: {  	[sflag:s16] =	ssyncadd.s32 $0xFFFFEC00  }
0xdd: {  	_ =	swait.ge [sflag:s20], $0x1400  }
0xde: {  	[sflag:s20] =	ssyncset.done $0x0  }
0xdf: {  	[sflag:s20] =	ssyncadd.s32 $0xFFFFEC00  }
0xe0: {  	[bflag:$0x0] =	sbarrier.arrive $0xFFFF  }
0xe1: {  	[hbm:s24], [sflag:s11] =	dma.local [spmem:s12], $0x1400  }
0xe2: {  	_ =	swait.ge [sflag:s8], $0x1400  }
0xe3: {  	s22 =	sadd.s32 $0x1, s22;
	s7 =	rddreg [dreg:$0x5]  }
0xe4: {  	p0 =	sne.s32 s22, s7  }
.Ltmp1:
0xe5: {  	_ = 	snop;
	(pc) =	sbr.rel @p0 .LBB2_1-.Ltmp1, $3  }
0xe6: {  	_ =	sdelay $0x1  }
0xe7: {  	[sflag:s8] =	ssyncset.done $0x0  }
0xe8: {  	[sflag:s8] =	ssyncadd.s32 $0xFFFFEC00  }
0xe9: {  	_ =	sfence.sel $0x180000  }
0xea: {  	[bflag:$0x0] =	sbarrier.arrive $0xFFFF  }
0xeb: {  	_ =	strace $0x9000004D  }
0xec: {  	s0 =	stileid.u32;
	[bflag:$0x2] =	sbarrier.arrive $0xFFFF  }
0xed: {  	p0 =	sne.s32 s0, $0x0;
	s0 =	rddreg [dreg:$0x2]  }
0xee: {  	s0 =	sadd.s32 @!p0 $0x100000, s0  }
0xef: {  	[sflag:s0] =	ssyncadd.tile.s32 @!p0 $0x1;
	_ =	shalt  }
.Lfunc_end2:
_tile_overlayer_lowered:
.L_overlay_start_2:
0xf0: {  	(tag) =	ssettag $0x2  }
0xf1: {  	s0 =	rddreg [dreg:$0x0];
	s2 =	stileid.u32  }
0xf2: {  	s1 =	rddreg [dreg:$0x1];
	p0 =	sne.s32 s2, $0x0  }
0xf3: {  	s3 =	rddreg [dreg:$0x2];
	[bflag:$0x3] =	sbarrier.arrive $0xFFFF;
	s2 =	simm.s32 @!p0 $0x1C0D  }
0xf4: {  	[timem:s3], [sflag:s2] =	dma.local @!p0 [hbm:s0], s1  }
0xf5: {  	s0 =	simm.s32 @!p0 $0xD  }
0xf6: {  	_ =	swait.ge @!p0 [sflag:s0], s1  }
0xf7: {  	s1 =	ssub.s32 @!p0 $0x0, s1;
	[sflag:s0] =	ssyncset.done @!p0 $0x0  }
0xf8: {  	[sflag:s0] =	ssyncadd.s32 @!p0 s1  }
0xf9: {  	[bflag:$0x3] =	sbarrier.arrive $0xFFFF  }
0xfa: {  	_ =	shalt  }

// kernel: kernel.8.cloned.1.call-start
scs
__scs_entry_jumppad:
0x0: {  	(pc) =	sbr.rel $0x88, $3  }
0x1: {  	(tag) =	ssettag $0x0;
	lr =	simm.s32 $0x1  }
0x2: {  	[smem:$0x3F97] =	sst lr;
	_ =	strace $0xD0000000  }
0x3: {  	_ = 	snop  }
0x4: {  	_ = 	snop  }
0x5: {  	_ = 	snop  }
0x6: {  	_ = 	snop  }
0x7: {  	_ = 	snop  }
__scs_overlays_trampoline_lowered:
0x8: {  	[smem:$0x3FA6] =	sst s0  }
0x9: {  	[smem:$0x3FA7] =	sst s1  }
0xa: {  	[smem:$0x3FA8] =	sst s2  }
0xb: {  	[smem:$0x3FA9] =	sst s3  }
0xc: {  	[smem:$0x3FAA] =	sst s4  }
0xd: {  	[smem:$0x3FAB] =	sst s5  }
0xe: {  	[smem:$0x3FAC] =	sst s6  }
0xf: {  	[smem:$0x3FAD] =	sst s7  }
0x10: {  	[smem:$0x3FAE] =	sst s8  }
0x11: {  	[smem:$0x3FAF] =	sst s9;
	s0 =	simm.s32 @!p0 $0x0  }
0x12: {  	s1 =	sld [smem:$0x3F95];
	s0 =	simm.s32 @p0 $0x1  }
0x13: {  	[smem:$0x3FB0] =	sst s0;
	s0 =	simm.s32 @!p1 $0x0  }
0x14: {  	s2 =	sld [smem:$0x3F94];
	s0 =	simm.s32 @p1 $0x1  }
0x15: {  	[smem:$0x3FB1] =	sst s0;
	s0 =	simm.s32 @!p2 $0x0  }
0x16: {  	s3 =	sld [smem:$0x3FDB];
	s0 =	simm.s32 @p2 $0x1  }
0x17: {  	s4 =	simm.s32 $0x1BF5;
	[smem:$0x3FB3] =	sst s0  }
0x18: {  	s0 =	sld [smem:$0x3F96];
	_ =	swait.ge [sflag:s4], $0x0  }
0x19: {  	s7 =	sld [smem:$0x3F97]  }
0x1a: {  	s8 =	sadd.s32 $0xFFFFE003, lr  }
0x1b: {  	s9 =	sadd.s32 $0xFFFFFEF7, lr;
	s5 =	simm.s32 $0xFFFFFFFF;
	p2 =	slt.u32 s8, $0xFFFFF086  }
0x1c: {  	p1 =	slt.u32 s9, $0xF7A;
	s5 =	simm.s32 @!p2 $0x0  }
0x1d: {  	s5 =	simm.s32 @p1 $0x1;
	p0 =	seq.s32 s7, s2  }
0x1e: {  	s7 =	smul.u32 @!p0 $0xF7A, s2;
	p2 =	seq.s32 @!p0 s5, $0x0  }
0x1f: {  	s9 =	smul.u32 $0xF7A, s1;
	s8 =	simm.s32 @!p0 $0x1BF5;
	p2 =	por !p2, p0  }
0x20: {  	[sflag:s8] =	ssyncset.s32 @!p0 $0xFFFFF086;
	s6 =	sadd.s32 @!p0 s3, s7;
	s7 =	simm.s32 @!p0 $0x108  }
0x21: {  	s3 =	sadd.s32 s3, s9;
	s6 =	sadd.s32 @!p0 $0x88, s6;
	s7 =	simm.s32 @p2 $0x1082  }
0x22: {  	[simem:s7], [sflag:s8] =	dma.local @!p0 [hbm:s6], $0xF7A  }
0x23: {  	s9 =	sor.u32 $0xD0000000, s2;
	s6 =	simm.s32 $0x108;
	_ =	swait.ge @!p0 [sflag:s8], $0x0  }
0x24: {  	s3 =	sadd.s32 $0x88, s3;
	s6 =	simm.s32 @!p1 $0x1082;
	[sflag:s4] =	ssyncset.s32 $0xFFFFF086  }
0x25: {  	[simem:s6], [sflag:s4] =	dma.local [hbm:s3], $0xF7A  }
0x26: {  	[smem:$0x3F97] =	sst s1;
	(tag) =	ssettag s2;
	_ =	strace s9  }
0x27: {  	s1 =	sld [smem:$0x3FA7]  }
0x28: {  	s2 =	sld [smem:$0x3FA8]  }
0x29: {  	s4 =	sld [smem:$0x3FAA]  }
0x2a: {  	p0 =	seq.s32 s5, $0x0;
	s5 =	sld [smem:$0x3FAB]  }
0x2b: {  	s6 =	sld [smem:$0x3FAC]  }
0x2c: {  	s7 =	sld [smem:$0x3FAD]  }
0x2d: {  	s3 =	simm.s32 $0x108;
	s8 =	sld [smem:$0x3FAE]  }
0x2e: {  	s3 =	simm.s32 @!p0 $0x1082;
	s9 =	sld [smem:$0x3FAF]  }
0x2f: {  	lr =	sadd.s32 s0, s3;
	s0 =	sld [smem:$0x3FA6]  }
0x30: {  	s3 =	sld [smem:$0x3FA9]  }
0x31: {  	[smem:$0x3FB2] =	sst s10  }
0x32: {  	s10 =	sld [smem:$0x3FB0];
	_ =	sdelay $0x3  }
0x33: {  	p0 =	seq.s32 s10, $0x1;
	s10 =	sld [smem:$0x3FB2];
	_ =	sdelay $0x3  }
0x34: {  	[smem:$0x3FB2] =	sst s10  }
0x35: {  	s10 =	sld [smem:$0x3FB1];
	_ =	sdelay $0x3  }
0x36: {  	p1 =	seq.s32 s10, $0x1;
	s10 =	sld [smem:$0x3FB2];
	_ =	sdelay $0x3  }
0x37: {  	[smem:$0x3FB2] =	sst s10  }
0x38: {  	s10 =	sld [smem:$0x3FB3]  }
0x39: {  	_ = 	snop;
	(pc) =	sbr.ind lr, $3  }
0x3a: {  	_ = 	snop  }
0x3b: {  	_ = 	snop  }
0x3c: {  	p2 =	seq.s32 s10, $0x1;
	s10 =	sld [smem:$0x3FB2]  }
0x3d: {  	_ =	shalt  }
0x3e: {  	_ =	shalt  }
0x3f: {  	_ =	shalt  }
0x40: {  	_ =	shalt  }
0x41: {  	_ =	shalt  }
0x42: {  	_ =	shalt  }
0x43: {  	_ =	shalt  }
0x44: {  	_ =	shalt  }
0x45: {  	_ =	shalt  }
0x46: {  	_ =	shalt  }
0x47: {  	_ =	shalt  }
0x48: {  	_ =	shalt  }
0x49: {  	_ =	shalt  }
0x4a: {  	_ =	shalt  }
0x4b: {  	_ =	shalt  }
0x4c: {  	_ =	shalt  }
0x4d: {  	_ =	shalt  }
0x4e: {  	_ =	shalt  }
0x4f: {  	_ =	shalt  }
0x50: {  	_ =	shalt  }
0x51: {  	_ =	shalt  }
0x52: {  	_ =	shalt  }
0x53: {  	_ =	shalt  }
0x54: {  	_ =	shalt  }
0x55: {  	_ =	shalt  }
0x56: {  	_ =	shalt  }
0x57: {  	_ =	shalt  }
0x58: {  	_ =	shalt  }
0x59: {  	_ =	shalt  }
0x5a: {  	_ =	shalt  }
0x5b: {  	_ =	shalt  }
0x5c: {  	_ =	shalt  }
0x5d: {  	_ =	shalt  }
0x5e: {  	_ =	shalt  }
0x5f: {  	_ =	shalt  }
0x60: {  	_ =	shalt  }
0x61: {  	_ =	shalt  }
0x62: {  	_ =	shalt  }
0x63: {  	_ =	shalt  }
0x64: {  	_ =	shalt  }
0x65: {  	_ =	shalt  }
0x66: {  	_ =	shalt  }
0x67: {  	_ =	shalt  }
0x68: {  	_ =	shalt  }
0x69: {  	_ =	shalt  }
0x6a: {  	_ =	shalt  }
0x6b: {  	_ =	shalt  }
0x6c: {  	_ =	shalt  }
0x6d: {  	_ =	shalt  }
0x6e: {  	_ =	shalt  }
0x6f: {  	_ =	shalt  }
0x70: {  	_ =	shalt  }
0x71: {  	_ =	shalt  }
0x72: {  	_ =	shalt  }
0x73: {  	_ =	shalt  }
0x74: {  	_ =	shalt  }
0x75: {  	_ =	shalt  }
0x76: {  	_ =	shalt  }
0x77: {  	_ =	shalt  }
0x78: {  	_ =	shalt  }
0x79: {  	_ =	shalt  }
0x7a: {  	_ =	shalt  }
0x7b: {  	_ =	shalt  }
0x7c: {  	_ =	shalt  }
0x7d: {  	_ =	shalt  }
0x7e: {  	_ =	shalt  }
0x7f: {  	_ =	shalt  }
0x80: {  	_ =	shalt  }
0x81: {  	_ =	shalt  }
0x82: {  	_ =	shalt  }
0x83: {  	_ =	shalt  }
0x84: {  	_ =	shalt  }
0x85: {  	_ =	shalt  }
0x86: {  	_ =	shalt  }
0x87: {  	_ =	shalt  }
.Lfunc_end0:
.L_simem_size_0:
called_computation_lowered:
.L_overlay_start_0:
0x88: {  	s2 =	sld [smem:$0x3FD9]  }
0x89: {  	s3 =	sld [smem:$0x3FFE];
	_ =	sdelay $0x1  }
0x8a: {  	s1 =	srdreg.scid  }
0x8b: {  	s0 =	sand.u32 $0x1, s1  }
0x8c: {  	s17 =	sshll.u32 s0, $0xA;
	s2 =	sadd.s32 s3, s2  }
0x8d: {  	s2 =	sadd.s32 s2, s17  }
0x8e: {  	[smem:$0x3FBE] =	sst s2  }
0x8f: {  	_ = 	snop  }
0x90: {  	s2 =	sld [smem:$0x3FD0];
	(tm) =	ssettm $0x1  }
0x91: {  	s18 =	sld [smem:$0x3FFB];
	_ =	sdelay $0x3  }
0x92: {  	_ =	strace s18  }
0x93: {  	s3 =	sld [smem:$0x3FFC];
	_ =	sdelay $0x3  }
0x94: {  	_ =	strace s3  }
0x95: {  	s3 =	sld [smem:$0x3FFD];
	_ =	sdelay $0x3  }
0x96: {  	_ =	strace s3  }
0x97: {  	_ =	strace $0x8FFFFFFF  }
0x98: {  	s19 =	sld [smem:$0x3FDB];
	_ =	sdelay $0x1  }
0x99: {  	s4 =	simm.s32 $_scs_section_size  }
0x9a: {  	s5 =	simm.s32 $_size__tile_overlayer_lowered;
	s6 =	simm.s32 $_tile_overlayer_lowered  }
0x9b: {  	s22 =	simm.s32 $0x1BFF;
	s21 =	sshll.u32 s6, $0x1;
	s3 =	sadd.s32 s4, s19  }
0x9c: {  	s7 =	simm.s32 $0x0;
	s20 =	sshll.u32 s5, $0x1;
	s5 =	sadd.s32 s21, s3  }
0x9d: {  	[timem:s7], [sflag:s22] =	dma.local [hbm:s5], s20  }
0x9e: {  	_ =	swait.ge [sflag:s22], s20  }
0x9f: {  	s4 =	ssub.s32 $0x0, s20;
	[sflag:s22] =	ssyncset.done $0x0  }
0xa0: {  	[sflag:s22] =	ssyncadd.s32 s4;
	_ =	sdelay $0x1  }
0xa1: {  	s23 =	simm.s32 $0x1B8B  }
0xa2: {  	_ =	swait.ge [sflag:s23], $0x1  }
0xa3: {  	[sflag:s23] =	ssyncset.done $0x0  }
0xa4: {  	s25 =	simm.s32 $0x1B8E;
	s24 =	sld [smem:$0x3FFE];
	[sflag:s23] =	ssyncadd.s32 $0xFFFFFFFF  }
0xa5: {  	s26 =	simm.s32 $execute0_lowered;
	[smem:$0x3FD2] =	sst s25  }
0xa6: {  	s5 =	sshll.u32 s26, $0x1;
	_ =	strace $0x80000046;
	[dreg:$0x1] =	wrdreg $0xFFFFFFFF  }
0xa7: {  	s28 =	simm.s32 $_size_execute0_lowered;
	s3 =	sadd.s32 s3, s5;
	[dreg:$0x0] =	wrdreg $0x0  }
0xa8: {  	s5 =	sshll.u32 s28, $0x1;
	[dreg:$0x2] =	wrdreg s3  }
0xa9: {  	[dreg:$0x3] =	wrdreg s5  }
0xaa: {  	[dreg:$0x4] =	wrdreg $0xC0  }
0xab: {  	_ =	task [dreg:s7], $0x5FFFF  }
0xac: {  	[dreg:$0x1] =	wrdreg $0xFFFFFFFF  }
0xad: {  	[dreg:$0x0] =	wrdreg $0x60  }
0xae: {  	[dreg:$0x2] =	wrdreg s24  }
0xaf: {  	[dreg:$0x3] =	wrdreg s2  }
0xb0: {  	[dreg:$0x4] =	wrdreg $0x29900  }
0xb1: {  	[dreg:$0x5] =	wrdreg $0x9  }
0xb2: {  	_ =	task.clear_ibuf [dreg:s7], $0x6FFFF;
	_ =	strace $0x90000046  }
0xb3: {  	s29 =	simm.s32 $0x9;
	_ =	strace $0x80000048  }
0xb4: {  	_ =	swait.ge [sflag:s29], $0x1  }
0xb5: {  	[sflag:s29] =	ssyncadd.s32 $0xFFFFFFFF  }
0xb6: {  	_ =	strace $0x90000048  }
0xb7: {  	_ =	sfence  }
0xb8: {  	s30 =	sld [smem:$0x0];
	_ =	sdelay $0x2  }
0xb9: {  	s31 =	sshll.u32 s1, $0xD;
	s1 =	sshrl.u32 s1, $0x2  }
0xba: {  	s3 =	sand.u32 $0x4000, s31;
	s1 =	sadd.s32 s1, s30  }
0xbb: {  	s0 =	sor.u32 s3, s0;
	s1 =	sshll.u32 s1, $0x11  }
0xbc: {  	s0 =	sor.u32 s1, s0  }
0xbd: {  	s0 =	sadd.s32 $0x8F2B, s0  }
0xbe: {  	[sflag:s0] =	ssyncadd.remote.s32 $0x1  }
0xbf: {  	_ =	sfence.sel $0xFFFF  }
0xc0: {  	[dreg:$0x0] =	wrdreg $0xFFFFFFFF;
	(pc) =	sbr.abs _section_cstart, $3  }
0xc1: {  	[dreg:$0x1] =	wrdreg $0xFFFFFFFF  }
0xc2: {  	_ =	task.clear_ibuf [dreg:s7], $0x2FFFF;
	_ =	strace $0x9FFFFFFF  }
0xc3: {  	(tm) =	ssettm $0x7FFFFFFF  }
tec
execute0_lowered:
.L_overlay_start_1:
0x0: {  	(tag) =	ssettag $0x1  }
0x1: {  	s5 =	rddreg [dreg:$0x0]  }
0x2: {  	s0 =	srdreg.scid;
	s2 =	rddreg [dreg:$0x1]  }
0x3: {  	s3 =	rddreg [dreg:$0x2];
	s6 =	sand.u32 $0x1, s0;
	s0 =	stileid.u32  }
0x4: {  	s4 =	simm.s32 $0x0;
	s13 =	simm.s32 $0x1;
	s8 =	smul.u32 $0x1400, s0  }
0x5: {  	[smem:$0x7FF] =	sst s4;
	s1 =	sshll.u32 s6, $0x4;
	s9 =	smul.u32 $0x2800, s6  }
0x6: {  	s6 =	ssub.s32 $0x2, s6;
	s31 =	sshll.u32 s0, $0x6;
	s7 =	sor.u32 s0, s1  }
0x7: {  	s1 =	rddreg [dreg:$0x3];
	_ =	strace $0x80000047;
	s30 =	sshrl.u32 s6, $0x1  }
0x8: {  	s7 =	smul.u32 $0x4E2, s7;
	s14 =	sshrl.u32 s8, $0x3;
	s9 =	sadd.s32 s9, s5  }
0x9: {  	s11 =	ssub.s32 s6, s30;
	s12 =	sadd.s32 s8, s3;
	s8 =	simm.s32 $0x2  }
0xa: {  	s10 =	sadd.s32 s14, s5;
	s15 =	sadd.s32 $0x18400, s9;
	s9 =	sor.u32 $0x1C02, s31  }
0xb: {  	s7 =	sadd.s32 s7, s5;
	s6 =	sadd.s32 $0x15C00, s10;
	s10 =	sshrl.u32 s12, $0x3  }
0xc: {  	s12 =	simm.s32 $0x50;
	s14 =	sadd.s32 s14, s15;
	s15 =	simm.s32 $0x0  }
0xd: {  	s5 =	sadd.s32 $0xBE40, s7;
	s7 =	smax.u32 s11, $0x1;
	s11 =	simm.s32 $0x2710  }
.LBB2_1:
0xe: {  	[tilespmem:s4], [sflag:$0x2] =	stream.linear.gather [hbm4b:s5+s4], $0x2710, $0x38;
	[tilespmem:$0x3D90] =	vst v63  }
0xf: {  	_ =	swait.ge [sflag:s8], $0x2710  }
0x10: {  	[sflag:s8] =	ssyncset.done $0x0  }
0x11: {  	[sflag:s8] =	ssyncadd.s32 $0xFFFFD8F0  }
0x12: {  	[spmem:s10], [sflag:s9] =	dma.local [hbm:s6], $0x280  }
0x13: {  	_ =	swait.ge [sflag:s8], $0x280  }
0x14: {  	[sflag:s8] =	ssyncset.done $0x0  }
0x15: {  	[sflag:s8] =	ssyncadd.s32 $0xFFFFFD80  }
0x16: {  	[tilespmem:s11], [sflag:$0x2] =	stream.linear.gather [hbm4b:s2+s4], $0x280, $0x38;
	[tilespmem:$0x3D90] =	vst v63  }
0x17: {  	_ =	swait.ge [sflag:s8], $0x280  }
0x18: {  	[sflag:s8] =	ssyncset.done $0x0  }
0x19: {  	p0 =	por $0x1, $0x1;
	[sflag:s8] =	ssyncadd.s32 $0xFFFFFD80  }
0x1a: {  	s18 =	simm.s32 @!p0 $0x1;
	[bflag:$0x0] =	sbarrier.arrive $0xFFFF  }
0x1b: {  	[spmem:s3] =	stream.indirect.scatter.add.f32 [tilespmem:s11], [sflag:$0x1], $0x8, s4, s12, $0xb8;
	[tilespmem:$0x3D90] =	vst v63  }
0x1c: {  	_ =	swait.ge @!p0 [sflag:s18], $0x280  }
0x1d: {  	s16 =	simm.s32 $0x1;
	s17 =	simm.s32 $0x0;
	[sflag:s18] =	ssyncset.done @!p0 $0x0  }
.LBB2_2:
0x1e: {  	[sflag:s18] =	ssyncadd.s32 @!p0 $0xFFFFFD80  }
0x1f: {  	s17 =	sadd.s32 $0x50, s17;
	s18 =	smov.u32 s16;
	s16 =	sadd.s32 $0x1, s16  }
0x20: {  	p1 =	sne.s32 s16, $0x7D  }
0x21: {  	[spmem:s3] =	stream.indirect.scatter.add.f32 [tilespmem:s11], [sflag:$0x1], $0x8, s17, s12, $0xb8;
	[tilespmem:$0x3D90] =	vst v63  }
.Ltmp0:
0x22: {  	_ = 	snop;
	(pc) =	sbr.rel @p1 .LBB2_2-.Ltmp0, $4  }
0x23: {  	p0 =	slt.u32 s18, $0x8  }
0x24: {  	s18 =	simm.s32 @!p0 $0x1  }
0x25: {  	_ =	swait.ge @!p0 [sflag:s18], $0x280  }
0x26: {  	[sflag:s18] =	ssyncset.done @!p0 $0x0  }
0x27: {  	[sflag:s18] =	ssyncadd.s32 @!p0 $0xFFFFFD80  }
0x28: {  	_ =	swait.ge [sflag:s13], $0x280  }
0x29: {  	[sflag:s13] =	ssyncset.done $0x0  }
0x2a: {  	[sflag:s13] =	ssyncadd.s32 $0xFFFFFD80  }
0x2b: {  	_ =	swait.ge [sflag:s13], $0x280  }
0x2c: {  	[sflag:s13] =	ssyncset.done $0x0  }
0x2d: {  	[sflag:s13] =	ssyncadd.s32 $0xFFFFFD80  }
0x2e: {  	_ =	swait.ge [sflag:s13], $0x280  }
0x2f: {  	[sflag:s13] =	ssyncset.done $0x0  }
0x30: {  	[sflag:s13] =	ssyncadd.s32 $0xFFFFFD80  }
0x31: {  	_ =	swait.ge [sflag:s13], $0x280  }
0x32: {  	[sflag:s13] =	ssyncset.done $0x0  }
0x33: {  	[sflag:s13] =	ssyncadd.s32 $0xFFFFFD80  }
0x34: {  	_ =	swait.ge [sflag:s13], $0x280  }
0x35: {  	[sflag:s13] =	ssyncset.done $0x0  }
0x36: {  	[sflag:s13] =	ssyncadd.s32 $0xFFFFFD80  }
0x37: {  	_ =	swait.ge [sflag:s13], $0x280  }
0x38: {  	[sflag:s13] =	ssyncset.done $0x0  }
0x39: {  	[sflag:s13] =	ssyncadd.s32 $0xFFFFFD80  }
0x3a: {  	_ =	swait.ge [sflag:s13], $0x280  }
0x3b: {  	[sflag:s13] =	ssyncset.done $0x0  }
0x3c: {  	[sflag:s13] =	ssyncadd.s32 $0xFFFFFD80  }
0x3d: {  	_ =	swait.ge [sflag:s13], $0x280  }
0x3e: {  	s15 =	sadd.s32 $0x1, s15;
	[sflag:s13] =	ssyncset.done $0x0  }
0x3f: {  	p0 =	sne.s32 s15, s7;
	[sflag:s13] =	ssyncadd.s32 $0xFFFFFD80  }
.Ltmp1:
0x40: {  	[bflag:$0x0] =	sbarrier.arrive $0xFFFF;
	(pc) =	sbr.rel @p0 .LBB2_1-.Ltmp1, $4  }
0x41: {  	[hbm:s14], [sflag:s9] =	dma.local [spmem:s10], $0x280  }
0x42: {  	_ =	swait.ge [sflag:s8], $0x280  }
0x43: {  	[sflag:s8] =	ssyncset.done $0x0  }
0x44: {  	[sflag:s8] =	ssyncadd.s32 $0xFFFFFD80  }
0x45: {  	_ =	sfence.sel $0x180000  }
0x46: {  	[bflag:$0x0] =	sbarrier.arrive $0xFFFF  }
0x47: {  	p0 =	sne.s32 s0, $0x0;
	_ =	strace $0x90000047  }
0x48: {  	s0 =	sadd.s32 @!p0 $0x100000, s1;
	[bflag:$0x2] =	sbarrier.arrive $0xFFFF  }
0x49: {  	[sflag:s0] =	ssyncadd.tile.s32 @!p0 $0x1;
	_ =	shalt  }
.Lfunc_end2:
_tile_overlayer_lowered:
.L_overlay_start_2:
0x4a: {  	(tag) =	ssettag $0x2  }
0x4b: {  	s0 =	rddreg [dreg:$0x0];
	s2 =	stileid.u32  }
0x4c: {  	s1 =	rddreg [dreg:$0x1];
	p0 =	sne.s32 s2, $0x0  }
0x4d: {  	s3 =	rddreg [dreg:$0x2];
	[bflag:$0x3] =	sbarrier.arrive $0xFFFF;
	s2 =	simm.s32 @!p0 $0x1C02  }
0x4e: {  	[timem:s3], [sflag:s2] =	dma.local @!p0 [hbm:s0], s1  }
0x4f: {  	s0 =	simm.s32 @!p0 $0x2  }
0x50: {  	_ =	swait.ge @!p0 [sflag:s0], s1  }
0x51: {  	s1 =	ssub.s32 @!p0 $0x0, s1;
	[sflag:s0] =	ssyncset.done @!p0 $0x0  }
0x52: {  	[sflag:s0] =	ssyncadd.s32 @!p0 s1  }
0x53: {  	[bflag:$0x3] =	sbarrier.arrive $0xFFFF  }
0x54: {  	_ =	shalt  }

</sc_bundles>
